<compile_context>
chip_gen: v7x
topology: tpu7x:2x2x1
jax: 0.10.2.dev20260603
libtpu: 0.0.44.dev20260713+nightly
codegen_flags: <defaults>
</compile_context>

<pallas_src>
import functools

import jax
import jax.numpy as jnp
from jax import lax
from jax.experimental import pallas as pl
from jax.experimental.pallas import tpu as pltpu
from jax.experimental.pallas import tpu_sc as plsc

N_NODES = 10000
D = 128
N_LAYERS = 5
E = 320000

NUM_CORES = 2
NUM_SUBCORES = 16
NUM_WORKERS = NUM_CORES * NUM_SUBCORES

CH = 128
NCH = 79
E_PAD = NUM_WORKERS * NCH * CH
ROWS_PER_SUB = 640
N_SP = NUM_SUBCORES * ROWS_PER_SUB

ROW_BLK = 1000

_mesh = plsc.VectorSubcoreMesh(core_axis_name="c", subcore_axis_name="s")


@functools.partial(
    pl.kernel,
    mesh=_mesh,
    out_type=jax.ShapeDtypeStruct((NUM_CORES, N_SP, D), jnp.float32),
    scratch_types=[
        pltpu.VMEM((CH,), jnp.int32),
        pltpu.VMEM((CH,), jnp.int32),
        pltpu.VMEM((CH,), jnp.int32),
        pltpu.VMEM((CH, D), jnp.float32),
        pltpu.VMEM_SHARED((N_SP, D), jnp.float32),
        pltpu.SemaphoreType.DMA,
    ],
)
def _segment_sum_sc(h_hbm, pk_hbm, zeros_hbm, out_hbm,
                    pair_v, src_v, dst_v, rows_v, acc_sh, sem):
    cid = lax.axis_index("c")
    sid = lax.axis_index("s")
    wid = sid * NUM_CORES + cid

    pltpu.sync_copy(zeros_hbm, acc_sh.at[pl.ds(sid * ROWS_PER_SUB, ROWS_PER_SUB)])
    plsc.subcore_barrier()

    base = wid * (NCH * CH)

    @pl.loop(0, NCH)
    def _(i):
        pltpu.sync_copy(pk_hbm.at[pl.ds(base + i * CH, CH)], pair_v)
        for k in range(CH // 16):
            v = pair_v[pl.ds(k * 16, 16)]
            src_v[pl.ds(k * 16, 16)] = jnp.bitwise_and(v, 0xFFFF)
            dst_v[pl.ds(k * 16, 16)] = jnp.right_shift(v, 16)
        pltpu.async_copy(h_hbm.at[src_v], rows_v, sem).wait()
        pltpu.sync_copy(rows_v, acc_sh.at[dst_v], add=True)

    plsc.subcore_barrier()
    pltpu.sync_copy(
        acc_sh.at[pl.ds(sid * ROWS_PER_SUB, ROWS_PER_SUB)],
        out_hbm.at[cid, pl.ds(sid * ROWS_PER_SUB, ROWS_PER_SUB)],
    )


def _encoder_body(x_ref, w_ref, b_ref, o_ref):
    acc = jnp.dot(x_ref[...], w_ref[...], preferred_element_type=jnp.float32)
    o_ref[...] = jnp.maximum(acc + b_ref[...], 0.0)


def _encoder(x, W, b):
    return pl.pallas_call(
        _encoder_body,
        grid=(N_NODES // ROW_BLK,),
        in_specs=[
            pl.BlockSpec((ROW_BLK, D), lambda i: (i, 0)),
            pl.BlockSpec((D, D), lambda i: (0, 0)),
            pl.BlockSpec((1, D), lambda i: (0, 0)),
        ],
        out_specs=pl.BlockSpec((ROW_BLK, D), lambda i: (i, 0)),
        out_shape=jax.ShapeDtypeStruct((N_NODES, D), jnp.float32),
    )(x, W, b.reshape(1, D))


def _gin_mlp_body(relu_out, h_ref, p_ref, s_ref, w1_ref, b1_ref, w2_ref, b2_ref, o_ref):
    z = s_ref[0, 0] * h_ref[...] + p_ref[0] + p_ref[1]
    t = jnp.dot(z, w1_ref[...], preferred_element_type=jnp.float32) + b1_ref[...]
    t = jnp.maximum(t, 0.0)
    o = jnp.dot(t, w2_ref[...], preferred_element_type=jnp.float32) + b2_ref[...]
    if relu_out:
        o = jnp.maximum(o, 0.0)
    o_ref[...] = o


def _gin_mlp(relu_out, h, parts, scale, W1l, b1l, W2l, b2l):
    return pl.pallas_call(
        functools.partial(_gin_mlp_body, relu_out),
        grid=(N_NODES // ROW_BLK,),
        in_specs=[
            pl.BlockSpec((ROW_BLK, D), lambda i: (i, 0)),
            pl.BlockSpec((NUM_CORES, ROW_BLK, D), lambda i: (0, i, 0)),
            pl.BlockSpec((1, 1), lambda i: (0, 0)),
            pl.BlockSpec((D, D), lambda i: (0, 0)),
            pl.BlockSpec((1, D), lambda i: (0, 0)),
            pl.BlockSpec((D, D), lambda i: (0, 0)),
            pl.BlockSpec((1, D), lambda i: (0, 0)),
        ],
        out_specs=pl.BlockSpec((ROW_BLK, D), lambda i: (i, 0)),
        out_shape=jax.ShapeDtypeStruct((N_NODES, D), jnp.float32),
    )(h, parts, scale, W1l, b1l.reshape(1, D), W2l, b2l.reshape(1, D))


def kernel(x, edge_index, W_enc, b_enc, eps, W1, b1, W2, b2):
    src = edge_index[0]
    dst = edge_index[1]
    pad = E_PAD - E
    src_p = jnp.concatenate([src, jnp.zeros((pad,), jnp.int32)])
    dst_p = jnp.concatenate([dst, jnp.full((pad,), N_NODES, jnp.int32)])
    packed = jnp.bitwise_or(src_p, jnp.left_shift(dst_p, 16))
    zeros_blk = jnp.zeros((ROWS_PER_SUB, D), jnp.float32)

    h = _encoder(x, W_enc, b_enc)
    for l in range(N_LAYERS):
        parts = _segment_sum_sc(h, packed, zeros_blk)
        scale = (1.0 + eps[l]).reshape(1, 1)
        h = _gin_mlp(l < N_LAYERS - 1, h, parts, scale, W1[l], b1[l], W2[l], b2[l])
    return h

# --- scband reference (transcript-rebuilt; emitter-appended) ---
"""Pipeline reference for scband-pretrainable-gnn-74337293959688 (READ-ONLY COPY).

The authoritative reference and input builder live on the scoring server;
editing this copy changes nothing except your own understanding.
"""

import jax, jax.numpy as jnp
import numpy as np

N_NODES = 10000
N_EDGES = 320000
D_FEAT = 128
HIDDEN = 128
N_LAYERS = 5


def setup_inputs(seed: int = 0) -> dict:
    key = jax.random.key(seed)
    ks = jax.random.split(key, 10)
    x = jax.random.normal(ks[0], (N_NODES, D_FEAT), dtype=jnp.float32)
    edge_index = jax.random.randint(ks[1], (2, N_EDGES), 0, N_NODES, dtype=jnp.int32)
    # InputEncoder params: Linear(D_FEAT -> HIDDEN) + ReLU
    W_enc = jax.random.normal(ks[2], (D_FEAT, HIDDEN), dtype=jnp.float32) * 0.05
    b_enc = jnp.zeros((HIDDEN,), dtype=jnp.float32)
    # GIN backbone params: per layer eps and 2-layer MLP (HIDDEN->HIDDEN->HIDDEN)
    eps = jnp.zeros((N_LAYERS,), dtype=jnp.float32)
    W1 = jax.random.normal(ks[3], (N_LAYERS, HIDDEN, HIDDEN), dtype=jnp.float32) * 0.05
    b1 = jnp.zeros((N_LAYERS, HIDDEN), dtype=jnp.float32)
    W2 = jax.random.normal(ks[4], (N_LAYERS, HIDDEN, HIDDEN), dtype=jnp.float32) * 0.05
    b2 = jnp.zeros((N_LAYERS, HIDDEN), dtype=jnp.float32)
    return {"x": x, "edge_index": edge_index, "W_enc": W_enc, "b_enc": b_enc,
            "eps": eps, "W1": W1, "b1": b1, "W2": W2, "b2": b2}


def reference(x, edge_index, W_enc, b_enc, eps, W1, b1, W2, b2):
    # forward(batch, domain_name): h_0 = input_encoders[domain](batch.x); gnn_backbone(h_0, edge_index)
    h = jax.nn.relu(jnp.dot(x, W_enc) + b_enc)
    src = edge_index[0]
    dst = edge_index[1]
    for l in range(N_LAYERS):
        # GINConv: MLP((1 + eps) * h + sum_{j in N(i)} h_j)
        msgs = jnp.take(h, src, axis=0)
        agg = jax.ops.segment_sum(msgs, dst, num_segments=N_NODES)
        z = (1.0 + eps[l]) * h + agg
        z = jax.nn.relu(jnp.dot(z, W1[l]) + b1[l])
        h = jnp.dot(z, W2[l]) + b2[l]
        if l < N_LAYERS - 1:
            h = jax.nn.relu(h)
    return h

if __name__ == "__main__":
    import jax
    _d = setup_inputs()
    print(jax.jit(kernel)(*tuple(_d.values())))

</pallas_src>

<mosaic_0001>
#map = affine_map<(d0, d1) -> (0, 0)>
#map1 = affine_map<(d0, d1) -> (0)>
#map2 = affine_map<(d0, d1) -> (0, 0, 0)>
module attributes {stable_mosaic.version = 14 : i64} {
  func.func @_segment_sum_sc(%arg0: i32, %arg1: i32, %arg2: memref<10000x128xf32, #tpu.memory_space<hbm>>, %arg3: memref<323584xi32, #tpu.memory_space<hbm>>, %arg4: memref<640x128xf32, #tpu.memory_space<hbm>>, %arg5: memref<2x10240x128xf32, #tpu.memory_space<hbm>>, %arg6: memref<128xi32, #tpu.memory_space<vmem>>, %arg7: memref<128xi32, #tpu.memory_space<vmem>>, %arg8: memref<128xi32, #tpu.memory_space<vmem>>, %arg9: memref<128x128xf32, #tpu.memory_space<vmem>>, %arg10: memref<10240x128xf32, #tpu.memory_space<vmem_shared>>, %arg11: memref<!tpu.dma_semaphore, #tpu.memory_space<semaphore_mem>>) attributes {dimension_semantics = [#tpu.dimension_semantics<core_parallel>, #tpu.dimension_semantics<subcore_parallel>], iteration_bounds = array<i64: 2, 16>, scalar_prefetch = 0 : i64, scratch_operands = 6 : i64, tpu.core_type = #tpu.core_type<sc_vector_subcore>, window_params = [{transform_indices = #map}, {transform_indices = #map1}, {transform_indices = #map}, {transform_indices = #map2}]} {
    %mul3A = arith.constant 2 : i32
    %mul3A_0 = arith.muli %arg1, %mul3A : i32
    %add3A = arith.addi %mul3A_0, %arg0 : i32
    %mul3A_1 = arith.constant 640 : i32
    %mul3A_2 = arith.muli %arg1, %mul3A_1 : i32
    "tpu.region"() ({
      %run_scoped3A = tpu.sem_alloc : memref<!tpu.dma_semaphore, #tpu.memory_space<semaphore_mem>>
      %dma_start3A = arith.constant 0 : i32
      %dma_start3A_14 = tpu.memref_slice %arg10[%mul3A_2, %dma_start3A] : memref<10240x128xf32, #tpu.memory_space<vmem_shared>> -> memref<640x128xf32, #tpu.memory_space<vmem_shared>>
      tpu.enqueue_dma source(%arg4 : memref<640x128xf32, #tpu.memory_space<hbm>>) target(%dma_start3A_14 : memref<640x128xf32, #tpu.memory_space<vmem_shared>>) target_semaphore(%run_scoped3A : memref<!tpu.dma_semaphore, #tpu.memory_space<semaphore_mem>>)
      %dma_wait3A = arith.constant 0 : i32
      %dma_wait3A_15 = tpu.memref_slice %arg10[%mul3A_2, %dma_wait3A] : memref<10240x128xf32, #tpu.memory_space<vmem_shared>> -> memref<640x128xf32, #tpu.memory_space<vmem_shared>>
      tpu.wait_dma2 semaphore(%run_scoped3A : memref<!tpu.dma_semaphore, #tpu.memory_space<semaphore_mem>>) src(%arg4 : memref<640x128xf32, #tpu.memory_space<hbm>>) dst(%dma_wait3A_15 : memref<640x128xf32, #tpu.memory_space<vmem_shared>>)
      tpu.yield
    }) : () -> ()
    %barrier3A = arith.constant 0 : index
    tpu.barrier barrier_id(%barrier3A)
    %mul3A_3 = arith.constant 10112 : i32
    %mul3A_4 = arith.muli %add3A, %mul3A_3 : i32
    %scan3A = arith.constant 0 : i32
    %scan3A_5 = arith.constant 79 : i32
    %scan3A_6 = arith.addi %scan3A, %scan3A_5 : i32
    %scan3A_7 = arith.constant 1 : i32
    scf.for %scan3A_14 = %scan3A to %scan3A_6 step %scan3A_7  : i32 {
      %mul3A_15 = arith.constant 1 : i32
      %mul3A_16 = arith.muli %scan3A_14, %mul3A_15 : i32
      %add3A_17 = arith.constant 0 : i32
      %add3A_18 = arith.addi %add3A_17, %mul3A_16 : i32
      %mul3A_19 = arith.constant 128 : i32
      %mul3A_20 = arith.muli %add3A_18, %mul3A_19 : i32
      %add3A_21 = arith.addi %mul3A_4, %mul3A_20 : i32
      "tpu.region"() ({
        %run_scoped3A = tpu.sem_alloc : memref<!tpu.dma_semaphore, #tpu.memory_space<semaphore_mem>>
        %dma_start3A_158 = tpu.memref_slice %arg3[%add3A_21] : memref<323584xi32, #tpu.memory_space<hbm>> -> memref<128xi32, #tpu.memory_space<hbm>>
        %dma_start3A_159 = tpu.memref_slice %arg3[%add3A_21] : memref<323584xi32, #tpu.memory_space<hbm>> -> memref<128xi32, #tpu.memory_space<hbm>>
        tpu.enqueue_dma source(%dma_start3A_159 : memref<128xi32, #tpu.memory_space<hbm>>) target(%arg6 : memref<128xi32, #tpu.memory_space<vmem>>) target_semaphore(%run_scoped3A : memref<!tpu.dma_semaphore, #tpu.memory_space<semaphore_mem>>)
        %dma_wait3A_160 = tpu.memref_slice %arg3[%add3A_21] : memref<323584xi32, #tpu.memory_space<hbm>> -> memref<128xi32, #tpu.memory_space<hbm>>
        %dma_wait3A_161 = tpu.memref_slice %arg3[%add3A_21] : memref<323584xi32, #tpu.memory_space<hbm>> -> memref<128xi32, #tpu.memory_space<hbm>>
        tpu.wait_dma2 semaphore(%run_scoped3A : memref<!tpu.dma_semaphore, #tpu.memory_space<semaphore_mem>>) src(%dma_wait3A_161 : memref<128xi32, #tpu.memory_space<hbm>>) dst(%arg6 : memref<128xi32, #tpu.memory_space<vmem>>)
        tpu.yield
      }) : () -> ()
      %get3A = arith.constant 0 : index
      %get3A_22 = tpu.vector_load %arg6[%get3A] {strides = array<i32>} : memref<128xi32, #tpu.memory_space<vmem>>, vector<16xi32>,
      %get3A_23 = vector.shape_cast %get3A_22 : vector<16xi32> to vector<16xi32>
      %and3A = arith.constant 65535 : i32
      %and3A_24 = vector.broadcast %and3A : i32 to vector<16xi32>
      %and3A_25 = arith.andi %get3A_23, %and3A_24 : vector<16xi32>
      %swap3A = arith.constant 0 : index
      %swap3A_26 = tpu.vector_load %arg7[%swap3A] {strides = array<i32>} : memref<128xi32, #tpu.memory_space<vmem>>, vector<16xi32>,
      %swap3A_27 = vector.shape_cast %swap3A_26 : vector<16xi32> to vector<16xi32>
      %swap3A_28 = vector.shape_cast %and3A_25 : vector<16xi32> to vector<16xi32>
      tpu.vector_store %arg7[%swap3A], %swap3A_28 {strides = array<i32>} : memref<128xi32, #tpu.memory_space<vmem>>, vector<16xi32>,
      %shift_right_arithmetic3A = arith.constant 16 : i32
      %shift_right_arithmetic3A_29 = vector.broadcast %shift_right_arithmetic3A : i32 to vector<16xi32>
      %shift_right_arithmetic3A_30 = arith.shrsi %get3A_23, %shift_right_arithmetic3A_29 : vector<16xi32>
      %swap3A_31 = arith.constant 0 : index
      %swap3A_32 = tpu.vector_load %arg8[%swap3A_31] {strides = array<i32>} : memref<128xi32, #tpu.memory_space<vmem>>, vector<16xi32>,
      %swap3A_33 = vector.shape_cast %swap3A_32 : vector<16xi32> to vector<16xi32>
      %swap3A_34 = vector.shape_cast %shift_right_arithmetic3A_30 : vector<16xi32> to vector<16xi32>
      tpu.vector_store %arg8[%swap3A_31], %swap3A_34 {strides = array<i32>} : memref<128xi32, #tpu.memory_space<vmem>>, vector<16xi32>,
      %get3A_35 = arith.constant 16 : index
      %get3A_36 = tpu.vector_load %arg6[%get3A_35] {strides = array<i32>} : memref<128xi32, #tpu.memory_space<vmem>>, vector<16xi32>,
      %get3A_37 = vector.shape_cast %get3A_36 : vector<16xi32> to vector<16xi32>
      %and3A_38 = arith.constant 65535 : i32
      %and3A_39 = vector.broadcast %and3A_38 : i32 to vector<16xi32>
      %and3A_40 = arith.andi %get3A_37, %and3A_39 : vector<16xi32>
      %swap3A_41 = arith.constant 16 : index
      %swap3A_42 = tpu.vector_load %arg7[%swap3A_41] {strides = array<i32>} : memref<128xi32, #tpu.memory_space<vmem>>, vector<16xi32>,
      %swap3A_43 = vector.shape_cast %swap3A_42 : vector<16xi32> to vector<16xi32>
      %swap3A_44 = vector.shape_cast %and3A_40 : vector<16xi32> to vector<16xi32>
      tpu.vector_store %arg7[%swap3A_41], %swap3A_44 {strides = array<i32>} : memref<128xi32, #tpu.memory_space<vmem>>, vector<16xi32>,
      %shift_right_arithmetic3A_45 = arith.constant 16 : i32
      %shift_right_arithmetic3A_46 = vector.broadcast %shift_right_arithmetic3A_45 : i32 to vector<16xi32>
      %shift_right_arithmetic3A_47 = arith.shrsi %get3A_37, %shift_right_arithmetic3A_46 : vector<16xi32>
      %swap3A_48 = arith.constant 16 : index
      %swap3A_49 = tpu.vector_load %arg8[%swap3A_48] {strides = array<i32>} : memref<128xi32, #tpu.memory_space<vmem>>, vector<16xi32>,
      %swap3A_50 = vector.shape_cast %swap3A_49 : vector<16xi32> to vector<16xi32>
      %swap3A_51 = vector.shape_cast %shift_right_arithmetic3A_47 : vector<16xi32> to vector<16xi32>
      tpu.vector_store %arg8[%swap3A_48], %swap3A_51 {strides = array<i32>} : memref<128xi32, #tpu.memory_space<vmem>>, vector<16xi32>,
      %get3A_52 = arith.constant 32 : index
      %get3A_53 = tpu.vector_load %arg6[%get3A_52] {strides = array<i32>} : memref<128xi32, #tpu.memory_space<vmem>>, vector<16xi32>,
      %get3A_54 = vector.shape_cast %get3A_53 : vector<16xi32> to vector<16xi32>
      %and3A_55 = arith.constant 65535 : i32
      %and3A_56 = vector.broadcast %and3A_55 : i32 to vector<16xi32>
      %and3A_57 = arith.andi %get3A_54, %and3A_56 : vector<16xi32>
      %swap3A_58 = arith.constant 32 : index
      %swap3A_59 = tpu.vector_load %arg7[%swap3A_58] {strides = array<i32>} : memref<128xi32, #tpu.memory_space<vmem>>, vector<16xi32>,
      %swap3A_60 = vector.shape_cast %swap3A_59 : vector<16xi32> to vector<16xi32>
      %swap3A_61 = vector.shape_cast %and3A_57 : vector<16xi32> to vector<16xi32>
      tpu.vector_store %arg7[%swap3A_58], %swap3A_61 {strides = array<i32>} : memref<128xi32, #tpu.memory_space<vmem>>, vector<16xi32>,
      %shift_right_arithmetic3A_62 = arith.constant 16 : i32
      %shift_right_arithmetic3A_63 = vector.broadcast %shift_right_arithmetic3A_62 : i32 to vector<16xi32>
      %shift_right_arithmetic3A_64 = arith.shrsi %get3A_54, %shift_right_arithmetic3A_63 : vector<16xi32>
      %swap3A_65 = arith.constant 32 : index
      %swap3A_66 = tpu.vector_load %arg8[%swap3A_65] {strides = array<i32>} : memref<128xi32, #tpu.memory_space<vmem>>, vector<16xi32>,
      %swap3A_67 = vector.shape_cast %swap3A_66 : vector<16xi32> to vector<16xi32>
      %swap3A_68 = vector.shape_cast %shift_right_arithmetic3A_64 : vector<16xi32> to vector<16xi32>
      tpu.vector_store %arg8[%swap3A_65], %swap3A_68 {strides = array<i32>} : memref<128xi32, #tpu.memory_space<vmem>>, vector<16xi32>,
      %get3A_69 = arith.constant 48 : index
      %get3A_70 = tpu.vector_load %arg6[%get3A_69] {strides = array<i32>} : memref<128xi32, #tpu.memory_space<vmem>>, vector<16xi32>,
      %get3A_71 = vector.shape_cast %get3A_70 : vector<16xi32> to vector<16xi32>
      %and3A_72 = arith.constant 65535 : i32
      %and3A_73 = vector.broadcast %and3A_72 : i32 to vector<16xi32>
      %and3A_74 = arith.andi %get3A_71, %and3A_73 : vector<16xi32>
      %swap3A_75 = arith.constant 48 : index
      %swap3A_76 = tpu.vector_load %arg7[%swap3A_75] {strides = array<i32>} : memref<128xi32, #tpu.memory_space<vmem>>, vector<16xi32>,
      %swap3A_77 = vector.shape_cast %swap3A_76 : vector<16xi32> to vector<16xi32>
      %swap3A_78 = vector.shape_cast %and3A_74 : vector<16xi32> to vector<16xi32>
      tpu.vector_store %arg7[%swap3A_75], %swap3A_78 {strides = array<i32>} : memref<128xi32, #tpu.memory_space<vmem>>, vector<16xi32>,
      %shift_right_arithmetic3A_79 = arith.constant 16 : i32
      %shift_right_arithmetic3A_80 = vector.broadcast %shift_right_arithmetic3A_79 : i32 to vector<16xi32>
      %shift_right_arithmetic3A_81 = arith.shrsi %get3A_71, %shift_right_arithmetic3A_80 : vector<16xi32>
      %swap3A_82 = arith.constant 48 : index
      %swap3A_83 = tpu.vector_load %arg8[%swap3A_82] {strides = array<i32>} : memref<128xi32, #tpu.memory_space<vmem>>, vector<16xi32>,
      %swap3A_84 = vector.shape_cast %swap3A_83 : vector<16xi32> to vector<16xi32>
      %swap3A_85 = vector.shape_cast %shift_right_arithmetic3A_81 : vector<16xi32> to vector<16xi32>
      tpu.vector_store %arg8[%swap3A_82], %swap3A_85 {strides = array<i32>} : memref<128xi32, #tpu.memory_space<vmem>>, vector<16xi32>,
      %get3A_86 = arith.constant 64 : index
      %get3A_87 = tpu.vector_load %arg6[%get3A_86] {strides = array<i32>} : memref<128xi32, #tpu.memory_space<vmem>>, vector<16xi32>,
      %get3A_88 = vector.shape_cast %get3A_87 : vector<16xi32> to vector<16xi32>
      %and3A_89 = arith.constant 65535 : i32
      %and3A_90 = vector.broadcast %and3A_89 : i32 to vector<16xi32>
      %and3A_91 = arith.andi %get3A_88, %and3A_90 : vector<16xi32>
      %swap3A_92 = arith.constant 64 : index
      %swap3A_93 = tpu.vector_load %arg7[%swap3A_92] {strides = array<i32>} : memref<128xi32, #tpu.memory_space<vmem>>, vector<16xi32>,
      %swap3A_94 = vector.shape_cast %swap3A_93 : vector<16xi32> to vector<16xi32>
      %swap3A_95 = vector.shape_cast %and3A_91 : vector<16xi32> to vector<16xi32>
      tpu.vector_store %arg7[%swap3A_92], %swap3A_95 {strides = array<i32>} : memref<128xi32, #tpu.memory_space<vmem>>, vector<16xi32>,
      %shift_right_arithmetic3A_96 = arith.constant 16 : i32
      %shift_right_arithmetic3A_97 = vector.broadcast %shift_right_arithmetic3A_96 : i32 to vector<16xi32>
      %shift_right_arithmetic3A_98 = arith.shrsi %get3A_88, %shift_right_arithmetic3A_97 : vector<16xi32>
      %swap3A_99 = arith.constant 64 : index
      %swap3A_100 = tpu.vector_load %arg8[%swap3A_99] {strides = array<i32>} : memref<128xi32, #tpu.memory_space<vmem>>, vector<16xi32>,
      %swap3A_101 = vector.shape_cast %swap3A_100 : vector<16xi32> to vector<16xi32>
      %swap3A_102 = vector.shape_cast %shift_right_arithmetic3A_98 : vector<16xi32> to vector<16xi32>
      tpu.vector_store %arg8[%swap3A_99], %swap3A_102 {strides = array<i32>} : memref<128xi32, #tpu.memory_space<vmem>>, vector<16xi32>,
      %get3A_103 = arith.constant 80 : index
      %get3A_104 = tpu.vector_load %arg6[%get3A_103] {strides = array<i32>} : memref<128xi32, #tpu.memory_space<vmem>>, vector<16xi32>,
      %get3A_105 = vector.shape_cast %get3A_104 : vector<16xi32> to vector<16xi32>
      %and3A_106 = arith.constant 65535 : i32
      %and3A_107 = vector.broadcast %and3A_106 : i32 to vector<16xi32>
      %and3A_108 = arith.andi %get3A_105, %and3A_107 : vector<16xi32>
      %swap3A_109 = arith.constant 80 : index
      %swap3A_110 = tpu.vector_load %arg7[%swap3A_109] {strides = array<i32>} : memref<128xi32, #tpu.memory_space<vmem>>, vector<16xi32>,
      %swap3A_111 = vector.shape_cast %swap3A_110 : vector<16xi32> to vector<16xi32>
      %swap3A_112 = vector.shape_cast %and3A_108 : vector<16xi32> to vector<16xi32>
      tpu.vector_store %arg7[%swap3A_109], %swap3A_112 {strides = array<i32>} : memref<128xi32, #tpu.memory_space<vmem>>, vector<16xi32>,
      %shift_right_arithmetic3A_113 = arith.constant 16 : i32
      %shift_right_arithmetic3A_114 = vector.broadcast %shift_right_arithmetic3A_113 : i32 to vector<16xi32>
      %shift_right_arithmetic3A_115 = arith.shrsi %get3A_105, %shift_right_arithmetic3A_114 : vector<16xi32>
      %swap3A_116 = arith.constant 80 : index
      %swap3A_117 = tpu.vector_load %arg8[%swap3A_116] {strides = array<i32>} : memref<128xi32, #tpu.memory_space<vmem>>, vector<16xi32>,
      %swap3A_118 = vector.shape_cast %swap3A_117 : vector<16xi32> to vector<16xi32>
      %swap3A_119 = vector.shape_cast %shift_right_arithmetic3A_115 : vector<16xi32> to vector<16xi32>
      tpu.vector_store %arg8[%swap3A_116], %swap3A_119 {strides = array<i32>} : memref<128xi32, #tpu.memory_space<vmem>>, vector<16xi32>,
      %get3A_120 = arith.constant 96 : index
      %get3A_121 = tpu.vector_load %arg6[%get3A_120] {strides = array<i32>} : memref<128xi32, #tpu.memory_space<vmem>>, vector<16xi32>,
      %get3A_122 = vector.shape_cast %get3A_121 : vector<16xi32> to vector<16xi32>
      %and3A_123 = arith.constant 65535 : i32
      %and3A_124 = vector.broadcast %and3A_123 : i32 to vector<16xi32>
      %and3A_125 = arith.andi %get3A_122, %and3A_124 : vector<16xi32>
      %swap3A_126 = arith.constant 96 : index
      %swap3A_127 = tpu.vector_load %arg7[%swap3A_126] {strides = array<i32>} : memref<128xi32, #tpu.memory_space<vmem>>, vector<16xi32>,
      %swap3A_128 = vector.shape_cast %swap3A_127 : vector<16xi32> to vector<16xi32>
      %swap3A_129 = vector.shape_cast %and3A_125 : vector<16xi32> to vector<16xi32>
      tpu.vector_store %arg7[%swap3A_126], %swap3A_129 {strides = array<i32>} : memref<128xi32, #tpu.memory_space<vmem>>, vector<16xi32>,
      %shift_right_arithmetic3A_130 = arith.constant 16 : i32
      %shift_right_arithmetic3A_131 = vector.broadcast %shift_right_arithmetic3A_130 : i32 to vector<16xi32>
      %shift_right_arithmetic3A_132 = arith.shrsi %get3A_122, %shift_right_arithmetic3A_131 : vector<16xi32>
      %swap3A_133 = arith.constant 96 : index
      %swap3A_134 = tpu.vector_load %arg8[%swap3A_133] {strides = array<i32>} : memref<128xi32, #tpu.memory_space<vmem>>, vector<16xi32>,
      %swap3A_135 = vector.shape_cast %swap3A_134 : vector<16xi32> to vector<16xi32>
      %swap3A_136 = vector.shape_cast %shift_right_arithmetic3A_132 : vector<16xi32> to vector<16xi32>
      tpu.vector_store %arg8[%swap3A_133], %swap3A_136 {strides = array<i32>} : memref<128xi32, #tpu.memory_space<vmem>>, vector<16xi32>,
      %get3A_137 = arith.constant 112 : index
      %get3A_138 = tpu.vector_load %arg6[%get3A_137] {strides = array<i32>} : memref<128xi32, #tpu.memory_space<vmem>>, vector<16xi32>,
      %get3A_139 = vector.shape_cast %get3A_138 : vector<16xi32> to vector<16xi32>
      %and3A_140 = arith.constant 65535 : i32
      %and3A_141 = vector.broadcast %and3A_140 : i32 to vector<16xi32>
      %and3A_142 = arith.andi %get3A_139, %and3A_141 : vector<16xi32>
      %swap3A_143 = arith.constant 112 : index
      %swap3A_144 = tpu.vector_load %arg7[%swap3A_143] {strides = array<i32>} : memref<128xi32, #tpu.memory_space<vmem>>, vector<16xi32>,
      %swap3A_145 = vector.shape_cast %swap3A_144 : vector<16xi32> to vector<16xi32>
      %swap3A_146 = vector.shape_cast %and3A_142 : vector<16xi32> to vector<16xi32>
      tpu.vector_store %arg7[%swap3A_143], %swap3A_146 {strides = array<i32>} : memref<128xi32, #tpu.memory_space<vmem>>, vector<16xi32>,
      %shift_right_arithmetic3A_147 = arith.constant 16 : i32
      %shift_right_arithmetic3A_148 = vector.broadcast %shift_right_arithmetic3A_147 : i32 to vector<16xi32>
      %shift_right_arithmetic3A_149 = arith.shrsi %get3A_139, %shift_right_arithmetic3A_148 : vector<16xi32>
      %swap3A_150 = arith.constant 112 : index
      %swap3A_151 = tpu.vector_load %arg8[%swap3A_150] {strides = array<i32>} : memref<128xi32, #tpu.memory_space<vmem>>, vector<16xi32>,
      %swap3A_152 = vector.shape_cast %swap3A_151 : vector<16xi32> to vector<16xi32>
      %swap3A_153 = vector.shape_cast %shift_right_arithmetic3A_149 : vector<16xi32> to vector<16xi32>
      tpu.vector_store %arg8[%swap3A_150], %swap3A_153 {strides = array<i32>} : memref<128xi32, #tpu.memory_space<vmem>>, vector<16xi32>,
      %dma_start3A = arith.constant 0 : i32
      %dma_start3A_154 = arith.constant 0 : i32
      %dma_start3A_155 = tpu.memref_slice %arg2[%dma_start3A, %dma_start3A_154] : memref<10000x128xf32, #tpu.memory_space<hbm>> -> memref<10000x128xf32, #tpu.memory_space<hbm>>
      tpu.enqueue_indirect_dma source(%dma_start3A_155 : memref<10000x128xf32, #tpu.memory_space<hbm>>) target(%arg9 : memref<128x128xf32, #tpu.memory_space<vmem>>) offsets(%arg7 : memref<128xi32, #tpu.memory_space<vmem>>) semaphore(%arg11 : memref<!tpu.dma_semaphore, #tpu.memory_space<semaphore_mem>>)
      %dma_wait3A = arith.constant 0 : i32
      %dma_wait3A_156 = arith.constant 0 : i32
      %dma_wait3A_157 = tpu.memref_slice %arg2[%dma_wait3A, %dma_wait3A_156] : memref<10000x128xf32, #tpu.memory_space<hbm>> -> memref<10000x128xf32, #tpu.memory_space<hbm>>
      tpu.wait_indirect_dma semaphore(%arg11 : memref<!tpu.dma_semaphore, #tpu.memory_space<semaphore_mem>>) src(%dma_wait3A_157 : memref<10000x128xf32, #tpu.memory_space<hbm>>) dst(%arg9 : memref<128x128xf32, #tpu.memory_space<vmem>>)
      "tpu.region"() ({
        %run_scoped3A = tpu.sem_alloc : memref<!tpu.dma_semaphore, #tpu.memory_space<semaphore_mem>>
        %dma_start3A_158 = arith.constant 0 : i32
        %dma_start3A_159 = arith.constant 0 : i32
        %dma_start3A_160 = tpu.memref_slice %arg10[%dma_start3A_158, %dma_start3A_159] : memref<10240x128xf32, #tpu.memory_space<vmem_shared>> -> memref<10240x128xf32, #tpu.memory_space<vmem_shared>>
        tpu.enqueue_indirect_dma source(%arg9 : memref<128x128xf32, #tpu.memory_space<vmem>>) target(%dma_start3A_160 : memref<10240x128xf32, #tpu.memory_space<vmem_shared>>) offsets(%arg8 : memref<128xi32, #tpu.memory_space<vmem>>) semaphore(%run_scoped3A : memref<!tpu.dma_semaphore, #tpu.memory_space<semaphore_mem>>) {add = true}
        %dma_wait3A_161 = arith.constant 0 : i32
        %dma_wait3A_162 = arith.constant 0 : i32
        %dma_wait3A_163 = tpu.memref_slice %arg10[%dma_wait3A_161, %dma_wait3A_162] : memref<10240x128xf32, #tpu.memory_space<vmem_shared>> -> memref<10240x128xf32, #tpu.memory_space<vmem_shared>>
        tpu.wait_indirect_dma semaphore(%run_scoped3A : memref<!tpu.dma_semaphore, #tpu.memory_space<semaphore_mem>>) src(%arg9 : memref<128x128xf32, #tpu.memory_space<vmem>>) dst(%dma_wait3A_163 : memref<10240x128xf32, #tpu.memory_space<vmem_shared>>)
        tpu.yield
      }) : () -> ()
    }
    %scan3A_8 = arith.constant 79 : i32
    %barrier3A_9 = arith.constant 0 : index
    tpu.barrier barrier_id(%barrier3A_9)
    %mul3A_10 = arith.constant 640 : i32
    %mul3A_11 = arith.muli %arg1, %mul3A_10 : i32
    %mul3A_12 = arith.constant 640 : i32
    %mul3A_13 = arith.muli %arg1, %mul3A_12 : i32
    "tpu.region"() ({
      %run_scoped3A = tpu.sem_alloc : memref<!tpu.dma_semaphore, #tpu.memory_space<semaphore_mem>>
      %dma_start3A = arith.constant 0 : i32
      %dma_start3A_14 = tpu.memref_slice %arg5[%arg0, %mul3A_13, %dma_start3A] : memref<2x10240x128xf32, #tpu.memory_space<hbm>> -> memref<1x640x128xf32, #tpu.memory_space<hbm>>
      %dma_start3A_15 = tpu.memref_squeeze %dma_start3A_14 : memref<1x640x128xf32, #tpu.memory_space<hbm>> -> memref<640x128xf32, #tpu.memory_space<hbm>>
      %dma_start3A_16 = arith.constant 0 : i32
      %dma_start3A_17 = tpu.memref_slice %arg10[%mul3A_11, %dma_start3A_16] : memref<10240x128xf32, #tpu.memory_space<vmem_shared>> -> memref<640x128xf32, #tpu.memory_space<vmem_shared>>
      tpu.enqueue_dma source(%dma_start3A_17 : memref<640x128xf32, #tpu.memory_space<vmem_shared>>) target(%dma_start3A_15 : memref<640x128xf32, #tpu.memory_space<hbm>>) target_semaphore(%run_scoped3A : memref<!tpu.dma_semaphore, #tpu.memory_space<semaphore_mem>>)
      %dma_wait3A = arith.constant 0 : i32
      %dma_wait3A_18 = tpu.memref_slice %arg5[%arg0, %mul3A_13, %dma_wait3A] : memref<2x10240x128xf32, #tpu.memory_space<hbm>> -> memref<1x640x128xf32, #tpu.memory_space<hbm>>
      %dma_wait3A_19 = tpu.memref_squeeze %dma_wait3A_18 : memref<1x640x128xf32, #tpu.memory_space<hbm>> -> memref<640x128xf32, #tpu.memory_space<hbm>>
      %dma_wait3A_20 = arith.constant 0 : i32
      %dma_wait3A_21 = tpu.memref_slice %arg10[%mul3A_11, %dma_wait3A_20] : memref<10240x128xf32, #tpu.memory_space<vmem_shared>> -> memref<640x128xf32, #tpu.memory_space<vmem_shared>>
      tpu.wait_dma2 semaphore(%run_scoped3A : memref<!tpu.dma_semaphore, #tpu.memory_space<semaphore_mem>>) src(%dma_wait3A_21 : memref<640x128xf32, #tpu.memory_space<vmem_shared>>) dst(%dma_wait3A_19 : memref<640x128xf32, #tpu.memory_space<hbm>>)
      tpu.yield
    }) : () -> ()
    return
  }
}

#map = affine_map<(d0, d1) -> (0, 0)>
#map1 = affine_map<(d0, d1) -> (0)>
#map2 = affine_map<(d0, d1) -> (0, 0, 0)>
module attributes {stable_mosaic.version = 14 : i64} {
  func.func @_segment_sum_sc(%arg0: i32, %arg1: i32, %arg2: memref<10000x128xf32, #tpu.memory_space<hbm>>, %arg3: memref<323584xi32, #tpu.memory_space<hbm>>, %arg4: memref<640x128xf32, #tpu.memory_space<hbm>>, %arg5: memref<2x10240x128xf32, #tpu.memory_space<hbm>>, %arg6: memref<128xi32, #tpu.memory_space<vmem>>, %arg7: memref<128xi32, #tpu.memory_space<vmem>>, %arg8: memref<128xi32, #tpu.memory_space<vmem>>, %arg9: memref<128x128xf32, #tpu.memory_space<vmem>>, %arg10: memref<10240x128xf32, #tpu.memory_space<vmem_shared>>, %arg11: memref<!tpu.dma_semaphore, #tpu.memory_space<semaphore_mem>>) attributes {dimension_semantics = [#tpu.dimension_semantics<core_parallel>, #tpu.dimension_semantics<subcore_parallel>], iteration_bounds = array<i64: 2, 16>, scalar_prefetch = 0 : i64, scratch_operands = 6 : i64, tpu.core_type = #tpu.core_type<sc_vector_subcore>, window_params = [{transform_indices = #map}, {transform_indices = #map1}, {transform_indices = #map}, {transform_indices = #map2}]} {
    %mul3A = arith.constant 2 : i32
    %mul3A_0 = arith.muli %arg1, %mul3A : i32
    %add3A = arith.addi %mul3A_0, %arg0 : i32
    %mul3A_1 = arith.constant 640 : i32
    %mul3A_2 = arith.muli %arg1, %mul3A_1 : i32
    "tpu.region"() ({
      %run_scoped3A = tpu.sem_alloc : memref<!tpu.dma_semaphore, #tpu.memory_space<semaphore_mem>>
      %dma_start3A = arith.constant 0 : i32
      %dma_start3A_14 = tpu.memref_slice %arg10[%mul3A_2, %dma_start3A] : memref<10240x128xf32, #tpu.memory_space<vmem_shared>> -> memref<640x128xf32, #tpu.memory_space<vmem_shared>>
      tpu.enqueue_dma source(%arg4 : memref<640x128xf32, #tpu.memory_space<hbm>>) target(%dma_start3A_14 : memref<640x128xf32, #tpu.memory_space<vmem_shared>>) target_semaphore(%run_scoped3A : memref<!tpu.dma_semaphore, #tpu.memory_space<semaphore_mem>>)
      %dma_wait3A = arith.constant 0 : i32
      %dma_wait3A_15 = tpu.memref_slice %arg10[%mul3A_2, %dma_wait3A] : memref<10240x128xf32, #tpu.memory_space<vmem_shared>> -> memref<640x128xf32, #tpu.memory_space<vmem_shared>>
      tpu.wait_dma2 semaphore(%run_scoped3A : memref<!tpu.dma_semaphore, #tpu.memory_space<semaphore_mem>>) src(%arg4 : memref<640x128xf32, #tpu.memory_space<hbm>>) dst(%dma_wait3A_15 : memref<640x128xf32, #tpu.memory_space<vmem_shared>>)
      tpu.yield
    }) : () -> ()
    %barrier3A = arith.constant 0 : index
    tpu.barrier barrier_id(%barrier3A)
    %mul3A_3 = arith.constant 10112 : i32
    %mul3A_4 = arith.muli %add3A, %mul3A_3 : i32
    %scan3A = arith.constant 0 : i32
    %scan3A_5 = arith.constant 79 : i32
    %scan3A_6 = arith.addi %scan3A, %scan3A_5 : i32
    %scan3A_7 = arith.constant 1 : i32
    scf.for %scan3A_14 = %scan3A to %scan3A_6 step %scan3A_7  : i32 {
      %mul3A_15 = arith.constant 1 : i32
      %mul3A_16 = arith.muli %scan3A_14, %mul3A_15 : i32
      %add3A_17 = arith.constant 0 : i32
      %add3A_18 = arith.addi %add3A_17, %mul3A_16 : i32
      %mul3A_19 = arith.constant 128 : i32
      %mul3A_20 = arith.muli %add3A_18, %mul3A_19 : i32
      %add3A_21 = arith.addi %mul3A_4, %mul3A_20 : i32
      "tpu.region"() ({
        %run_scoped3A = tpu.sem_alloc : memref<!tpu.dma_semaphore, #tpu.memory_space<semaphore_mem>>
        %dma_start3A_158 = tpu.memref_slice %arg3[%add3A_21] : memref<323584xi32, #tpu.memory_space<hbm>> -> memref<128xi32, #tpu.memory_space<hbm>>
        %dma_start3A_159 = tpu.memref_slice %arg3[%add3A_21] : memref<323584xi32, #tpu.memory_space<hbm>> -> memref<128xi32, #tpu.memory_space<hbm>>
        tpu.enqueue_dma source(%dma_start3A_159 : memref<128xi32, #tpu.memory_space<hbm>>) target(%arg6 : memref<128xi32, #tpu.memory_space<vmem>>) target_semaphore(%run_scoped3A : memref<!tpu.dma_semaphore, #tpu.memory_space<semaphore_mem>>)
        %dma_wait3A_160 = tpu.memref_slice %arg3[%add3A_21] : memref<323584xi32, #tpu.memory_space<hbm>> -> memref<128xi32, #tpu.memory_space<hbm>>
        %dma_wait3A_161 = tpu.memref_slice %arg3[%add3A_21] : memref<323584xi32, #tpu.memory_space<hbm>> -> memref<128xi32, #tpu.memory_space<hbm>>
        tpu.wait_dma2 semaphore(%run_scoped3A : memref<!tpu.dma_semaphore, #tpu.memory_space<semaphore_mem>>) src(%dma_wait3A_161 : memref<128xi32, #tpu.memory_space<hbm>>) dst(%arg6 : memref<128xi32, #tpu.memory_space<vmem>>)
        tpu.yield
      }) : () -> ()
      %get3A = arith.constant 0 : index
      %get3A_22 = tpu.vector_load %arg6[%get3A] {strides = array<i32>} : memref<128xi32, #tpu.memory_space<vmem>>, vector<16xi32>,
      %get3A_23 = vector.shape_cast %get3A_22 : vector<16xi32> to vector<16xi32>
      %and3A = arith.constant 65535 : i32
      %and3A_24 = vector.broadcast %and3A : i32 to vector<16xi32>
      %and3A_25 = arith.andi %get3A_23, %and3A_24 : vector<16xi32>
      %swap3A = arith.constant 0 : index
      %swap3A_26 = tpu.vector_load %arg7[%swap3A] {strides = array<i32>} : memref<128xi32, #tpu.memory_space<vmem>>, vector<16xi32>,
      %swap3A_27 = vector.shape_cast %swap3A_26 : vector<16xi32> to vector<16xi32>
      %swap3A_28 = vector.shape_cast %and3A_25 : vector<16xi32> to vector<16xi32>
      tpu.vector_store %arg7[%swap3A], %swap3A_28 {strides = array<i32>} : memref<128xi32, #tpu.memory_space<vmem>>, vector<16xi32>,
      %shift_right_arithmetic3A = arith.constant 16 : i32
      %shift_right_arithmetic3A_29 = vector.broadcast %shift_right_arithmetic3A : i32 to vector<16xi32>
      %shift_right_arithmetic3A_30 = arith.shrsi %get3A_23, %shift_right_arithmetic3A_29 : vector<16xi32>
      %swap3A_31 = arith.constant 0 : index
      %swap3A_32 = tpu.vector_load %arg8[%swap3A_31] {strides = array<i32>} : memref<128xi32, #tpu.memory_space<vmem>>, vector<16xi32>,
      %swap3A_33 = vector.shape_cast %swap3A_32 : vector<16xi32> to vector<16xi32>
      %swap3A_34 = vector.shape_cast %shift_right_arithmetic3A_30 : vector<16xi32> to vector<16xi32>
      tpu.vector_store %arg8[%swap3A_31], %swap3A_34 {strides = array<i32>} : memref<128xi32, #tpu.memory_space<vmem>>, vector<16xi32>,
      %get3A_35 = arith.constant 16 : index
      %get3A_36 = tpu.vector_load %arg6[%get3A_35] {strides = array<i32>} : memref<128xi32, #tpu.memory_space<vmem>>, vector<16xi32>,
      %get3A_37 = vector.shape_cast %get3A_36 : vector<16xi32> to vector<16xi32>
      %and3A_38 = arith.constant 65535 : i32
      %and3A_39 = vector.broadcast %and3A_38 : i32 to vector<16xi32>
      %and3A_40 = arith.andi %get3A_37, %and3A_39 : vector<16xi32>
      %swap3A_41 = arith.constant 16 : index
      %swap3A_42 = tpu.vector_load %arg7[%swap3A_41] {strides = array<i32>} : memref<128xi32, #tpu.memory_space<vmem>>, vector<16xi32>,
      %swap3A_43 = vector.shape_cast %swap3A_42 : vector<16xi32> to vector<16xi32>
      %swap3A_44 = vector.shape_cast %and3A_40 : vector<16xi32> to vector<16xi32>
      tpu.vector_store %arg7[%swap3A_41], %swap3A_44 {strides = array<i32>} : memref<128xi32, #tpu.memory_space<vmem>>, vector<16xi32>,
      %shift_right_arithmetic3A_45 = arith.constant 16 : i32
      %shift_right_arithmetic3A_46 = vector.broadcast %shift_right_arithmetic3A_45 : i32 to vector<16xi32>
      %shift_right_arithmetic3A_47 = arith.shrsi %get3A_37, %shift_right_arithmetic3A_46 : vector<16xi32>
      %swap3A_48 = arith.constant 16 : index
      %swap3A_49 = tpu.vector_load %arg8[%swap3A_48] {strides = array<i32>} : memref<128xi32, #tpu.memory_space<vmem>>, vector<16xi32>,
      %swap3A_50 = vector.shape_cast %swap3A_49 : vector<16xi32> to vector<16xi32>
      %swap3A_51 = vector.shape_cast %shift_right_arithmetic3A_47 : vector<16xi32> to vector<16xi32>
      tpu.vector_store %arg8[%swap3A_48], %swap3A_51 {strides = array<i32>} : memref<128xi32, #tpu.memory_space<vmem>>, vector<16xi32>,
      %get3A_52 = arith.constant 32 : index
      %get3A_53 = tpu.vector_load %arg6[%get3A_52] {strides = array<i32>} : memref<128xi32, #tpu.memory_space<vmem>>, vector<16xi32>,
      %get3A_54 = vector.shape_cast %get3A_53 : vector<16xi32> to vector<16xi32>
      %and3A_55 = arith.constant 65535 : i32
      %and3A_56 = vector.broadcast %and3A_55 : i32 to vector<16xi32>
      %and3A_57 = arith.andi %get3A_54, %and3A_56 : vector<16xi32>
      %swap3A_58 = arith.constant 32 : index
      %swap3A_59 = tpu.vector_load %arg7[%swap3A_58] {strides = array<i32>} : memref<128xi32, #tpu.memory_space<vmem>>, vector<16xi32>,
      %swap3A_60 = vector.shape_cast %swap3A_59 : vector<16xi32> to vector<16xi32>
      %swap3A_61 = vector.shape_cast %and3A_57 : vector<16xi32> to vector<16xi32>
      tpu.vector_store %arg7[%swap3A_58], %swap3A_61 {strides = array<i32>} : memref<128xi32, #tpu.memory_space<vmem>>, vector<16xi32>,
      %shift_right_arithmetic3A_62 = arith.constant 16 : i32
      %shift_right_arithmetic3A_63 = vector.broadcast %shift_right_arithmetic3A_62 : i32 to vector<16xi32>
      %shift_right_arithmetic3A_64 = arith.shrsi %get3A_54, %shift_right_arithmetic3A_63 : vector<16xi32>
      %swap3A_65 = arith.constant 32 : index
      %swap3A_66 = tpu.vector_load %arg8[%swap3A_65] {strides = array<i32>} : memref<128xi32, #tpu.memory_space<vmem>>, vector<16xi32>,
      %swap3A_67 = vector.shape_cast %swap3A_66 : vector<16xi32> to vector<16xi32>
      %swap3A_68 = vector.shape_cast %shift_right_arithmetic3A_64 : vector<16xi32> to vector<16xi32>
      tpu.vector_store %arg8[%swap3A_65], %swap3A_68 {strides = array<i32>} : memref<128xi32, #tpu.memory_space<vmem>>, vector<16xi32>,
      %get3A_69 = arith.constant 48 : index
      %get3A_70 = tpu.vector_load %arg6[%get3A_69] {strides = array<i32>} : memref<128xi32, #tpu.memory_space<vmem>>, vector<16xi32>,
      %get3A_71 = vector.shape_cast %get3A_70 : vector<16xi32> to vector<16xi32>
      %and3A_72 = arith.constant 65535 : i32
      %and3A_73 = vector.broadcast %and3A_72 : i32 to vector<16xi32>
      %and3A_74 = arith.andi %get3A_71, %and3A_73 : vector<16xi32>
      %swap3A_75 = arith.constant 48 : index
      %swap3A_76 = tpu.vector_load %arg7[%swap3A_75] {strides = array<i32>} : memref<128xi32, #tpu.memory_space<vmem>>, vector<16xi32>,
      %swap3A_77 = vector.shape_cast %swap3A_76 : vector<16xi32> to vector<16xi32>
      %swap3A_78 = vector.shape_cast %and3A_74 : vector<16xi32> to vector<16xi32>
      tpu.vector_store %arg7[%swap3A_75], %swap3A_78 {strides = array<i32>} : memref<128xi32, #tpu.memory_space<vmem>>, vector<16xi32>,
      %shift_right_arithmetic3A_79 = arith.constant 16 : i32
      %shift_right_arithmetic3A_80 = vector.broadcast %shift_right_arithmetic3A_79 : i32 to vector<16xi32>
      %shift_right_arithmetic3A_81 = arith.shrsi %get3A_71, %shift_right_arithmetic3A_80 : vector<16xi32>
      %swap3A_82 = arith.constant 48 : index
      %swap3A_83 = tpu.vector_load %arg8[%swap3A_82] {strides = array<i32>} : memref<128xi32, #tpu.memory_space<vmem>>, vector<16xi32>,
      %swap3A_84 = vector.shape_cast %swap3A_83 : vector<16xi32> to vector<16xi32>
      %swap3A_85 = vector.shape_cast %shift_right_arithmetic3A_81 : vector<16xi32> to vector<16xi32>
      tpu.vector_store %arg8[%swap3A_82], %swap3A_85 {strides = array<i32>} : memref<128xi32, #tpu.memory_space<vmem>>, vector<16xi32>,
      %get3A_86 = arith.constant 64 : index
      %get3A_87 = tpu.vector_load %arg6[%get3A_86] {strides = array<i32>} : memref<128xi32, #tpu.memory_space<vmem>>, vector<16xi32>,
      %get3A_88 = vector.shape_cast %get3A_87 : vector<16xi32> to vector<16xi32>
      %and3A_89 = arith.constant 65535 : i32
      %and3A_90 = vector.broadcast %and3A_89 : i32 to vector<16xi32>
      %and3A_91 = arith.andi %get3A_88, %and3A_90 : vector<16xi32>
      %swap3A_92 = arith.constant 64 : index
      %swap3A_93 = tpu.vector_load %arg7[%swap3A_92] {strides = array<i32>} : memref<128xi32, #tpu.memory_space<vmem>>, vector<16xi32>,
      %swap3A_94 = vector.shape_cast %swap3A_93 : vector<16xi32> to vector<16xi32>
      %swap3A_95 = vector.shape_cast %and3A_91 : vector<16xi32> to vector<16xi32>
      tpu.vector_store %arg7[%swap3A_92], %swap3A_95 {strides = array<i32>} : memref<128xi32, #tpu.memory_space<vmem>>, vector<16xi32>,
      %shift_right_arithmetic3A_96 = arith.constant 16 : i32
      %shift_right_arithmetic3A_97 = vector.broadcast %shift_right_arithmetic3A_96 : i32 to vector<16xi32>
      %shift_right_arithmetic3A_98 = arith.shrsi %get3A_88, %shift_right_arithmetic3A_97 : vector<16xi32>
      %swap3A_99 = arith.constant 64 : index
      %swap3A_100 = tpu.vector_load %arg8[%swap3A_99] {strides = array<i32>} : memref<128xi32, #tpu.memory_space<vmem>>, vector<16xi32>,
      %swap3A_101 = vector.shape_cast %swap3A_100 : vector<16xi32> to vector<16xi32>
      %swap3A_102 = vector.shape_cast %shift_right_arithmetic3A_98 : vector<16xi32> to vector<16xi32>
      tpu.vector_store %arg8[%swap3A_99], %swap3A_102 {strides = array<i32>} : memref<128xi32, #tpu.memory_space<vmem>>, vector<16xi32>,
      %get3A_103 = arith.constant 80 : index
      %get3A_104 = tpu.vector_load %arg6[%get3A_103] {strides = array<i32>} : memref<128xi32, #tpu.memory_space<vmem>>, vector<16xi32>,
      %get3A_105 = vector.shape_cast %get3A_104 : vector<16xi32> to vector<16xi32>
      %and3A_106 = arith.constant 65535 : i32
      %and3A_107 = vector.broadcast %and3A_106 : i32 to vector<16xi32>
      %and3A_108 = arith.andi %get3A_105, %and3A_107 : vector<16xi32>
      %swap3A_109 = arith.constant 80 : index
      %swap3A_110 = tpu.vector_load %arg7[%swap3A_109] {strides = array<i32>} : memref<128xi32, #tpu.memory_space<vmem>>, vector<16xi32>,
      %swap3A_111 = vector.shape_cast %swap3A_110 : vector<16xi32> to vector<16xi32>
      %swap3A_112 = vector.shape_cast %and3A_108 : vector<16xi32> to vector<16xi32>
      tpu.vector_store %arg7[%swap3A_109], %swap3A_112 {strides = array<i32>} : memref<128xi32, #tpu.memory_space<vmem>>, vector<16xi32>,
      %shift_right_arithmetic3A_113 = arith.constant 16 : i32
      %shift_right_arithmetic3A_114 = vector.broadcast %shift_right_arithmetic3A_113 : i32 to vector<16xi32>
      %shift_right_arithmetic3A_115 = arith.shrsi %get3A_105, %shift_right_arithmetic3A_114 : vector<16xi32>
      %swap3A_116 = arith.constant 80 : index
      %swap3A_117 = tpu.vector_load %arg8[%swap3A_116] {strides = array<i32>} : memref<128xi32, #tpu.memory_space<vmem>>, vector<16xi32>,
      %swap3A_118 = vector.shape_cast %swap3A_117 : vector<16xi32> to vector<16xi32>
      %swap3A_119 = vector.shape_cast %shift_right_arithmetic3A_115 : vector<16xi32> to vector<16xi32>
      tpu.vector_store %arg8[%swap3A_116], %swap3A_119 {strides = array<i32>} : memref<128xi32, #tpu.memory_space<vmem>>, vector<16xi32>,
      %get3A_120 = arith.constant 96 : index
      %get3A_121 = tpu.vector_load %arg6[%get3A_120] {strides = array<i32>} : memref<128xi32, #tpu.memory_space<vmem>>, vector<16xi32>,
      %get3A_122 = vector.shape_cast %get3A_121 : vector<16xi32> to vector<16xi32>
      %and3A_123 = arith.constant 65535 : i32
      %and3A_124 = vector.broadcast %and3A_123 : i32 to vector<16xi32>
      %and3A_125 = arith.andi %get3A_122, %and3A_124 : vector<16xi32>
      %swap3A_126 = arith.constant 96 : index
      %swap3A_127 = tpu.vector_load %arg7[%swap3A_126] {strides = array<i32>} : memref<128xi32, #tpu.memory_space<vmem>>, vector<16xi32>,
      %swap3A_128 = vector.shape_cast %swap3A_127 : vector<16xi32> to vector<16xi32>
      %swap3A_129 = vector.shape_cast %and3A_125 : vector<16xi32> to vector<16xi32>
      tpu.vector_store %arg7[%swap3A_126], %swap3A_129 {strides = array<i32>} : memref<128xi32, #tpu.memory_space<vmem>>, vector<16xi32>,
      %shift_right_arithmetic3A_130 = arith.constant 16 : i32
      %shift_right_arithmetic3A_131 = vector.broadcast %shift_right_arithmetic3A_130 : i32 to vector<16xi32>
      %shift_right_arithmetic3A_132 = arith.shrsi %get3A_122, %shift_right_arithmetic3A_131 : vector<16xi32>
      %swap3A_133 = arith.constant 96 : index
      %swap3A_134 = tpu.vector_load %arg8[%swap3A_133] {strides = array<i32>} : memref<128xi32, #tpu.memory_space<vmem>>, vector<16xi32>,
      %swap3A_135 = vector.shape_cast %swap3A_134 : vector<16xi32> to vector<16xi32>
      %swap3A_136 = vector.shape_cast %shift_right_arithmetic3A_132 : vector<16xi32> to vector<16xi32>
      tpu.vector_store %arg8[%swap3A_133], %swap3A_136 {strides = array<i32>} : memref<128xi32, #tpu.memory_space<vmem>>, vector<16xi32>,
      %get3A_137 = arith.constant 112 : index
      %get3A_138 = tpu.vector_load %arg6[%get3A_137] {strides = array<i32>} : memref<128xi32, #tpu.memory_space<vmem>>, vector<16xi32>,
      %get3A_139 = vector.shape_cast %get3A_138 : vector<16xi32> to vector<16xi32>
      %and3A_140 = arith.constant 65535 : i32
      %and3A_141 = vector.broadcast %and3A_140 : i32 to vector<16xi32>
      %and3A_142 = arith.andi %get3A_139, %and3A_141 : vector<16xi32>
      %swap3A_143 = arith.constant 112 : index
      %swap3A_144 = tpu.vector_load %arg7[%swap3A_143] {strides = array<i32>} : memref<128xi32, #tpu.memory_space<vmem>>, vector<16xi32>,
      %swap3A_145 = vector.shape_cast %swap3A_144 : vector<16xi32> to vector<16xi32>
      %swap3A_146 = vector.shape_cast %and3A_142 : vector<16xi32> to vector<16xi32>
      tpu.vector_store %arg7[%swap3A_143], %swap3A_146 {strides = array<i32>} : memref<128xi32, #tpu.memory_space<vmem>>, vector<16xi32>,
      %shift_right_arithmetic3A_147 = arith.constant 16 : i32
      %shift_right_arithmetic3A_148 = vector.broadcast %shift_right_arithmetic3A_147 : i32 to vector<16xi32>
      %shift_right_arithmetic3A_149 = arith.shrsi %get3A_139, %shift_right_arithmetic3A_148 : vector<16xi32>
      %swap3A_150 = arith.constant 112 : index
      %swap3A_151 = tpu.vector_load %arg8[%swap3A_150] {strides = array<i32>} : memref<128xi32, #tpu.memory_space<vmem>>, vector<16xi32>,
      %swap3A_152 = vector.shape_cast %swap3A_151 : vector<16xi32> to vector<16xi32>
      %swap3A_153 = vector.shape_cast %shift_right_arithmetic3A_149 : vector<16xi32> to vector<16xi32>
      tpu.vector_store %arg8[%swap3A_150], %swap3A_153 {strides = array<i32>} : memref<128xi32, #tpu.memory_space<vmem>>, vector<16xi32>,
      %dma_start3A = arith.constant 0 : i32
      %dma_start3A_154 = arith.constant 0 : i32
      %dma_start3A_155 = tpu.memref_slice %arg2[%dma_start3A, %dma_start3A_154] : memref<10000x128xf32, #tpu.memory_space<hbm>> -> memref<10000x128xf32, #tpu.memory_space<hbm>>
      tpu.enqueue_indirect_dma source(%dma_start3A_155 : memref<10000x128xf32, #tpu.memory_space<hbm>>) target(%arg9 : memref<128x128xf32, #tpu.memory_space<vmem>>) offsets(%arg7 : memref<128xi32, #tpu.memory_space<vmem>>) semaphore(%arg11 : memref<!tpu.dma_semaphore, #tpu.memory_space<semaphore_mem>>)
      %dma_wait3A = arith.constant 0 : i32
      %dma_wait3A_156 = arith.constant 0 : i32
      %dma_wait3A_157 = tpu.memref_slice %arg2[%dma_wait3A, %dma_wait3A_156] : memref<10000x128xf32, #tpu.memory_space<hbm>> -> memref<10000x128xf32, #tpu.memory_space<hbm>>
      tpu.wait_indirect_dma semaphore(%arg11 : memref<!tpu.dma_semaphore, #tpu.memory_space<semaphore_mem>>) src(%dma_wait3A_157 : memref<10000x128xf32, #tpu.memory_space<hbm>>) dst(%arg9 : memref<128x128xf32, #tpu.memory_space<vmem>>)
      "tpu.region"() ({
        %run_scoped3A = tpu.sem_alloc : memref<!tpu.dma_semaphore, #tpu.memory_space<semaphore_mem>>
        %dma_start3A_158 = arith.constant 0 : i32
        %dma_start3A_159 = arith.constant 0 : i32
        %dma_start3A_160 = tpu.memref_slice %arg10[%dma_start3A_158, %dma_start3A_159] : memref<10240x128xf32, #tpu.memory_space<vmem_shared>> -> memref<10240x128xf32, #tpu.memory_space<vmem_shared>>
        tpu.enqueue_indirect_dma source(%arg9 : memref<128x128xf32, #tpu.memory_space<vmem>>) target(%dma_start3A_160 : memref<10240x128xf32, #tpu.memory_space<vmem_shared>>) offsets(%arg8 : memref<128xi32, #tpu.memory_space<vmem>>) semaphore(%run_scoped3A : memref<!tpu.dma_semaphore, #tpu.memory_space<semaphore_mem>>) {add = true}
        %dma_wait3A_161 = arith.constant 0 : i32
        %dma_wait3A_162 = arith.constant 0 : i32
        %dma_wait3A_163 = tpu.memref_slice %arg10[%dma_wait3A_161, %dma_wait3A_162] : memref<10240x128xf32, #tpu.memory_space<vmem_shared>> -> memref<10240x128xf32, #tpu.memory_space<vmem_shared>>
        tpu.wait_indirect_dma semaphore(%run_scoped3A : memref<!tpu.dma_semaphore, #tpu.memory_space<semaphore_mem>>) src(%arg9 : memref<128x128xf32, #tpu.memory_space<vmem>>) dst(%dma_wait3A_163 : memref<10240x128xf32, #tpu.memory_space<vmem_shared>>)
        tpu.yield
      }) : () -> ()
    }
    %scan3A_8 = arith.constant 79 : i32
    %barrier3A_9 = arith.constant 0 : index
    tpu.barrier barrier_id(%barrier3A_9)
    %mul3A_10 = arith.constant 640 : i32
    %mul3A_11 = arith.muli %arg1, %mul3A_10 : i32
    %mul3A_12 = arith.constant 640 : i32
    %mul3A_13 = arith.muli %arg1, %mul3A_12 : i32
    "tpu.region"() ({
      %run_scoped3A = tpu.sem_alloc : memref<!tpu.dma_semaphore, #tpu.memory_space<semaphore_mem>>
      %dma_start3A = arith.constant 0 : i32
      %dma_start3A_14 = tpu.memref_slice %arg5[%arg0, %mul3A_13, %dma_start3A] : memref<2x10240x128xf32, #tpu.memory_space<hbm>> -> memref<1x640x128xf32, #tpu.memory_space<hbm>>
      %dma_start3A_15 = tpu.memref_squeeze %dma_start3A_14 : memref<1x640x128xf32, #tpu.memory_space<hbm>> -> memref<640x128xf32, #tpu.memory_space<hbm>>
      %dma_start3A_16 = arith.constant 0 : i32
      %dma_start3A_17 = tpu.memref_slice %arg10[%mul3A_11, %dma_start3A_16] : memref<10240x128xf32, #tpu.memory_space<vmem_shared>> -> memref<640x128xf32, #tpu.memory_space<vmem_shared>>
      tpu.enqueue_dma source(%dma_start3A_17 : memref<640x128xf32, #tpu.memory_space<vmem_shared>>) target(%dma_start3A_15 : memref<640x128xf32, #tpu.memory_space<hbm>>) target_semaphore(%run_scoped3A : memref<!tpu.dma_semaphore, #tpu.memory_space<semaphore_mem>>)
      %dma_wait3A = arith.constant 0 : i32
      %dma_wait3A_18 = tpu.memref_slice %arg5[%arg0, %mul3A_13, %dma_wait3A] : memref<2x10240x128xf32, #tpu.memory_space<hbm>> -> memref<1x640x128xf32, #tpu.memory_space<hbm>>
      %dma_wait3A_19 = tpu.memref_squeeze %dma_wait3A_18 : memref<1x640x128xf32, #tpu.memory_space<hbm>> -> memref<640x128xf32, #tpu.memory_space<hbm>>
      %dma_wait3A_20 = arith.constant 0 : i32
      %dma_wait3A_21 = tpu.memref_slice %arg10[%mul3A_11, %dma_wait3A_20] : memref<10240x128xf32, #tpu.memory_space<vmem_shared>> -> memref<640x128xf32, #tpu.memory_space<vmem_shared>>
      tpu.wait_dma2 semaphore(%run_scoped3A : memref<!tpu.dma_semaphore, #tpu.memory_space<semaphore_mem>>) src(%dma_wait3A_21 : memref<640x128xf32, #tpu.memory_space<vmem_shared>>) dst(%dma_wait3A_19 : memref<640x128xf32, #tpu.memory_space<hbm>>)
      tpu.yield
    }) : () -> ()
    return
  }
}

#map = affine_map<(d0, d1) -> (0, 0)>
#map1 = affine_map<(d0, d1) -> (0)>
#map2 = affine_map<(d0, d1) -> (0, 0, 0)>
module attributes {stable_mosaic.version = 14 : i64} {
  func.func @_segment_sum_sc(%arg0: i32, %arg1: i32, %arg2: memref<10000x128xf32, #tpu.memory_space<hbm>>, %arg3: memref<323584xi32, #tpu.memory_space<hbm>>, %arg4: memref<640x128xf32, #tpu.memory_space<hbm>>, %arg5: memref<2x10240x128xf32, #tpu.memory_space<hbm>>, %arg6: memref<128xi32, #tpu.memory_space<vmem>>, %arg7: memref<128xi32, #tpu.memory_space<vmem>>, %arg8: memref<128xi32, #tpu.memory_space<vmem>>, %arg9: memref<128x128xf32, #tpu.memory_space<vmem>>, %arg10: memref<10240x128xf32, #tpu.memory_space<vmem_shared>>, %arg11: memref<!tpu.dma_semaphore, #tpu.memory_space<semaphore_mem>>) attributes {dimension_semantics = [#tpu.dimension_semantics<core_parallel>, #tpu.dimension_semantics<subcore_parallel>], iteration_bounds = array<i64: 2, 16>, scalar_prefetch = 0 : i64, scratch_operands = 6 : i64, tpu.core_type = #tpu.core_type<sc_vector_subcore>, window_params = [{transform_indices = #map}, {transform_indices = #map1}, {transform_indices = #map}, {transform_indices = #map2}]} {
    %mul3A = arith.constant 2 : i32
    %mul3A_0 = arith.muli %arg1, %mul3A : i32
    %add3A = arith.addi %mul3A_0, %arg0 : i32
    %mul3A_1 = arith.constant 640 : i32
    %mul3A_2 = arith.muli %arg1, %mul3A_1 : i32
    "tpu.region"() ({
      %run_scoped3A = tpu.sem_alloc : memref<!tpu.dma_semaphore, #tpu.memory_space<semaphore_mem>>
      %dma_start3A = arith.constant 0 : i32
      %dma_start3A_14 = tpu.memref_slice %arg10[%mul3A_2, %dma_start3A] : memref<10240x128xf32, #tpu.memory_space<vmem_shared>> -> memref<640x128xf32, #tpu.memory_space<vmem_shared>>
      tpu.enqueue_dma source(%arg4 : memref<640x128xf32, #tpu.memory_space<hbm>>) target(%dma_start3A_14 : memref<640x128xf32, #tpu.memory_space<vmem_shared>>) target_semaphore(%run_scoped3A : memref<!tpu.dma_semaphore, #tpu.memory_space<semaphore_mem>>)
      %dma_wait3A = arith.constant 0 : i32
      %dma_wait3A_15 = tpu.memref_slice %arg10[%mul3A_2, %dma_wait3A] : memref<10240x128xf32, #tpu.memory_space<vmem_shared>> -> memref<640x128xf32, #tpu.memory_space<vmem_shared>>
      tpu.wait_dma2 semaphore(%run_scoped3A : memref<!tpu.dma_semaphore, #tpu.memory_space<semaphore_mem>>) src(%arg4 : memref<640x128xf32, #tpu.memory_space<hbm>>) dst(%dma_wait3A_15 : memref<640x128xf32, #tpu.memory_space<vmem_shared>>)
      tpu.yield
    }) : () -> ()
    %barrier3A = arith.constant 0 : index
    tpu.barrier barrier_id(%barrier3A)
    %mul3A_3 = arith.constant 10112 : i32
    %mul3A_4 = arith.muli %add3A, %mul3A_3 : i32
    %scan3A = arith.constant 0 : i32
    %scan3A_5 = arith.constant 79 : i32
    %scan3A_6 = arith.addi %scan3A, %scan3A_5 : i32
    %scan3A_7 = arith.constant 1 : i32
    scf.for %scan3A_14 = %scan3A to %scan3A_6 step %scan3A_7  : i32 {
      %mul3A_15 = arith.constant 1 : i32
      %mul3A_16 = arith.muli %scan3A_14, %mul3A_15 : i32
      %add3A_17 = arith.constant 0 : i32
      %add3A_18 = arith.addi %add3A_17, %mul3A_16 : i32
      %mul3A_19 = arith.constant 128 : i32
      %mul3A_20 = arith.muli %add3A_18, %mul3A_19 : i32
      %add3A_21 = arith.addi %mul3A_4, %mul3A_20 : i32
      "tpu.region"() ({
        %run_scoped3A = tpu.sem_alloc : memref<!tpu.dma_semaphore, #tpu.memory_space<semaphore_mem>>
        %dma_start3A_158 = tpu.memref_slice %arg3[%add3A_21] : memref<323584xi32, #tpu.memory_space<hbm>> -> memref<128xi32, #tpu.memory_space<hbm>>
        %dma_start3A_159 = tpu.memref_slice %arg3[%add3A_21] : memref<323584xi32, #tpu.memory_space<hbm>> -> memref<128xi32, #tpu.memory_space<hbm>>
        tpu.enqueue_dma source(%dma_start3A_159 : memref<128xi32, #tpu.memory_space<hbm>>) target(%arg6 : memref<128xi32, #tpu.memory_space<vmem>>) target_semaphore(%run_scoped3A : memref<!tpu.dma_semaphore, #tpu.memory_space<semaphore_mem>>)
        %dma_wait3A_160 = tpu.memref_slice %arg3[%add3A_21] : memref<323584xi32, #tpu.memory_space<hbm>> -> memref<128xi32, #tpu.memory_space<hbm>>
        %dma_wait3A_161 = tpu.memref_slice %arg3[%add3A_21] : memref<323584xi32, #tpu.memory_space<hbm>> -> memref<128xi32, #tpu.memory_space<hbm>>
        tpu.wait_dma2 semaphore(%run_scoped3A : memref<!tpu.dma_semaphore, #tpu.memory_space<semaphore_mem>>) src(%dma_wait3A_161 : memref<128xi32, #tpu.memory_space<hbm>>) dst(%arg6 : memref<128xi32, #tpu.memory_space<vmem>>)
        tpu.yield
      }) : () -> ()
      %get3A = arith.constant 0 : index
      %get3A_22 = tpu.vector_load %arg6[%get3A] {strides = array<i32>} : memref<128xi32, #tpu.memory_space<vmem>>, vector<16xi32>,
      %get3A_23 = vector.shape_cast %get3A_22 : vector<16xi32> to vector<16xi32>
      %and3A = arith.constant 65535 : i32
      %and3A_24 = vector.broadcast %and3A : i32 to vector<16xi32>
      %and3A_25 = arith.andi %get3A_23, %and3A_24 : vector<16xi32>
      %swap3A = arith.constant 0 : index
      %swap3A_26 = tpu.vector_load %arg7[%swap3A] {strides = array<i32>} : memref<128xi32, #tpu.memory_space<vmem>>, vector<16xi32>,
      %swap3A_27 = vector.shape_cast %swap3A_26 : vector<16xi32> to vector<16xi32>
      %swap3A_28 = vector.shape_cast %and3A_25 : vector<16xi32> to vector<16xi32>
      tpu.vector_store %arg7[%swap3A], %swap3A_28 {strides = array<i32>} : memref<128xi32, #tpu.memory_space<vmem>>, vector<16xi32>,
      %shift_right_arithmetic3A = arith.constant 16 : i32
      %shift_right_arithmetic3A_29 = vector.broadcast %shift_right_arithmetic3A : i32 to vector<16xi32>
      %shift_right_arithmetic3A_30 = arith.shrsi %get3A_23, %shift_right_arithmetic3A_29 : vector<16xi32>
      %swap3A_31 = arith.constant 0 : index
      %swap3A_32 = tpu.vector_load %arg8[%swap3A_31] {strides = array<i32>} : memref<128xi32, #tpu.memory_space<vmem>>, vector<16xi32>,
      %swap3A_33 = vector.shape_cast %swap3A_32 : vector<16xi32> to vector<16xi32>
      %swap3A_34 = vector.shape_cast %shift_right_arithmetic3A_30 : vector<16xi32> to vector<16xi32>
      tpu.vector_store %arg8[%swap3A_31], %swap3A_34 {strides = array<i32>} : memref<128xi32, #tpu.memory_space<vmem>>, vector<16xi32>,
      %get3A_35 = arith.constant 16 : index
      %get3A_36 = tpu.vector_load %arg6[%get3A_35] {strides = array<i32>} : memref<128xi32, #tpu.memory_space<vmem>>, vector<16xi32>,
      %get3A_37 = vector.shape_cast %get3A_36 : vector<16xi32> to vector<16xi32>
      %and3A_38 = arith.constant 65535 : i32
      %and3A_39 = vector.broadcast %and3A_38 : i32 to vector<16xi32>
      %and3A_40 = arith.andi %get3A_37, %and3A_39 : vector<16xi32>
      %swap3A_41 = arith.constant 16 : index
      %swap3A_42 = tpu.vector_load %arg7[%swap3A_41] {strides = array<i32>} : memref<128xi32, #tpu.memory_space<vmem>>, vector<16xi32>,
      %swap3A_43 = vector.shape_cast %swap3A_42 : vector<16xi32> to vector<16xi32>
      %swap3A_44 = vector.shape_cast %and3A_40 : vector<16xi32> to vector<16xi32>
      tpu.vector_store %arg7[%swap3A_41], %swap3A_44 {strides = array<i32>} : memref<128xi32, #tpu.memory_space<vmem>>, vector<16xi32>,
      %shift_right_arithmetic3A_45 = arith.constant 16 : i32
      %shift_right_arithmetic3A_46 = vector.broadcast %shift_right_arithmetic3A_45 : i32 to vector<16xi32>
      %shift_right_arithmetic3A_47 = arith.shrsi %get3A_37, %shift_right_arithmetic3A_46 : vector<16xi32>
      %swap3A_48 = arith.constant 16 : index
      %swap3A_49 = tpu.vector_load %arg8[%swap3A_48] {strides = array<i32>} : memref<128xi32, #tpu.memory_space<vmem>>, vector<16xi32>,
      %swap3A_50 = vector.shape_cast %swap3A_49 : vector<16xi32> to vector<16xi32>
      %swap3A_51 = vector.shape_cast %shift_right_arithmetic3A_47 : vector<16xi32> to vector<16xi32>
      tpu.vector_store %arg8[%swap3A_48], %swap3A_51 {strides = array<i32>} : memref<128xi32, #tpu.memory_space<vmem>>, vector<16xi32>,
      %get3A_52 = arith.constant 32 : index
      %get3A_53 = tpu.vector_load %arg6[%get3A_52] {strides = array<i32>} : memref<128xi32, #tpu.memory_space<vmem>>, vector<16xi32>,
      %get3A_54 = vector.shape_cast %get3A_53 : vector<16xi32> to vector<16xi32>
      %and3A_55 = arith.constant 65535 : i32
      %and3A_56 = vector.broadcast %and3A_55 : i32 to vector<16xi32>
      %and3A_57 = arith.andi %get3A_54, %and3A_56 : vector<16xi32>
      %swap3A_58 = arith.constant 32 : index
      %swap3A_59 = tpu.vector_load %arg7[%swap3A_58] {strides = array<i32>} : memref<128xi32, #tpu.memory_space<vmem>>, vector<16xi32>,
      %swap3A_60 = vector.shape_cast %swap3A_59 : vector<16xi32> to vector<16xi32>
      %swap3A_61 = vector.shape_cast %and3A_57 : vector<16xi32> to vector<16xi32>
      tpu.vector_store %arg7[%swap3A_58], %swap3A_61 {strides = array<i32>} : memref<128xi32, #tpu.memory_space<vmem>>, vector<16xi32>,
      %shift_right_arithmetic3A_62 = arith.constant 16 : i32
      %shift_right_arithmetic3A_63 = vector.broadcast %shift_right_arithmetic3A_62 : i32 to vector<16xi32>
      %shift_right_arithmetic3A_64 = arith.shrsi %get3A_54, %shift_right_arithmetic3A_63 : vector<16xi32>
      %swap3A_65 = arith.constant 32 : index
      %swap3A_66 = tpu.vector_load %arg8[%swap3A_65] {strides = array<i32>} : memref<128xi32, #tpu.memory_space<vmem>>, vector<16xi32>,
      %swap3A_67 = vector.shape_cast %swap3A_66 : vector<16xi32> to vector<16xi32>
      %swap3A_68 = vector.shape_cast %shift_right_arithmetic3A_64 : vector<16xi32> to vector<16xi32>
      tpu.vector_store %arg8[%swap3A_65], %swap3A_68 {strides = array<i32>} : memref<128xi32, #tpu.memory_space<vmem>>, vector<16xi32>,
      %get3A_69 = arith.constant 48 : index
      %get3A_70 = tpu.vector_load %arg6[%get3A_69] {strides = array<i32>} : memref<128xi32, #tpu.memory_space<vmem>>, vector<16xi32>,
      %get3A_71 = vector.shape_cast %get3A_70 : vector<16xi32> to vector<16xi32>
      %and3A_72 = arith.constant 65535 : i32
      %and3A_73 = vector.broadcast %and3A_72 : i32 to vector<16xi32>
      %and3A_74 = arith.andi %get3A_71, %and3A_73 : vector<16xi32>
      %swap3A_75 = arith.constant 48 : index
      %swap3A_76 = tpu.vector_load %arg7[%swap3A_75] {strides = array<i32>} : memref<128xi32, #tpu.memory_space<vmem>>, vector<16xi32>,
      %swap3A_77 = vector.shape_cast %swap3A_76 : vector<16xi32> to vector<16xi32>
      %swap3A_78 = vector.shape_cast %and3A_74 : vector<16xi32> to vector<16xi32>
      tpu.vector_store %arg7[%swap3A_75], %swap3A_78 {strides = array<i32>} : memref<128xi32, #tpu.memory_space<vmem>>, vector<16xi32>,
      %shift_right_arithmetic3A_79 = arith.constant 16 : i32
      %shift_right_arithmetic3A_80 = vector.broadcast %shift_right_arithmetic3A_79 : i32 to vector<16xi32>
      %shift_right_arithmetic3A_81 = arith.shrsi %get3A_71, %shift_right_arithmetic3A_80 : vector<16xi32>
      %swap3A_82 = arith.constant 48 : index
      %swap3A_83 = tpu.vector_load %arg8[%swap3A_82] {strides = array<i32>} : memref<128xi32, #tpu.memory_space<vmem>>, vector<16xi32>,
      %swap3A_84 = vector.shape_cast %swap3A_83 : vector<16xi32> to vector<16xi32>
      %swap3A_85 = vector.shape_cast %shift_right_arithmetic3A_81 : vector<16xi32> to vector<16xi32>
      tpu.vector_store %arg8[%swap3A_82], %swap3A_85 {strides = array<i32>} : memref<128xi32, #tpu.memory_space<vmem>>, vector<16xi32>,
      %get3A_86 = arith.constant 64 : index
      %get3A_87 = tpu.vector_load %arg6[%get3A_86] {strides = array<i32>} : memref<128xi32, #tpu.memory_space<vmem>>, vector<16xi32>,
      %get3A_88 = vector.shape_cast %get3A_87 : vector<16xi32> to vector<16xi32>
      %and3A_89 = arith.constant 65535 : i32
      %and3A_90 = vector.broadcast %and3A_89 : i32 to vector<16xi32>
      %and3A_91 = arith.andi %get3A_88, %and3A_90 : vector<16xi32>
      %swap3A_92 = arith.constant 64 : index
      %swap3A_93 = tpu.vector_load %arg7[%swap3A_92] {strides = array<i32>} : memref<128xi32, #tpu.memory_space<vmem>>, vector<16xi32>,
      %swap3A_94 = vector.shape_cast %swap3A_93 : vector<16xi32> to vector<16xi32>
      %swap3A_95 = vector.shape_cast %and3A_91 : vector<16xi32> to vector<16xi32>
      tpu.vector_store %arg7[%swap3A_92], %swap3A_95 {strides = array<i32>} : memref<128xi32, #tpu.memory_space<vmem>>, vector<16xi32>,
      %shift_right_arithmetic3A_96 = arith.constant 16 : i32
      %shift_right_arithmetic3A_97 = vector.broadcast %shift_right_arithmetic3A_96 : i32 to vector<16xi32>
      %shift_right_arithmetic3A_98 = arith.shrsi %get3A_88, %shift_right_arithmetic3A_97 : vector<16xi32>
      %swap3A_99 = arith.constant 64 : index
      %swap3A_100 = tpu.vector_load %arg8[%swap3A_99] {strides = array<i32>} : memref<128xi32, #tpu.memory_space<vmem>>, vector<16xi32>,
      %swap3A_101 = vector.shape_cast %swap3A_100 : vector<16xi32> to vector<16xi32>
      %swap3A_102 = vector.shape_cast %shift_right_arithmetic3A_98 : vector<16xi32> to vector<16xi32>
      tpu.vector_store %arg8[%swap3A_99], %swap3A_102 {strides = array<i32>} : memref<128xi32, #tpu.memory_space<vmem>>, vector<16xi32>,
      %get3A_103 = arith.constant 80 : index
      %get3A_104 = tpu.vector_load %arg6[%get3A_103] {strides = array<i32>} : memref<128xi32, #tpu.memory_space<vmem>>, vector<16xi32>,
      %get3A_105 = vector.shape_cast %get3A_104 : vector<16xi32> to vector<16xi32>
      %and3A_106 = arith.constant 65535 : i32
      %and3A_107 = vector.broadcast %and3A_106 : i32 to vector<16xi32>
      %and3A_108 = arith.andi %get3A_105, %and3A_107 : vector<16xi32>
      %swap3A_109 = arith.constant 80 : index
      %swap3A_110 = tpu.vector_load %arg7[%swap3A_109] {strides = array<i32>} : memref<128xi32, #tpu.memory_space<vmem>>, vector<16xi32>,
      %swap3A_111 = vector.shape_cast %swap3A_110 : vector<16xi32> to vector<16xi32>
      %swap3A_112 = vector.shape_cast %and3A_108 : vector<16xi32> to vector<16xi32>
      tpu.vector_store %arg7[%swap3A_109], %swap3A_112 {strides = array<i32>} : memref<128xi32, #tpu.memory_space<vmem>>, vector<16xi32>,
      %shift_right_arithmetic3A_113 = arith.constant 16 : i32
      %shift_right_arithmetic3A_114 = vector.broadcast %shift_right_arithmetic3A_113 : i32 to vector<16xi32>
      %shift_right_arithmetic3A_115 = arith.shrsi %get3A_105, %shift_right_arithmetic3A_114 : vector<16xi32>
      %swap3A_116 = arith.constant 80 : index
      %swap3A_117 = tpu.vector_load %arg8[%swap3A_116] {strides = array<i32>} : memref<128xi32, #tpu.memory_space<vmem>>, vector<16xi32>,
      %swap3A_118 = vector.shape_cast %swap3A_117 : vector<16xi32> to vector<16xi32>
      %swap3A_119 = vector.shape_cast %shift_right_arithmetic3A_115 : vector<16xi32> to vector<16xi32>
      tpu.vector_store %arg8[%swap3A_116], %swap3A_119 {strides = array<i32>} : memref<128xi32, #tpu.memory_space<vmem>>, vector<16xi32>,
      %get3A_120 = arith.constant 96 : index
      %get3A_121 = tpu.vector_load %arg6[%get3A_120] {strides = array<i32>} : memref<128xi32, #tpu.memory_space<vmem>>, vector<16xi32>,
      %get3A_122 = vector.shape_cast %get3A_121 : vector<16xi32> to vector<16xi32>
      %and3A_123 = arith.constant 65535 : i32
      %and3A_124 = vector.broadcast %and3A_123 : i32 to vector<16xi32>
      %and3A_125 = arith.andi %get3A_122, %and3A_124 : vector<16xi32>
      %swap3A_126 = arith.constant 96 : index
      %swap3A_127 = tpu.vector_load %arg7[%swap3A_126] {strides = array<i32>} : memref<128xi32, #tpu.memory_space<vmem>>, vector<16xi32>,
      %swap3A_128 = vector.shape_cast %swap3A_127 : vector<16xi32> to vector<16xi32>
      %swap3A_129 = vector.shape_cast %and3A_125 : vector<16xi32> to vector<16xi32>
      tpu.vector_store %arg7[%swap3A_126], %swap3A_129 {strides = array<i32>} : memref<128xi32, #tpu.memory_space<vmem>>, vector<16xi32>,
      %shift_right_arithmetic3A_130 = arith.constant 16 : i32
      %shift_right_arithmetic3A_131 = vector.broadcast %shift_right_arithmetic3A_130 : i32 to vector<16xi32>
      %shift_right_arithmetic3A_132 = arith.shrsi %get3A_122, %shift_right_arithmetic3A_131 : vector<16xi32>
      %swap3A_133 = arith.constant 96 : index
      %swap3A_134 = tpu.vector_load %arg8[%swap3A_133] {strides = array<i32>} : memref<128xi32, #tpu.memory_space<vmem>>, vector<16xi32>,
      %swap3A_135 = vector.shape_cast %swap3A_134 : vector<16xi32> to vector<16xi32>
      %swap3A_136 = vector.shape_cast %shift_right_arithmetic3A_132 : vector<16xi32> to vector<16xi32>
      tpu.vector_store %arg8[%swap3A_133], %swap3A_136 {strides = array<i32>} : memref<128xi32, #tpu.memory_space<vmem>>, vector<16xi32>,
      %get3A_137 = arith.constant 112 : index
      %get3A_138 = tpu.vector_load %arg6[%get3A_137] {strides = array<i32>} : memref<128xi32, #tpu.memory_space<vmem>>, vector<16xi32>,
      %get3A_139 = vector.shape_cast %get3A_138 : vector<16xi32> to vector<16xi32>
      %and3A_140 = arith.constant 65535 : i32
      %and3A_141 = vector.broadcast %and3A_140 : i32 to vector<16xi32>
      %and3A_142 = arith.andi %get3A_139, %and3A_141 : vector<16xi32>
      %swap3A_143 = arith.constant 112 : index
      %swap3A_144 = tpu.vector_load %arg7[%swap3A_143] {strides = array<i32>} : memref<128xi32, #tpu.memory_space<vmem>>, vector<16xi32>,
      %swap3A_145 = vector.shape_cast %swap3A_144 : vector<16xi32> to vector<16xi32>
      %swap3A_146 = vector.shape_cast %and3A_142 : vector<16xi32> to vector<16xi32>
      tpu.vector_store %arg7[%swap3A_143], %swap3A_146 {strides = array<i32>} : memref<128xi32, #tpu.memory_space<vmem>>, vector<16xi32>,
      %shift_right_arithmetic3A_147 = arith.constant 16 : i32
      %shift_right_arithmetic3A_148 = vector.broadcast %shift_right_arithmetic3A_147 : i32 to vector<16xi32>
      %shift_right_arithmetic3A_149 = arith.shrsi %get3A_139, %shift_right_arithmetic3A_148 : vector<16xi32>
      %swap3A_150 = arith.constant 112 : index
      %swap3A_151 = tpu.vector_load %arg8[%swap3A_150] {strides = array<i32>} : memref<128xi32, #tpu.memory_space<vmem>>, vector<16xi32>,
      %swap3A_152 = vector.shape_cast %swap3A_151 : vector<16xi32> to vector<16xi32>
      %swap3A_153 = vector.shape_cast %shift_right_arithmetic3A_149 : vector<16xi32> to vector<16xi32>
      tpu.vector_store %arg8[%swap3A_150], %swap3A_153 {strides = array<i32>} : memref<128xi32, #tpu.memory_space<vmem>>, vector<16xi32>,
      %dma_start3A = arith.constant 0 : i32
      %dma_start3A_154 = arith.constant 0 : i32
      %dma_start3A_155 = tpu.memref_slice %arg2[%dma_start3A, %dma_start3A_154] : memref<10000x128xf32, #tpu.memory_space<hbm>> -> memref<10000x128xf32, #tpu.memory_space<hbm>>
      tpu.enqueue_indirect_dma source(%dma_start3A_155 : memref<10000x128xf32, #tpu.memory_space<hbm>>) target(%arg9 : memref<128x128xf32, #tpu.memory_space<vmem>>) offsets(%arg7 : memref<128xi32, #tpu.memory_space<vmem>>) semaphore(%arg11 : memref<!tpu.dma_semaphore, #tpu.memory_space<semaphore_mem>>)
      %dma_wait3A = arith.constant 0 : i32
      %dma_wait3A_156 = arith.constant 0 : i32
      %dma_wait3A_157 = tpu.memref_slice %arg2[%dma_wait3A, %dma_wait3A_156] : memref<10000x128xf32, #tpu.memory_space<hbm>> -> memref<10000x128xf32, #tpu.memory_space<hbm>>
      tpu.wait_indirect_dma semaphore(%arg11 : memref<!tpu.dma_semaphore, #tpu.memory_space<semaphore_mem>>) src(%dma_wait3A_157 : memref<10000x128xf32, #tpu.memory_space<hbm>>) dst(%arg9 : memref<128x128xf32, #tpu.memory_space<vmem>>)
      "tpu.region"() ({
        %run_scoped3A = tpu.sem_alloc : memref<!tpu.dma_semaphore, #tpu.memory_space<semaphore_mem>>
        %dma_start3A_158 = arith.constant 0 : i32
        %dma_start3A_159 = arith.constant 0 : i32
        %dma_start3A_160 = tpu.memref_slice %arg10[%dma_start3A_158, %dma_start3A_159] : memref<10240x128xf32, #tpu.memory_space<vmem_shared>> -> memref<10240x128xf32, #tpu.memory_space<vmem_shared>>
        tpu.enqueue_indirect_dma source(%arg9 : memref<128x128xf32, #tpu.memory_space<vmem>>) target(%dma_start3A_160 : memref<10240x128xf32, #tpu.memory_space<vmem_shared>>) offsets(%arg8 : memref<128xi32, #tpu.memory_space<vmem>>) semaphore(%run_scoped3A : memref<!tpu.dma_semaphore, #tpu.memory_space<semaphore_mem>>) {add = true}
        %dma_wait3A_161 = arith.constant 0 : i32
        %dma_wait3A_162 = arith.constant 0 : i32
        %dma_wait3A_163 = tpu.memref_slice %arg10[%dma_wait3A_161, %dma_wait3A_162] : memref<10240x128xf32, #tpu.memory_space<vmem_shared>> -> memref<10240x128xf32, #tpu.memory_space<vmem_shared>>
        tpu.wait_indirect_dma semaphore(%run_scoped3A : memref<!tpu.dma_semaphore, #tpu.memory_space<semaphore_mem>>) src(%arg9 : memref<128x128xf32, #tpu.memory_space<vmem>>) dst(%dma_wait3A_163 : memref<10240x128xf32, #tpu.memory_space<vmem_shared>>)
        tpu.yield
      }) : () -> ()
    }
    %scan3A_8 = arith.constant 79 : i32
    %barrier3A_9 = arith.constant 0 : index
    tpu.barrier barrier_id(%barrier3A_9)
    %mul3A_10 = arith.constant 640 : i32
    %mul3A_11 = arith.muli %arg1, %mul3A_10 : i32
    %mul3A_12 = arith.constant 640 : i32
    %mul3A_13 = arith.muli %arg1, %mul3A_12 : i32
    "tpu.region"() ({
      %run_scoped3A = tpu.sem_alloc : memref<!tpu.dma_semaphore, #tpu.memory_space<semaphore_mem>>
      %dma_start3A = arith.constant 0 : i32
      %dma_start3A_14 = tpu.memref_slice %arg5[%arg0, %mul3A_13, %dma_start3A] : memref<2x10240x128xf32, #tpu.memory_space<hbm>> -> memref<1x640x128xf32, #tpu.memory_space<hbm>>
      %dma_start3A_15 = tpu.memref_squeeze %dma_start3A_14 : memref<1x640x128xf32, #tpu.memory_space<hbm>> -> memref<640x128xf32, #tpu.memory_space<hbm>>
      %dma_start3A_16 = arith.constant 0 : i32
      %dma_start3A_17 = tpu.memref_slice %arg10[%mul3A_11, %dma_start3A_16] : memref<10240x128xf32, #tpu.memory_space<vmem_shared>> -> memref<640x128xf32, #tpu.memory_space<vmem_shared>>
      tpu.enqueue_dma source(%dma_start3A_17 : memref<640x128xf32, #tpu.memory_space<vmem_shared>>) target(%dma_start3A_15 : memref<640x128xf32, #tpu.memory_space<hbm>>) target_semaphore(%run_scoped3A : memref<!tpu.dma_semaphore, #tpu.memory_space<semaphore_mem>>)
      %dma_wait3A = arith.constant 0 : i32
      %dma_wait3A_18 = tpu.memref_slice %arg5[%arg0, %mul3A_13, %dma_wait3A] : memref<2x10240x128xf32, #tpu.memory_space<hbm>> -> memref<1x640x128xf32, #tpu.memory_space<hbm>>
      %dma_wait3A_19 = tpu.memref_squeeze %dma_wait3A_18 : memref<1x640x128xf32, #tpu.memory_space<hbm>> -> memref<640x128xf32, #tpu.memory_space<hbm>>
      %dma_wait3A_20 = arith.constant 0 : i32
      %dma_wait3A_21 = tpu.memref_slice %arg10[%mul3A_11, %dma_wait3A_20] : memref<10240x128xf32, #tpu.memory_space<vmem_shared>> -> memref<640x128xf32, #tpu.memory_space<vmem_shared>>
      tpu.wait_dma2 semaphore(%run_scoped3A : memref<!tpu.dma_semaphore, #tpu.memory_space<semaphore_mem>>) src(%dma_wait3A_21 : memref<640x128xf32, #tpu.memory_space<vmem_shared>>) dst(%dma_wait3A_19 : memref<640x128xf32, #tpu.memory_space<hbm>>)
      tpu.yield
    }) : () -> ()
    return
  }
}

#map = affine_map<(d0, d1) -> (0, 0)>
#map1 = affine_map<(d0, d1) -> (0)>
#map2 = affine_map<(d0, d1) -> (0, 0, 0)>
module attributes {stable_mosaic.version = 14 : i64} {
  func.func @_segment_sum_sc(%arg0: i32, %arg1: i32, %arg2: memref<10000x128xf32, #tpu.memory_space<hbm>>, %arg3: memref<323584xi32, #tpu.memory_space<hbm>>, %arg4: memref<640x128xf32, #tpu.memory_space<hbm>>, %arg5: memref<2x10240x128xf32, #tpu.memory_space<hbm>>, %arg6: memref<128xi32, #tpu.memory_space<vmem>>, %arg7: memref<128xi32, #tpu.memory_space<vmem>>, %arg8: memref<128xi32, #tpu.memory_space<vmem>>, %arg9: memref<128x128xf32, #tpu.memory_space<vmem>>, %arg10: memref<10240x128xf32, #tpu.memory_space<vmem_shared>>, %arg11: memref<!tpu.dma_semaphore, #tpu.memory_space<semaphore_mem>>) attributes {dimension_semantics = [#tpu.dimension_semantics<core_parallel>, #tpu.dimension_semantics<subcore_parallel>], iteration_bounds = array<i64: 2, 16>, scalar_prefetch = 0 : i64, scratch_operands = 6 : i64, tpu.core_type = #tpu.core_type<sc_vector_subcore>, window_params = [{transform_indices = #map}, {transform_indices = #map1}, {transform_indices = #map}, {transform_indices = #map2}]} {
    %mul3A = arith.constant 2 : i32
    %mul3A_0 = arith.muli %arg1, %mul3A : i32
    %add3A = arith.addi %mul3A_0, %arg0 : i32
    %mul3A_1 = arith.constant 640 : i32
    %mul3A_2 = arith.muli %arg1, %mul3A_1 : i32
    "tpu.region"() ({
      %run_scoped3A = tpu.sem_alloc : memref<!tpu.dma_semaphore, #tpu.memory_space<semaphore_mem>>
      %dma_start3A = arith.constant 0 : i32
      %dma_start3A_14 = tpu.memref_slice %arg10[%mul3A_2, %dma_start3A] : memref<10240x128xf32, #tpu.memory_space<vmem_shared>> -> memref<640x128xf32, #tpu.memory_space<vmem_shared>>
      tpu.enqueue_dma source(%arg4 : memref<640x128xf32, #tpu.memory_space<hbm>>) target(%dma_start3A_14 : memref<640x128xf32, #tpu.memory_space<vmem_shared>>) target_semaphore(%run_scoped3A : memref<!tpu.dma_semaphore, #tpu.memory_space<semaphore_mem>>)
      %dma_wait3A = arith.constant 0 : i32
      %dma_wait3A_15 = tpu.memref_slice %arg10[%mul3A_2, %dma_wait3A] : memref<10240x128xf32, #tpu.memory_space<vmem_shared>> -> memref<640x128xf32, #tpu.memory_space<vmem_shared>>
      tpu.wait_dma2 semaphore(%run_scoped3A : memref<!tpu.dma_semaphore, #tpu.memory_space<semaphore_mem>>) src(%arg4 : memref<640x128xf32, #tpu.memory_space<hbm>>) dst(%dma_wait3A_15 : memref<640x128xf32, #tpu.memory_space<vmem_shared>>)
      tpu.yield
    }) : () -> ()
    %barrier3A = arith.constant 0 : index
    tpu.barrier barrier_id(%barrier3A)
    %mul3A_3 = arith.constant 10112 : i32
    %mul3A_4 = arith.muli %add3A, %mul3A_3 : i32
    %scan3A = arith.constant 0 : i32
    %scan3A_5 = arith.constant 79 : i32
    %scan3A_6 = arith.addi %scan3A, %scan3A_5 : i32
    %scan3A_7 = arith.constant 1 : i32
    scf.for %scan3A_14 = %scan3A to %scan3A_6 step %scan3A_7  : i32 {
      %mul3A_15 = arith.constant 1 : i32
      %mul3A_16 = arith.muli %scan3A_14, %mul3A_15 : i32
      %add3A_17 = arith.constant 0 : i32
      %add3A_18 = arith.addi %add3A_17, %mul3A_16 : i32
      %mul3A_19 = arith.constant 128 : i32
      %mul3A_20 = arith.muli %add3A_18, %mul3A_19 : i32
      %add3A_21 = arith.addi %mul3A_4, %mul3A_20 : i32
      "tpu.region"() ({
        %run_scoped3A = tpu.sem_alloc : memref<!tpu.dma_semaphore, #tpu.memory_space<semaphore_mem>>
        %dma_start3A_158 = tpu.memref_slice %arg3[%add3A_21] : memref<323584xi32, #tpu.memory_space<hbm>> -> memref<128xi32, #tpu.memory_space<hbm>>
        %dma_start3A_159 = tpu.memref_slice %arg3[%add3A_21] : memref<323584xi32, #tpu.memory_space<hbm>> -> memref<128xi32, #tpu.memory_space<hbm>>
        tpu.enqueue_dma source(%dma_start3A_159 : memref<128xi32, #tpu.memory_space<hbm>>) target(%arg6 : memref<128xi32, #tpu.memory_space<vmem>>) target_semaphore(%run_scoped3A : memref<!tpu.dma_semaphore, #tpu.memory_space<semaphore_mem>>)
        %dma_wait3A_160 = tpu.memref_slice %arg3[%add3A_21] : memref<323584xi32, #tpu.memory_space<hbm>> -> memref<128xi32, #tpu.memory_space<hbm>>
        %dma_wait3A_161 = tpu.memref_slice %arg3[%add3A_21] : memref<323584xi32, #tpu.memory_space<hbm>> -> memref<128xi32, #tpu.memory_space<hbm>>
        tpu.wait_dma2 semaphore(%run_scoped3A : memref<!tpu.dma_semaphore, #tpu.memory_space<semaphore_mem>>) src(%dma_wait3A_161 : memref<128xi32, #tpu.memory_space<hbm>>) dst(%arg6 : memref<128xi32, #tpu.memory_space<vmem>>)
        tpu.yield
      }) : () -> ()
      %get3A = arith.constant 0 : index
      %get3A_22 = tpu.vector_load %arg6[%get3A] {strides = array<i32>} : memref<128xi32, #tpu.memory_space<vmem>>, vector<16xi32>,
      %get3A_23 = vector.shape_cast %get3A_22 : vector<16xi32> to vector<16xi32>
      %and3A = arith.constant 65535 : i32
      %and3A_24 = vector.broadcast %and3A : i32 to vector<16xi32>
      %and3A_25 = arith.andi %get3A_23, %and3A_24 : vector<16xi32>
      %swap3A = arith.constant 0 : index
      %swap3A_26 = tpu.vector_load %arg7[%swap3A] {strides = array<i32>} : memref<128xi32, #tpu.memory_space<vmem>>, vector<16xi32>,
      %swap3A_27 = vector.shape_cast %swap3A_26 : vector<16xi32> to vector<16xi32>
      %swap3A_28 = vector.shape_cast %and3A_25 : vector<16xi32> to vector<16xi32>
      tpu.vector_store %arg7[%swap3A], %swap3A_28 {strides = array<i32>} : memref<128xi32, #tpu.memory_space<vmem>>, vector<16xi32>,
      %shift_right_arithmetic3A = arith.constant 16 : i32
      %shift_right_arithmetic3A_29 = vector.broadcast %shift_right_arithmetic3A : i32 to vector<16xi32>
      %shift_right_arithmetic3A_30 = arith.shrsi %get3A_23, %shift_right_arithmetic3A_29 : vector<16xi32>
      %swap3A_31 = arith.constant 0 : index
      %swap3A_32 = tpu.vector_load %arg8[%swap3A_31] {strides = array<i32>} : memref<128xi32, #tpu.memory_space<vmem>>, vector<16xi32>,
      %swap3A_33 = vector.shape_cast %swap3A_32 : vector<16xi32> to vector<16xi32>
      %swap3A_34 = vector.shape_cast %shift_right_arithmetic3A_30 : vector<16xi32> to vector<16xi32>
      tpu.vector_store %arg8[%swap3A_31], %swap3A_34 {strides = array<i32>} : memref<128xi32, #tpu.memory_space<vmem>>, vector<16xi32>,
      %get3A_35 = arith.constant 16 : index
      %get3A_36 = tpu.vector_load %arg6[%get3A_35] {strides = array<i32>} : memref<128xi32, #tpu.memory_space<vmem>>, vector<16xi32>,
      %get3A_37 = vector.shape_cast %get3A_36 : vector<16xi32> to vector<16xi32>
      %and3A_38 = arith.constant 65535 : i32
      %and3A_39 = vector.broadcast %and3A_38 : i32 to vector<16xi32>
      %and3A_40 = arith.andi %get3A_37, %and3A_39 : vector<16xi32>
      %swap3A_41 = arith.constant 16 : index
      %swap3A_42 = tpu.vector_load %arg7[%swap3A_41] {strides = array<i32>} : memref<128xi32, #tpu.memory_space<vmem>>, vector<16xi32>,
      %swap3A_43 = vector.shape_cast %swap3A_42 : vector<16xi32> to vector<16xi32>
      %swap3A_44 = vector.shape_cast %and3A_40 : vector<16xi32> to vector<16xi32>
      tpu.vector_store %arg7[%swap3A_41], %swap3A_44 {strides = array<i32>} : memref<128xi32, #tpu.memory_space<vmem>>, vector<16xi32>,
      %shift_right_arithmetic3A_45 = arith.constant 16 : i32
      %shift_right_arithmetic3A_46 = vector.broadcast %shift_right_arithmetic3A_45 : i32 to vector<16xi32>
      %shift_right_arithmetic3A_47 = arith.shrsi %get3A_37, %shift_right_arithmetic3A_46 : vector<16xi32>
      %swap3A_48 = arith.constant 16 : index
      %swap3A_49 = tpu.vector_load %arg8[%swap3A_48] {strides = array<i32>} : memref<128xi32, #tpu.memory_space<vmem>>, vector<16xi32>,
      %swap3A_50 = vector.shape_cast %swap3A_49 : vector<16xi32> to vector<16xi32>
      %swap3A_51 = vector.shape_cast %shift_right_arithmetic3A_47 : vector<16xi32> to vector<16xi32>
      tpu.vector_store %arg8[%swap3A_48], %swap3A_51 {strides = array<i32>} : memref<128xi32, #tpu.memory_space<vmem>>, vector<16xi32>,
      %get3A_52 = arith.constant 32 : index
      %get3A_53 = tpu.vector_load %arg6[%get3A_52] {strides = array<i32>} : memref<128xi32, #tpu.memory_space<vmem>>, vector<16xi32>,
      %get3A_54 = vector.shape_cast %get3A_53 : vector<16xi32> to vector<16xi32>
      %and3A_55 = arith.constant 65535 : i32
      %and3A_56 = vector.broadcast %and3A_55 : i32 to vector<16xi32>
      %and3A_57 = arith.andi %get3A_54, %and3A_56 : vector<16xi32>
      %swap3A_58 = arith.constant 32 : index
      %swap3A_59 = tpu.vector_load %arg7[%swap3A_58] {strides = array<i32>} : memref<128xi32, #tpu.memory_space<vmem>>, vector<16xi32>,
      %swap3A_60 = vector.shape_cast %swap3A_59 : vector<16xi32> to vector<16xi32>
      %swap3A_61 = vector.shape_cast %and3A_57 : vector<16xi32> to vector<16xi32>
      tpu.vector_store %arg7[%swap3A_58], %swap3A_61 {strides = array<i32>} : memref<128xi32, #tpu.memory_space<vmem>>, vector<16xi32>,
      %shift_right_arithmetic3A_62 = arith.constant 16 : i32
      %shift_right_arithmetic3A_63 = vector.broadcast %shift_right_arithmetic3A_62 : i32 to vector<16xi32>
      %shift_right_arithmetic3A_64 = arith.shrsi %get3A_54, %shift_right_arithmetic3A_63 : vector<16xi32>
      %swap3A_65 = arith.constant 32 : index
      %swap3A_66 = tpu.vector_load %arg8[%swap3A_65] {strides = array<i32>} : memref<128xi32, #tpu.memory_space<vmem>>, vector<16xi32>,
      %swap3A_67 = vector.shape_cast %swap3A_66 : vector<16xi32> to vector<16xi32>
      %swap3A_68 = vector.shape_cast %shift_right_arithmetic3A_64 : vector<16xi32> to vector<16xi32>
      tpu.vector_store %arg8[%swap3A_65], %swap3A_68 {strides = array<i32>} : memref<128xi32, #tpu.memory_space<vmem>>, vector<16xi32>,
      %get3A_69 = arith.constant 48 : index
      %get3A_70 = tpu.vector_load %arg6[%get3A_69] {strides = array<i32>} : memref<128xi32, #tpu.memory_space<vmem>>, vector<16xi32>,
      %get3A_71 = vector.shape_cast %get3A_70 : vector<16xi32> to vector<16xi32>
      %and3A_72 = arith.constant 65535 : i32
      %and3A_73 = vector.broadcast %and3A_72 : i32 to vector<16xi32>
      %and3A_74 = arith.andi %get3A_71, %and3A_73 : vector<16xi32>
      %swap3A_75 = arith.constant 48 : index
      %swap3A_76 = tpu.vector_load %arg7[%swap3A_75] {strides = array<i32>} : memref<128xi32, #tpu.memory_space<vmem>>, vector<16xi32>,
      %swap3A_77 = vector.shape_cast %swap3A_76 : vector<16xi32> to vector<16xi32>
      %swap3A_78 = vector.shape_cast %and3A_74 : vector<16xi32> to vector<16xi32>
      tpu.vector_store %arg7[%swap3A_75], %swap3A_78 {strides = array<i32>} : memref<128xi32, #tpu.memory_space<vmem>>, vector<16xi32>,
      %shift_right_arithmetic3A_79 = arith.constant 16 : i32
      %shift_right_arithmetic3A_80 = vector.broadcast %shift_right_arithmetic3A_79 : i32 to vector<16xi32>
      %shift_right_arithmetic3A_81 = arith.shrsi %get3A_71, %shift_right_arithmetic3A_80 : vector<16xi32>
      %swap3A_82 = arith.constant 48 : index
      %swap3A_83 = tpu.vector_load %arg8[%swap3A_82] {strides = array<i32>} : memref<128xi32, #tpu.memory_space<vmem>>, vector<16xi32>,
      %swap3A_84 = vector.shape_cast %swap3A_83 : vector<16xi32> to vector<16xi32>
      %swap3A_85 = vector.shape_cast %shift_right_arithmetic3A_81 : vector<16xi32> to vector<16xi32>
      tpu.vector_store %arg8[%swap3A_82], %swap3A_85 {strides = array<i32>} : memref<128xi32, #tpu.memory_space<vmem>>, vector<16xi32>,
      %get3A_86 = arith.constant 64 : index
      %get3A_87 = tpu.vector_load %arg6[%get3A_86] {strides = array<i32>} : memref<128xi32, #tpu.memory_space<vmem>>, vector<16xi32>,
      %get3A_88 = vector.shape_cast %get3A_87 : vector<16xi32> to vector<16xi32>
      %and3A_89 = arith.constant 65535 : i32
      %and3A_90 = vector.broadcast %and3A_89 : i32 to vector<16xi32>
      %and3A_91 = arith.andi %get3A_88, %and3A_90 : vector<16xi32>
      %swap3A_92 = arith.constant 64 : index
      %swap3A_93 = tpu.vector_load %arg7[%swap3A_92] {strides = array<i32>} : memref<128xi32, #tpu.memory_space<vmem>>, vector<16xi32>,
      %swap3A_94 = vector.shape_cast %swap3A_93 : vector<16xi32> to vector<16xi32>
      %swap3A_95 = vector.shape_cast %and3A_91 : vector<16xi32> to vector<16xi32>
      tpu.vector_store %arg7[%swap3A_92], %swap3A_95 {strides = array<i32>} : memref<128xi32, #tpu.memory_space<vmem>>, vector<16xi32>,
      %shift_right_arithmetic3A_96 = arith.constant 16 : i32
      %shift_right_arithmetic3A_97 = vector.broadcast %shift_right_arithmetic3A_96 : i32 to vector<16xi32>
      %shift_right_arithmetic3A_98 = arith.shrsi %get3A_88, %shift_right_arithmetic3A_97 : vector<16xi32>
      %swap3A_99 = arith.constant 64 : index
      %swap3A_100 = tpu.vector_load %arg8[%swap3A_99] {strides = array<i32>} : memref<128xi32, #tpu.memory_space<vmem>>, vector<16xi32>,
      %swap3A_101 = vector.shape_cast %swap3A_100 : vector<16xi32> to vector<16xi32>
      %swap3A_102 = vector.shape_cast %shift_right_arithmetic3A_98 : vector<16xi32> to vector<16xi32>
      tpu.vector_store %arg8[%swap3A_99], %swap3A_102 {strides = array<i32>} : memref<128xi32, #tpu.memory_space<vmem>>, vector<16xi32>,
      %get3A_103 = arith.constant 80 : index
      %get3A_104 = tpu.vector_load %arg6[%get3A_103] {strides = array<i32>} : memref<128xi32, #tpu.memory_space<vmem>>, vector<16xi32>,
      %get3A_105 = vector.shape_cast %get3A_104 : vector<16xi32> to vector<16xi32>
      %and3A_106 = arith.constant 65535 : i32
      %and3A_107 = vector.broadcast %and3A_106 : i32 to vector<16xi32>
      %and3A_108 = arith.andi %get3A_105, %and3A_107 : vector<16xi32>
      %swap3A_109 = arith.constant 80 : index
      %swap3A_110 = tpu.vector_load %arg7[%swap3A_109] {strides = array<i32>} : memref<128xi32, #tpu.memory_space<vmem>>, vector<16xi32>,
      %swap3A_111 = vector.shape_cast %swap3A_110 : vector<16xi32> to vector<16xi32>
      %swap3A_112 = vector.shape_cast %and3A_108 : vector<16xi32> to vector<16xi32>
      tpu.vector_store %arg7[%swap3A_109], %swap3A_112 {strides = array<i32>} : memref<128xi32, #tpu.memory_space<vmem>>, vector<16xi32>,
      %shift_right_arithmetic3A_113 = arith.constant 16 : i32
      %shift_right_arithmetic3A_114 = vector.broadcast %shift_right_arithmetic3A_113 : i32 to vector<16xi32>
      %shift_right_arithmetic3A_115 = arith.shrsi %get3A_105, %shift_right_arithmetic3A_114 : vector<16xi32>
      %swap3A_116 = arith.constant 80 : index
      %swap3A_117 = tpu.vector_load %arg8[%swap3A_116] {strides = array<i32>} : memref<128xi32, #tpu.memory_space<vmem>>, vector<16xi32>,
      %swap3A_118 = vector.shape_cast %swap3A_117 : vector<16xi32> to vector<16xi32>
      %swap3A_119 = vector.shape_cast %shift_right_arithmetic3A_115 : vector<16xi32> to vector<16xi32>
      tpu.vector_store %arg8[%swap3A_116], %swap3A_119 {strides = array<i32>} : memref<128xi32, #tpu.memory_space<vmem>>, vector<16xi32>,
      %get3A_120 = arith.constant 96 : index
      %get3A_121 = tpu.vector_load %arg6[%get3A_120] {strides = array<i32>} : memref<128xi32, #tpu.memory_space<vmem>>, vector<16xi32>,
      %get3A_122 = vector.shape_cast %get3A_121 : vector<16xi32> to vector<16xi32>
      %and3A_123 = arith.constant 65535 : i32
      %and3A_124 = vector.broadcast %and3A_123 : i32 to vector<16xi32>
      %and3A_125 = arith.andi %get3A_122, %and3A_124 : vector<16xi32>
      %swap3A_126 = arith.constant 96 : index
      %swap3A_127 = tpu.vector_load %arg7[%swap3A_126] {strides = array<i32>} : memref<128xi32, #tpu.memory_space<vmem>>, vector<16xi32>,
      %swap3A_128 = vector.shape_cast %swap3A_127 : vector<16xi32> to vector<16xi32>
      %swap3A_129 = vector.shape_cast %and3A_125 : vector<16xi32> to vector<16xi32>
      tpu.vector_store %arg7[%swap3A_126], %swap3A_129 {strides = array<i32>} : memref<128xi32, #tpu.memory_space<vmem>>, vector<16xi32>,
      %shift_right_arithmetic3A_130 = arith.constant 16 : i32
      %shift_right_arithmetic3A_131 = vector.broadcast %shift_right_arithmetic3A_130 : i32 to vector<16xi32>
      %shift_right_arithmetic3A_132 = arith.shrsi %get3A_122, %shift_right_arithmetic3A_131 : vector<16xi32>
      %swap3A_133 = arith.constant 96 : index
      %swap3A_134 = tpu.vector_load %arg8[%swap3A_133] {strides = array<i32>} : memref<128xi32, #tpu.memory_space<vmem>>, vector<16xi32>,
      %swap3A_135 = vector.shape_cast %swap3A_134 : vector<16xi32> to vector<16xi32>
      %swap3A_136 = vector.shape_cast %shift_right_arithmetic3A_132 : vector<16xi32> to vector<16xi32>
      tpu.vector_store %arg8[%swap3A_133], %swap3A_136 {strides = array<i32>} : memref<128xi32, #tpu.memory_space<vmem>>, vector<16xi32>,
      %get3A_137 = arith.constant 112 : index
      %get3A_138 = tpu.vector_load %arg6[%get3A_137] {strides = array<i32>} : memref<128xi32, #tpu.memory_space<vmem>>, vector<16xi32>,
      %get3A_139 = vector.shape_cast %get3A_138 : vector<16xi32> to vector<16xi32>
      %and3A_140 = arith.constant 65535 : i32
      %and3A_141 = vector.broadcast %and3A_140 : i32 to vector<16xi32>
      %and3A_142 = arith.andi %get3A_139, %and3A_141 : vector<16xi32>
      %swap3A_143 = arith.constant 112 : index
      %swap3A_144 = tpu.vector_load %arg7[%swap3A_143] {strides = array<i32>} : memref<128xi32, #tpu.memory_space<vmem>>, vector<16xi32>,
      %swap3A_145 = vector.shape_cast %swap3A_144 : vector<16xi32> to vector<16xi32>
      %swap3A_146 = vector.shape_cast %and3A_142 : vector<16xi32> to vector<16xi32>
      tpu.vector_store %arg7[%swap3A_143], %swap3A_146 {strides = array<i32>} : memref<128xi32, #tpu.memory_space<vmem>>, vector<16xi32>,
      %shift_right_arithmetic3A_147 = arith.constant 16 : i32
      %shift_right_arithmetic3A_148 = vector.broadcast %shift_right_arithmetic3A_147 : i32 to vector<16xi32>
      %shift_right_arithmetic3A_149 = arith.shrsi %get3A_139, %shift_right_arithmetic3A_148 : vector<16xi32>
      %swap3A_150 = arith.constant 112 : index
      %swap3A_151 = tpu.vector_load %arg8[%swap3A_150] {strides = array<i32>} : memref<128xi32, #tpu.memory_space<vmem>>, vector<16xi32>,
      %swap3A_152 = vector.shape_cast %swap3A_151 : vector<16xi32> to vector<16xi32>
      %swap3A_153 = vector.shape_cast %shift_right_arithmetic3A_149 : vector<16xi32> to vector<16xi32>
      tpu.vector_store %arg8[%swap3A_150], %swap3A_153 {strides = array<i32>} : memref<128xi32, #tpu.memory_space<vmem>>, vector<16xi32>,
      %dma_start3A = arith.constant 0 : i32
      %dma_start3A_154 = arith.constant 0 : i32
      %dma_start3A_155 = tpu.memref_slice %arg2[%dma_start3A, %dma_start3A_154] : memref<10000x128xf32, #tpu.memory_space<hbm>> -> memref<10000x128xf32, #tpu.memory_space<hbm>>
      tpu.enqueue_indirect_dma source(%dma_start3A_155 : memref<10000x128xf32, #tpu.memory_space<hbm>>) target(%arg9 : memref<128x128xf32, #tpu.memory_space<vmem>>) offsets(%arg7 : memref<128xi32, #tpu.memory_space<vmem>>) semaphore(%arg11 : memref<!tpu.dma_semaphore, #tpu.memory_space<semaphore_mem>>)
      %dma_wait3A = arith.constant 0 : i32
      %dma_wait3A_156 = arith.constant 0 : i32
      %dma_wait3A_157 = tpu.memref_slice %arg2[%dma_wait3A, %dma_wait3A_156] : memref<10000x128xf32, #tpu.memory_space<hbm>> -> memref<10000x128xf32, #tpu.memory_space<hbm>>
      tpu.wait_indirect_dma semaphore(%arg11 : memref<!tpu.dma_semaphore, #tpu.memory_space<semaphore_mem>>) src(%dma_wait3A_157 : memref<10000x128xf32, #tpu.memory_space<hbm>>) dst(%arg9 : memref<128x128xf32, #tpu.memory_space<vmem>>)
      "tpu.region"() ({
        %run_scoped3A = tpu.sem_alloc : memref<!tpu.dma_semaphore, #tpu.memory_space<semaphore_mem>>
        %dma_start3A_158 = arith.constant 0 : i32
        %dma_start3A_159 = arith.constant 0 : i32
        %dma_start3A_160 = tpu.memref_slice %arg10[%dma_start3A_158, %dma_start3A_159] : memref<10240x128xf32, #tpu.memory_space<vmem_shared>> -> memref<10240x128xf32, #tpu.memory_space<vmem_shared>>
        tpu.enqueue_indirect_dma source(%arg9 : memref<128x128xf32, #tpu.memory_space<vmem>>) target(%dma_start3A_160 : memref<10240x128xf32, #tpu.memory_space<vmem_shared>>) offsets(%arg8 : memref<128xi32, #tpu.memory_space<vmem>>) semaphore(%run_scoped3A : memref<!tpu.dma_semaphore, #tpu.memory_space<semaphore_mem>>) {add = true}
        %dma_wait3A_161 = arith.constant 0 : i32
        %dma_wait3A_162 = arith.constant 0 : i32
        %dma_wait3A_163 = tpu.memref_slice %arg10[%dma_wait3A_161, %dma_wait3A_162] : memref<10240x128xf32, #tpu.memory_space<vmem_shared>> -> memref<10240x128xf32, #tpu.memory_space<vmem_shared>>
        tpu.wait_indirect_dma semaphore(%run_scoped3A : memref<!tpu.dma_semaphore, #tpu.memory_space<semaphore_mem>>) src(%arg9 : memref<128x128xf32, #tpu.memory_space<vmem>>) dst(%dma_wait3A_163 : memref<10240x128xf32, #tpu.memory_space<vmem_shared>>)
        tpu.yield
      }) : () -> ()
    }
    %scan3A_8 = arith.constant 79 : i32
    %barrier3A_9 = arith.constant 0 : index
    tpu.barrier barrier_id(%barrier3A_9)
    %mul3A_10 = arith.constant 640 : i32
    %mul3A_11 = arith.muli %arg1, %mul3A_10 : i32
    %mul3A_12 = arith.constant 640 : i32
    %mul3A_13 = arith.muli %arg1, %mul3A_12 : i32
    "tpu.region"() ({
      %run_scoped3A = tpu.sem_alloc : memref<!tpu.dma_semaphore, #tpu.memory_space<semaphore_mem>>
      %dma_start3A = arith.constant 0 : i32
      %dma_start3A_14 = tpu.memref_slice %arg5[%arg0, %mul3A_13, %dma_start3A] : memref<2x10240x128xf32, #tpu.memory_space<hbm>> -> memref<1x640x128xf32, #tpu.memory_space<hbm>>
      %dma_start3A_15 = tpu.memref_squeeze %dma_start3A_14 : memref<1x640x128xf32, #tpu.memory_space<hbm>> -> memref<640x128xf32, #tpu.memory_space<hbm>>
      %dma_start3A_16 = arith.constant 0 : i32
      %dma_start3A_17 = tpu.memref_slice %arg10[%mul3A_11, %dma_start3A_16] : memref<10240x128xf32, #tpu.memory_space<vmem_shared>> -> memref<640x128xf32, #tpu.memory_space<vmem_shared>>
      tpu.enqueue_dma source(%dma_start3A_17 : memref<640x128xf32, #tpu.memory_space<vmem_shared>>) target(%dma_start3A_15 : memref<640x128xf32, #tpu.memory_space<hbm>>) target_semaphore(%run_scoped3A : memref<!tpu.dma_semaphore, #tpu.memory_space<semaphore_mem>>)
      %dma_wait3A = arith.constant 0 : i32
      %dma_wait3A_18 = tpu.memref_slice %arg5[%arg0, %mul3A_13, %dma_wait3A] : memref<2x10240x128xf32, #tpu.memory_space<hbm>> -> memref<1x640x128xf32, #tpu.memory_space<hbm>>
      %dma_wait3A_19 = tpu.memref_squeeze %dma_wait3A_18 : memref<1x640x128xf32, #tpu.memory_space<hbm>> -> memref<640x128xf32, #tpu.memory_space<hbm>>
      %dma_wait3A_20 = arith.constant 0 : i32
      %dma_wait3A_21 = tpu.memref_slice %arg10[%mul3A_11, %dma_wait3A_20] : memref<10240x128xf32, #tpu.memory_space<vmem_shared>> -> memref<640x128xf32, #tpu.memory_space<vmem_shared>>
      tpu.wait_dma2 semaphore(%run_scoped3A : memref<!tpu.dma_semaphore, #tpu.memory_space<semaphore_mem>>) src(%dma_wait3A_21 : memref<640x128xf32, #tpu.memory_space<vmem_shared>>) dst(%dma_wait3A_19 : memref<640x128xf32, #tpu.memory_space<hbm>>)
      tpu.yield
    }) : () -> ()
    return
  }
}

#map = affine_map<(d0, d1) -> (0, 0)>
#map1 = affine_map<(d0, d1) -> (0)>
#map2 = affine_map<(d0, d1) -> (0, 0, 0)>
module attributes {stable_mosaic.version = 14 : i64} {
  func.func @_segment_sum_sc(%arg0: i32, %arg1: i32, %arg2: memref<10000x128xf32, #tpu.memory_space<hbm>>, %arg3: memref<323584xi32, #tpu.memory_space<hbm>>, %arg4: memref<640x128xf32, #tpu.memory_space<hbm>>, %arg5: memref<2x10240x128xf32, #tpu.memory_space<hbm>>, %arg6: memref<128xi32, #tpu.memory_space<vmem>>, %arg7: memref<128xi32, #tpu.memory_space<vmem>>, %arg8: memref<128xi32, #tpu.memory_space<vmem>>, %arg9: memref<128x128xf32, #tpu.memory_space<vmem>>, %arg10: memref<10240x128xf32, #tpu.memory_space<vmem_shared>>, %arg11: memref<!tpu.dma_semaphore, #tpu.memory_space<semaphore_mem>>) attributes {dimension_semantics = [#tpu.dimension_semantics<core_parallel>, #tpu.dimension_semantics<subcore_parallel>], iteration_bounds = array<i64: 2, 16>, scalar_prefetch = 0 : i64, scratch_operands = 6 : i64, tpu.core_type = #tpu.core_type<sc_vector_subcore>, window_params = [{transform_indices = #map}, {transform_indices = #map1}, {transform_indices = #map}, {transform_indices = #map2}]} {
    %mul3A = arith.constant 2 : i32
    %mul3A_0 = arith.muli %arg1, %mul3A : i32
    %add3A = arith.addi %mul3A_0, %arg0 : i32
    %mul3A_1 = arith.constant 640 : i32
    %mul3A_2 = arith.muli %arg1, %mul3A_1 : i32
    "tpu.region"() ({
      %run_scoped3A = tpu.sem_alloc : memref<!tpu.dma_semaphore, #tpu.memory_space<semaphore_mem>>
      %dma_start3A = arith.constant 0 : i32
      %dma_start3A_14 = tpu.memref_slice %arg10[%mul3A_2, %dma_start3A] : memref<10240x128xf32, #tpu.memory_space<vmem_shared>> -> memref<640x128xf32, #tpu.memory_space<vmem_shared>>
      tpu.enqueue_dma source(%arg4 : memref<640x128xf32, #tpu.memory_space<hbm>>) target(%dma_start3A_14 : memref<640x128xf32, #tpu.memory_space<vmem_shared>>) target_semaphore(%run_scoped3A : memref<!tpu.dma_semaphore, #tpu.memory_space<semaphore_mem>>)
      %dma_wait3A = arith.constant 0 : i32
      %dma_wait3A_15 = tpu.memref_slice %arg10[%mul3A_2, %dma_wait3A] : memref<10240x128xf32, #tpu.memory_space<vmem_shared>> -> memref<640x128xf32, #tpu.memory_space<vmem_shared>>
      tpu.wait_dma2 semaphore(%run_scoped3A : memref<!tpu.dma_semaphore, #tpu.memory_space<semaphore_mem>>) src(%arg4 : memref<640x128xf32, #tpu.memory_space<hbm>>) dst(%dma_wait3A_15 : memref<640x128xf32, #tpu.memory_space<vmem_shared>>)
      tpu.yield
    }) : () -> ()
    %barrier3A = arith.constant 0 : index
    tpu.barrier barrier_id(%barrier3A)
    %mul3A_3 = arith.constant 10112 : i32
    %mul3A_4 = arith.muli %add3A, %mul3A_3 : i32
    %scan3A = arith.constant 0 : i32
    %scan3A_5 = arith.constant 79 : i32
    %scan3A_6 = arith.addi %scan3A, %scan3A_5 : i32
    %scan3A_7 = arith.constant 1 : i32
    scf.for %scan3A_14 = %scan3A to %scan3A_6 step %scan3A_7  : i32 {
      %mul3A_15 = arith.constant 1 : i32
      %mul3A_16 = arith.muli %scan3A_14, %mul3A_15 : i32
      %add3A_17 = arith.constant 0 : i32
      %add3A_18 = arith.addi %add3A_17, %mul3A_16 : i32
      %mul3A_19 = arith.constant 128 : i32
      %mul3A_20 = arith.muli %add3A_18, %mul3A_19 : i32
      %add3A_21 = arith.addi %mul3A_4, %mul3A_20 : i32
      "tpu.region"() ({
        %run_scoped3A = tpu.sem_alloc : memref<!tpu.dma_semaphore, #tpu.memory_space<semaphore_mem>>
        %dma_start3A_158 = tpu.memref_slice %arg3[%add3A_21] : memref<323584xi32, #tpu.memory_space<hbm>> -> memref<128xi32, #tpu.memory_space<hbm>>
        %dma_start3A_159 = tpu.memref_slice %arg3[%add3A_21] : memref<323584xi32, #tpu.memory_space<hbm>> -> memref<128xi32, #tpu.memory_space<hbm>>
        tpu.enqueue_dma source(%dma_start3A_159 : memref<128xi32, #tpu.memory_space<hbm>>) target(%arg6 : memref<128xi32, #tpu.memory_space<vmem>>) target_semaphore(%run_scoped3A : memref<!tpu.dma_semaphore, #tpu.memory_space<semaphore_mem>>)
        %dma_wait3A_160 = tpu.memref_slice %arg3[%add3A_21] : memref<323584xi32, #tpu.memory_space<hbm>> -> memref<128xi32, #tpu.memory_space<hbm>>
        %dma_wait3A_161 = tpu.memref_slice %arg3[%add3A_21] : memref<323584xi32, #tpu.memory_space<hbm>> -> memref<128xi32, #tpu.memory_space<hbm>>
        tpu.wait_dma2 semaphore(%run_scoped3A : memref<!tpu.dma_semaphore, #tpu.memory_space<semaphore_mem>>) src(%dma_wait3A_161 : memref<128xi32, #tpu.memory_space<hbm>>) dst(%arg6 : memref<128xi32, #tpu.memory_space<vmem>>)
        tpu.yield
      }) : () -> ()
      %get3A = arith.constant 0 : index
      %get3A_22 = tpu.vector_load %arg6[%get3A] {strides = array<i32>} : memref<128xi32, #tpu.memory_space<vmem>>, vector<16xi32>,
      %get3A_23 = vector.shape_cast %get3A_22 : vector<16xi32> to vector<16xi32>
      %and3A = arith.constant 65535 : i32
      %and3A_24 = vector.broadcast %and3A : i32 to vector<16xi32>
      %and3A_25 = arith.andi %get3A_23, %and3A_24 : vector<16xi32>
      %swap3A = arith.constant 0 : index
      %swap3A_26 = tpu.vector_load %arg7[%swap3A] {strides = array<i32>} : memref<128xi32, #tpu.memory_space<vmem>>, vector<16xi32>,
      %swap3A_27 = vector.shape_cast %swap3A_26 : vector<16xi32> to vector<16xi32>
      %swap3A_28 = vector.shape_cast %and3A_25 : vector<16xi32> to vector<16xi32>
      tpu.vector_store %arg7[%swap3A], %swap3A_28 {strides = array<i32>} : memref<128xi32, #tpu.memory_space<vmem>>, vector<16xi32>,
      %shift_right_arithmetic3A = arith.constant 16 : i32
      %shift_right_arithmetic3A_29 = vector.broadcast %shift_right_arithmetic3A : i32 to vector<16xi32>
      %shift_right_arithmetic3A_30 = arith.shrsi %get3A_23, %shift_right_arithmetic3A_29 : vector<16xi32>
      %swap3A_31 = arith.constant 0 : index
      %swap3A_32 = tpu.vector_load %arg8[%swap3A_31] {strides = array<i32>} : memref<128xi32, #tpu.memory_space<vmem>>, vector<16xi32>,
      %swap3A_33 = vector.shape_cast %swap3A_32 : vector<16xi32> to vector<16xi32>
      %swap3A_34 = vector.shape_cast %shift_right_arithmetic3A_30 : vector<16xi32> to vector<16xi32>
      tpu.vector_store %arg8[%swap3A_31], %swap3A_34 {strides = array<i32>} : memref<128xi32, #tpu.memory_space<vmem>>, vector<16xi32>,
      %get3A_35 = arith.constant 16 : index
      %get3A_36 = tpu.vector_load %arg6[%get3A_35] {strides = array<i32>} : memref<128xi32, #tpu.memory_space<vmem>>, vector<16xi32>,
      %get3A_37 = vector.shape_cast %get3A_36 : vector<16xi32> to vector<16xi32>
      %and3A_38 = arith.constant 65535 : i32
      %and3A_39 = vector.broadcast %and3A_38 : i32 to vector<16xi32>
      %and3A_40 = arith.andi %get3A_37, %and3A_39 : vector<16xi32>
      %swap3A_41 = arith.constant 16 : index
      %swap3A_42 = tpu.vector_load %arg7[%swap3A_41] {strides = array<i32>} : memref<128xi32, #tpu.memory_space<vmem>>, vector<16xi32>,
      %swap3A_43 = vector.shape_cast %swap3A_42 : vector<16xi32> to vector<16xi32>
      %swap3A_44 = vector.shape_cast %and3A_40 : vector<16xi32> to vector<16xi32>
      tpu.vector_store %arg7[%swap3A_41], %swap3A_44 {strides = array<i32>} : memref<128xi32, #tpu.memory_space<vmem>>, vector<16xi32>,
      %shift_right_arithmetic3A_45 = arith.constant 16 : i32
      %shift_right_arithmetic3A_46 = vector.broadcast %shift_right_arithmetic3A_45 : i32 to vector<16xi32>
      %shift_right_arithmetic3A_47 = arith.shrsi %get3A_37, %shift_right_arithmetic3A_46 : vector<16xi32>
      %swap3A_48 = arith.constant 16 : index
      %swap3A_49 = tpu.vector_load %arg8[%swap3A_48] {strides = array<i32>} : memref<128xi32, #tpu.memory_space<vmem>>, vector<16xi32>,
      %swap3A_50 = vector.shape_cast %swap3A_49 : vector<16xi32> to vector<16xi32>
      %swap3A_51 = vector.shape_cast %shift_right_arithmetic3A_47 : vector<16xi32> to vector<16xi32>
      tpu.vector_store %arg8[%swap3A_48], %swap3A_51 {strides = array<i32>} : memref<128xi32, #tpu.memory_space<vmem>>, vector<16xi32>,
      %get3A_52 = arith.constant 32 : index
      %get3A_53 = tpu.vector_load %arg6[%get3A_52] {strides = array<i32>} : memref<128xi32, #tpu.memory_space<vmem>>, vector<16xi32>,
      %get3A_54 = vector.shape_cast %get3A_53 : vector<16xi32> to vector<16xi32>
      %and3A_55 = arith.constant 65535 : i32
      %and3A_56 = vector.broadcast %and3A_55 : i32 to vector<16xi32>
      %and3A_57 = arith.andi %get3A_54, %and3A_56 : vector<16xi32>
      %swap3A_58 = arith.constant 32 : index
      %swap3A_59 = tpu.vector_load %arg7[%swap3A_58] {strides = array<i32>} : memref<128xi32, #tpu.memory_space<vmem>>, vector<16xi32>,
      %swap3A_60 = vector.shape_cast %swap3A_59 : vector<16xi32> to vector<16xi32>
      %swap3A_61 = vector.shape_cast %and3A_57 : vector<16xi32> to vector<16xi32>
      tpu.vector_store %arg7[%swap3A_58], %swap3A_61 {strides = array<i32>} : memref<128xi32, #tpu.memory_space<vmem>>, vector<16xi32>,
      %shift_right_arithmetic3A_62 = arith.constant 16 : i32
      %shift_right_arithmetic3A_63 = vector.broadcast %shift_right_arithmetic3A_62 : i32 to vector<16xi32>
      %shift_right_arithmetic3A_64 = arith.shrsi %get3A_54, %shift_right_arithmetic3A_63 : vector<16xi32>
      %swap3A_65 = arith.constant 32 : index
      %swap3A_66 = tpu.vector_load %arg8[%swap3A_65] {strides = array<i32>} : memref<128xi32, #tpu.memory_space<vmem>>, vector<16xi32>,
      %swap3A_67 = vector.shape_cast %swap3A_66 : vector<16xi32> to vector<16xi32>
      %swap3A_68 = vector.shape_cast %shift_right_arithmetic3A_64 : vector<16xi32> to vector<16xi32>
      tpu.vector_store %arg8[%swap3A_65], %swap3A_68 {strides = array<i32>} : memref<128xi32, #tpu.memory_space<vmem>>, vector<16xi32>,
      %get3A_69 = arith.constant 48 : index
      %get3A_70 = tpu.vector_load %arg6[%get3A_69] {strides = array<i32>} : memref<128xi32, #tpu.memory_space<vmem>>, vector<16xi32>,
      %get3A_71 = vector.shape_cast %get3A_70 : vector<16xi32> to vector<16xi32>
      %and3A_72 = arith.constant 65535 : i32
      %and3A_73 = vector.broadcast %and3A_72 : i32 to vector<16xi32>
      %and3A_74 = arith.andi %get3A_71, %and3A_73 : vector<16xi32>
      %swap3A_75 = arith.constant 48 : index
      %swap3A_76 = tpu.vector_load %arg7[%swap3A_75] {strides = array<i32>} : memref<128xi32, #tpu.memory_space<vmem>>, vector<16xi32>,
      %swap3A_77 = vector.shape_cast %swap3A_76 : vector<16xi32> to vector<16xi32>
      %swap3A_78 = vector.shape_cast %and3A_74 : vector<16xi32> to vector<16xi32>
      tpu.vector_store %arg7[%swap3A_75], %swap3A_78 {strides = array<i32>} : memref<128xi32, #tpu.memory_space<vmem>>, vector<16xi32>,
      %shift_right_arithmetic3A_79 = arith.constant 16 : i32
      %shift_right_arithmetic3A_80 = vector.broadcast %shift_right_arithmetic3A_79 : i32 to vector<16xi32>
      %shift_right_arithmetic3A_81 = arith.shrsi %get3A_71, %shift_right_arithmetic3A_80 : vector<16xi32>
      %swap3A_82 = arith.constant 48 : index
      %swap3A_83 = tpu.vector_load %arg8[%swap3A_82] {strides = array<i32>} : memref<128xi32, #tpu.memory_space<vmem>>, vector<16xi32>,
      %swap3A_84 = vector.shape_cast %swap3A_83 : vector<16xi32> to vector<16xi32>
      %swap3A_85 = vector.shape_cast %shift_right_arithmetic3A_81 : vector<16xi32> to vector<16xi32>
      tpu.vector_store %arg8[%swap3A_82], %swap3A_85 {strides = array<i32>} : memref<128xi32, #tpu.memory_space<vmem>>, vector<16xi32>,
      %get3A_86 = arith.constant 64 : index
      %get3A_87 = tpu.vector_load %arg6[%get3A_86] {strides = array<i32>} : memref<128xi32, #tpu.memory_space<vmem>>, vector<16xi32>,
      %get3A_88 = vector.shape_cast %get3A_87 : vector<16xi32> to vector<16xi32>
      %and3A_89 = arith.constant 65535 : i32
      %and3A_90 = vector.broadcast %and3A_89 : i32 to vector<16xi32>
      %and3A_91 = arith.andi %get3A_88, %and3A_90 : vector<16xi32>
      %swap3A_92 = arith.constant 64 : index
      %swap3A_93 = tpu.vector_load %arg7[%swap3A_92] {strides = array<i32>} : memref<128xi32, #tpu.memory_space<vmem>>, vector<16xi32>,
      %swap3A_94 = vector.shape_cast %swap3A_93 : vector<16xi32> to vector<16xi32>
      %swap3A_95 = vector.shape_cast %and3A_91 : vector<16xi32> to vector<16xi32>
      tpu.vector_store %arg7[%swap3A_92], %swap3A_95 {strides = array<i32>} : memref<128xi32, #tpu.memory_space<vmem>>, vector<16xi32>,
      %shift_right_arithmetic3A_96 = arith.constant 16 : i32
      %shift_right_arithmetic3A_97 = vector.broadcast %shift_right_arithmetic3A_96 : i32 to vector<16xi32>
      %shift_right_arithmetic3A_98 = arith.shrsi %get3A_88, %shift_right_arithmetic3A_97 : vector<16xi32>
      %swap3A_99 = arith.constant 64 : index
      %swap3A_100 = tpu.vector_load %arg8[%swap3A_99] {strides = array<i32>} : memref<128xi32, #tpu.memory_space<vmem>>, vector<16xi32>,
      %swap3A_101 = vector.shape_cast %swap3A_100 : vector<16xi32> to vector<16xi32>
      %swap3A_102 = vector.shape_cast %shift_right_arithmetic3A_98 : vector<16xi32> to vector<16xi32>
      tpu.vector_store %arg8[%swap3A_99], %swap3A_102 {strides = array<i32>} : memref<128xi32, #tpu.memory_space<vmem>>, vector<16xi32>,
      %get3A_103 = arith.constant 80 : index
      %get3A_104 = tpu.vector_load %arg6[%get3A_103] {strides = array<i32>} : memref<128xi32, #tpu.memory_space<vmem>>, vector<16xi32>,
      %get3A_105 = vector.shape_cast %get3A_104 : vector<16xi32> to vector<16xi32>
      %and3A_106 = arith.constant 65535 : i32
      %and3A_107 = vector.broadcast %and3A_106 : i32 to vector<16xi32>
      %and3A_108 = arith.andi %get3A_105, %and3A_107 : vector<16xi32>
      %swap3A_109 = arith.constant 80 : index
      %swap3A_110 = tpu.vector_load %arg7[%swap3A_109] {strides = array<i32>} : memref<128xi32, #tpu.memory_space<vmem>>, vector<16xi32>,
      %swap3A_111 = vector.shape_cast %swap3A_110 : vector<16xi32> to vector<16xi32>
      %swap3A_112 = vector.shape_cast %and3A_108 : vector<16xi32> to vector<16xi32>
      tpu.vector_store %arg7[%swap3A_109], %swap3A_112 {strides = array<i32>} : memref<128xi32, #tpu.memory_space<vmem>>, vector<16xi32>,
      %shift_right_arithmetic3A_113 = arith.constant 16 : i32
      %shift_right_arithmetic3A_114 = vector.broadcast %shift_right_arithmetic3A_113 : i32 to vector<16xi32>
      %shift_right_arithmetic3A_115 = arith.shrsi %get3A_105, %shift_right_arithmetic3A_114 : vector<16xi32>
      %swap3A_116 = arith.constant 80 : index
      %swap3A_117 = tpu.vector_load %arg8[%swap3A_116] {strides = array<i32>} : memref<128xi32, #tpu.memory_space<vmem>>, vector<16xi32>,
      %swap3A_118 = vector.shape_cast %swap3A_117 : vector<16xi32> to vector<16xi32>
      %swap3A_119 = vector.shape_cast %shift_right_arithmetic3A_115 : vector<16xi32> to vector<16xi32>
      tpu.vector_store %arg8[%swap3A_116], %swap3A_119 {strides = array<i32>} : memref<128xi32, #tpu.memory_space<vmem>>, vector<16xi32>,
      %get3A_120 = arith.constant 96 : index
      %get3A_121 = tpu.vector_load %arg6[%get3A_120] {strides = array<i32>} : memref<128xi32, #tpu.memory_space<vmem>>, vector<16xi32>,
      %get3A_122 = vector.shape_cast %get3A_121 : vector<16xi32> to vector<16xi32>
      %and3A_123 = arith.constant 65535 : i32
      %and3A_124 = vector.broadcast %and3A_123 : i32 to vector<16xi32>
      %and3A_125 = arith.andi %get3A_122, %and3A_124 : vector<16xi32>
      %swap3A_126 = arith.constant 96 : index
      %swap3A_127 = tpu.vector_load %arg7[%swap3A_126] {strides = array<i32>} : memref<128xi32, #tpu.memory_space<vmem>>, vector<16xi32>,
      %swap3A_128 = vector.shape_cast %swap3A_127 : vector<16xi32> to vector<16xi32>
      %swap3A_129 = vector.shape_cast %and3A_125 : vector<16xi32> to vector<16xi32>
      tpu.vector_store %arg7[%swap3A_126], %swap3A_129 {strides = array<i32>} : memref<128xi32, #tpu.memory_space<vmem>>, vector<16xi32>,
      %shift_right_arithmetic3A_130 = arith.constant 16 : i32
      %shift_right_arithmetic3A_131 = vector.broadcast %shift_right_arithmetic3A_130 : i32 to vector<16xi32>
      %shift_right_arithmetic3A_132 = arith.shrsi %get3A_122, %shift_right_arithmetic3A_131 : vector<16xi32>
      %swap3A_133 = arith.constant 96 : index
      %swap3A_134 = tpu.vector_load %arg8[%swap3A_133] {strides = array<i32>} : memref<128xi32, #tpu.memory_space<vmem>>, vector<16xi32>,
      %swap3A_135 = vector.shape_cast %swap3A_134 : vector<16xi32> to vector<16xi32>
      %swap3A_136 = vector.shape_cast %shift_right_arithmetic3A_132 : vector<16xi32> to vector<16xi32>
      tpu.vector_store %arg8[%swap3A_133], %swap3A_136 {strides = array<i32>} : memref<128xi32, #tpu.memory_space<vmem>>, vector<16xi32>,
      %get3A_137 = arith.constant 112 : index
      %get3A_138 = tpu.vector_load %arg6[%get3A_137] {strides = array<i32>} : memref<128xi32, #tpu.memory_space<vmem>>, vector<16xi32>,
      %get3A_139 = vector.shape_cast %get3A_138 : vector<16xi32> to vector<16xi32>
      %and3A_140 = arith.constant 65535 : i32
      %and3A_141 = vector.broadcast %and3A_140 : i32 to vector<16xi32>
      %and3A_142 = arith.andi %get3A_139, %and3A_141 : vector<16xi32>
      %swap3A_143 = arith.constant 112 : index
      %swap3A_144 = tpu.vector_load %arg7[%swap3A_143] {strides = array<i32>} : memref<128xi32, #tpu.memory_space<vmem>>, vector<16xi32>,
      %swap3A_145 = vector.shape_cast %swap3A_144 : vector<16xi32> to vector<16xi32>
      %swap3A_146 = vector.shape_cast %and3A_142 : vector<16xi32> to vector<16xi32>
      tpu.vector_store %arg7[%swap3A_143], %swap3A_146 {strides = array<i32>} : memref<128xi32, #tpu.memory_space<vmem>>, vector<16xi32>,
      %shift_right_arithmetic3A_147 = arith.constant 16 : i32
      %shift_right_arithmetic3A_148 = vector.broadcast %shift_right_arithmetic3A_147 : i32 to vector<16xi32>
      %shift_right_arithmetic3A_149 = arith.shrsi %get3A_139, %shift_right_arithmetic3A_148 : vector<16xi32>
      %swap3A_150 = arith.constant 112 : index
      %swap3A_151 = tpu.vector_load %arg8[%swap3A_150] {strides = array<i32>} : memref<128xi32, #tpu.memory_space<vmem>>, vector<16xi32>,
      %swap3A_152 = vector.shape_cast %swap3A_151 : vector<16xi32> to vector<16xi32>
      %swap3A_153 = vector.shape_cast %shift_right_arithmetic3A_149 : vector<16xi32> to vector<16xi32>
      tpu.vector_store %arg8[%swap3A_150], %swap3A_153 {strides = array<i32>} : memref<128xi32, #tpu.memory_space<vmem>>, vector<16xi32>,
      %dma_start3A = arith.constant 0 : i32
      %dma_start3A_154 = arith.constant 0 : i32
      %dma_start3A_155 = tpu.memref_slice %arg2[%dma_start3A, %dma_start3A_154] : memref<10000x128xf32, #tpu.memory_space<hbm>> -> memref<10000x128xf32, #tpu.memory_space<hbm>>
      tpu.enqueue_indirect_dma source(%dma_start3A_155 : memref<10000x128xf32, #tpu.memory_space<hbm>>) target(%arg9 : memref<128x128xf32, #tpu.memory_space<vmem>>) offsets(%arg7 : memref<128xi32, #tpu.memory_space<vmem>>) semaphore(%arg11 : memref<!tpu.dma_semaphore, #tpu.memory_space<semaphore_mem>>)
      %dma_wait3A = arith.constant 0 : i32
      %dma_wait3A_156 = arith.constant 0 : i32
      %dma_wait3A_157 = tpu.memref_slice %arg2[%dma_wait3A, %dma_wait3A_156] : memref<10000x128xf32, #tpu.memory_space<hbm>> -> memref<10000x128xf32, #tpu.memory_space<hbm>>
      tpu.wait_indirect_dma semaphore(%arg11 : memref<!tpu.dma_semaphore, #tpu.memory_space<semaphore_mem>>) src(%dma_wait3A_157 : memref<10000x128xf32, #tpu.memory_space<hbm>>) dst(%arg9 : memref<128x128xf32, #tpu.memory_space<vmem>>)
      "tpu.region"() ({
        %run_scoped3A = tpu.sem_alloc : memref<!tpu.dma_semaphore, #tpu.memory_space<semaphore_mem>>
        %dma_start3A_158 = arith.constant 0 : i32
        %dma_start3A_159 = arith.constant 0 : i32
        %dma_start3A_160 = tpu.memref_slice %arg10[%dma_start3A_158, %dma_start3A_159] : memref<10240x128xf32, #tpu.memory_space<vmem_shared>> -> memref<10240x128xf32, #tpu.memory_space<vmem_shared>>
        tpu.enqueue_indirect_dma source(%arg9 : memref<128x128xf32, #tpu.memory_space<vmem>>) target(%dma_start3A_160 : memref<10240x128xf32, #tpu.memory_space<vmem_shared>>) offsets(%arg8 : memref<128xi32, #tpu.memory_space<vmem>>) semaphore(%run_scoped3A : memref<!tpu.dma_semaphore, #tpu.memory_space<semaphore_mem>>) {add = true}
        %dma_wait3A_161 = arith.constant 0 : i32
        %dma_wait3A_162 = arith.constant 0 : i32
        %dma_wait3A_163 = tpu.memref_slice %arg10[%dma_wait3A_161, %dma_wait3A_162] : memref<10240x128xf32, #tpu.memory_space<vmem_shared>> -> memref<10240x128xf32, #tpu.memory_space<vmem_shared>>
        tpu.wait_indirect_dma semaphore(%run_scoped3A : memref<!tpu.dma_semaphore, #tpu.memory_space<semaphore_mem>>) src(%arg9 : memref<128x128xf32, #tpu.memory_space<vmem>>) dst(%dma_wait3A_163 : memref<10240x128xf32, #tpu.memory_space<vmem_shared>>)
        tpu.yield
      }) : () -> ()
    }
    %scan3A_8 = arith.constant 79 : i32
    %barrier3A_9 = arith.constant 0 : index
    tpu.barrier barrier_id(%barrier3A_9)
    %mul3A_10 = arith.constant 640 : i32
    %mul3A_11 = arith.muli %arg1, %mul3A_10 : i32
    %mul3A_12 = arith.constant 640 : i32
    %mul3A_13 = arith.muli %arg1, %mul3A_12 : i32
    "tpu.region"() ({
      %run_scoped3A = tpu.sem_alloc : memref<!tpu.dma_semaphore, #tpu.memory_space<semaphore_mem>>
      %dma_start3A = arith.constant 0 : i32
      %dma_start3A_14 = tpu.memref_slice %arg5[%arg0, %mul3A_13, %dma_start3A] : memref<2x10240x128xf32, #tpu.memory_space<hbm>> -> memref<1x640x128xf32, #tpu.memory_space<hbm>>
      %dma_start3A_15 = tpu.memref_squeeze %dma_start3A_14 : memref<1x640x128xf32, #tpu.memory_space<hbm>> -> memref<640x128xf32, #tpu.memory_space<hbm>>
      %dma_start3A_16 = arith.constant 0 : i32
      %dma_start3A_17 = tpu.memref_slice %arg10[%mul3A_11, %dma_start3A_16] : memref<10240x128xf32, #tpu.memory_space<vmem_shared>> -> memref<640x128xf32, #tpu.memory_space<vmem_shared>>
      tpu.enqueue_dma source(%dma_start3A_17 : memref<640x128xf32, #tpu.memory_space<vmem_shared>>) target(%dma_start3A_15 : memref<640x128xf32, #tpu.memory_space<hbm>>) target_semaphore(%run_scoped3A : memref<!tpu.dma_semaphore, #tpu.memory_space<semaphore_mem>>)
      %dma_wait3A = arith.constant 0 : i32
      %dma_wait3A_18 = tpu.memref_slice %arg5[%arg0, %mul3A_13, %dma_wait3A] : memref<2x10240x128xf32, #tpu.memory_space<hbm>> -> memref<1x640x128xf32, #tpu.memory_space<hbm>>
      %dma_wait3A_19 = tpu.memref_squeeze %dma_wait3A_18 : memref<1x640x128xf32, #tpu.memory_space<hbm>> -> memref<640x128xf32, #tpu.memory_space<hbm>>
      %dma_wait3A_20 = arith.constant 0 : i32
      %dma_wait3A_21 = tpu.memref_slice %arg10[%mul3A_11, %dma_wait3A_20] : memref<10240x128xf32, #tpu.memory_space<vmem_shared>> -> memref<640x128xf32, #tpu.memory_space<vmem_shared>>
      tpu.wait_dma2 semaphore(%run_scoped3A : memref<!tpu.dma_semaphore, #tpu.memory_space<semaphore_mem>>) src(%dma_wait3A_21 : memref<640x128xf32, #tpu.memory_space<vmem_shared>>) dst(%dma_wait3A_19 : memref<640x128xf32, #tpu.memory_space<hbm>>)
      tpu.yield
    }) : () -> ()
    return
  }
}

module attributes {stable_mosaic.version = 14 : i64} {
  func.func @_encoder_body(%arg0: i32, %arg1: memref<1000x128xf32, #tpu.memory_space<vmem>>, %arg2: memref<128x128xf32, #tpu.memory_space<vmem>>, %arg3: memref<1x128xf32, #tpu.memory_space<vmem>>, %arg4: memref<1000x128xf32, #tpu.memory_space<vmem>>) attributes {dimension_semantics = [#tpu.dimension_semantics<arbitrary>], iteration_bounds = array<i64: 10>, scalar_prefetch = 0 : i64, scratch_operands = 0 : i64, tpu.core_type = #tpu.core_type<tc>, window_params = [{transform_indices = @transform_0, window_bounds = array<i64: 1000, 128>}, {pipeline_mode = #tpu.pipeline_mode<synchronous>, transform_indices = @transform_1, window_bounds = array<i64: 128, 128>}, {pipeline_mode = #tpu.pipeline_mode<synchronous>, transform_indices = @transform_2, window_bounds = array<i64: 1, 128>}, {transform_indices = @transform_3, window_bounds = array<i64: 1000, 128>}]} {
    %get3A = arith.constant 0 : index
    %get3A_0 = arith.constant 0 : index
    %get3A_1 = vector.load %arg1[%get3A, %get3A_0] : memref<1000x128xf32, #tpu.memory_space<vmem>>, vector<1000x128xf32>
    %get3A_2 = arith.constant 0 : index
    %get3A_3 = arith.constant 0 : index
    %get3A_4 = vector.load %arg2[%get3A_2, %get3A_3] : memref<128x128xf32, #tpu.memory_space<vmem>>, vector<128x128xf32>
    %dot_general3A = arith.constant dense<0.000000e+00> : vector<1000x128xf32>
    %dot_general3A_5 = tpu.matmul %get3A_1, %get3A_4, %dot_general3A {dimension_numbers = #tpu.dot_dimension_numbers<[1], [0], [0], [1], [0, 0, 1, 1], [], []>, transpose_lhs_hint = false} : vector<1000x128xf32>, vector<128x128xf32>, vector<1000x128xf32> -> vector<1000x128xf32>
    %get3A_6 = arith.constant 0 : index
    %get3A_7 = arith.constant 0 : index
    %get3A_8 = vector.load %arg3[%get3A_6, %get3A_7] : memref<1x128xf32, #tpu.memory_space<vmem>>, vector<1x128xf32>
    %add3A = vector.broadcast %get3A_8 : vector<1x128xf32> to vector<1000x128xf32>
    %add3A_9 = arith.addf %dot_general3A_5, %add3A : vector<1000x128xf32>
    %max3A = arith.constant 0.000000e+00 : f32
    %max3A_10 = vector.broadcast %max3A : f32 to vector<1000x128xf32>
    %max3A_11 = arith.maximumf %add3A_9, %max3A_10 : vector<1000x128xf32>
    %swap3A = arith.constant 0 : index
    %swap3A_12 = arith.constant 0 : index
    %swap3A_13 = vector.load %arg4[%swap3A, %swap3A_12] : memref<1000x128xf32, #tpu.memory_space<vmem>>, vector<1000x128xf32>
    tpu.vector_store %arg4[%swap3A, %swap3A_12], %max3A_11 {strides = array<i32>} : memref<1000x128xf32, #tpu.memory_space<vmem>>, vector<1000x128xf32>,
    return
  }
  func.func @transform_0(%arg0: i32) -> (i32, i32) {
    %c0_i32 = arith.constant 0 : i32
    %c0_i32_0 = arith.constant 0 : i32
    return %arg0, %c0_i32 : i32, i32
  }
  func.func @transform_1(%arg0: i32) -> (i32, i32) {
    %c0_i32 = arith.constant 0 : i32
    %c0_i32_0 = arith.constant 0 : i32
    %c0_i32_1 = arith.constant 0 : i32
    return %c0_i32, %c0_i32_0 : i32, i32
  }
  func.func @transform_2(%arg0: i32) -> (i32, i32) {
    %c0_i32 = arith.constant 0 : i32
    %c0_i32_0 = arith.constant 0 : i32
    %c0_i32_1 = arith.constant 0 : i32
    return %c0_i32, %c0_i32_0 : i32, i32
  }
  func.func @transform_3(%arg0: i32) -> (i32, i32) {
    %c0_i32 = arith.constant 0 : i32
    %c0_i32_0 = arith.constant 0 : i32
    return %arg0, %c0_i32 : i32, i32
  }
}

module attributes {stable_mosaic.version = 14 : i64} {
  func.func @_gin_mlp_body(%arg0: i32, %arg1: memref<1000x128xf32, #tpu.memory_space<vmem>>, %arg2: memref<2x1000x128xf32, #tpu.memory_space<vmem>>, %arg3: memref<1x1xf32, #tpu.memory_space<vmem>>, %arg4: memref<128x128xf32, #tpu.memory_space<vmem>>, %arg5: memref<1x128xf32, #tpu.memory_space<vmem>>, %arg6: memref<128x128xf32, #tpu.memory_space<vmem>>, %arg7: memref<1x128xf32, #tpu.memory_space<vmem>>, %arg8: memref<1000x128xf32, #tpu.memory_space<vmem>>) attributes {dimension_semantics = [#tpu.dimension_semantics<arbitrary>], iteration_bounds = array<i64: 10>, scalar_prefetch = 0 : i64, scratch_operands = 0 : i64, tpu.core_type = #tpu.core_type<tc>, window_params = [{transform_indices = @transform_0, window_bounds = array<i64: 1000, 128>}, {transform_indices = @transform_1, window_bounds = array<i64: 2, 1000, 128>}, {pipeline_mode = #tpu.pipeline_mode<synchronous>, transform_indices = @transform_2, window_bounds = array<i64: 1, 1>}, {pipeline_mode = #tpu.pipeline_mode<synchronous>, transform_indices = @transform_3, window_bounds = array<i64: 128, 128>}, {pipeline_mode = #tpu.pipeline_mode<synchronous>, transform_indices = @transform_4, window_bounds = array<i64: 1, 128>}, {pipeline_mode = #tpu.pipeline_mode<synchronous>, transform_indices = @transform_5, window_bounds = array<i64: 128, 128>}, {pipeline_mode = #tpu.pipeline_mode<synchronous>, transform_indices = @transform_6, window_bounds = array<i64: 1, 128>}, {transform_indices = @transform_7, window_bounds = array<i64: 1000, 128>}]} {
    %get3A = arith.constant 0 : index
    %get3A_0 = arith.constant 0 : index
    %get3A_1 = vector.load %arg3[%get3A, %get3A_0] : memref<1x1xf32, #tpu.memory_space<vmem>>, vector<1x1xf32>
    %get3A_2 = vector.extract %get3A_1[0, 0] : f32 from vector<1x1xf32>
    %get3A_3 = arith.constant 0 : index
    %get3A_4 = arith.constant 0 : index
    %get3A_5 = vector.load %arg1[%get3A_3, %get3A_4] : memref<1000x128xf32, #tpu.memory_space<vmem>>, vector<1000x128xf32>
    %mul3A = vector.broadcast %get3A_2 : f32 to vector<1000x128xf32>
    %mul3A_6 = arith.mulf %mul3A, %get3A_5 : vector<1000x128xf32>
    %get3A_7 = arith.constant 0 : index
    %get3A_8 = arith.constant 0 : index
    %get3A_9 = arith.constant 0 : index
    %get3A_10 = vector.load %arg2[%get3A_7, %get3A_8, %get3A_9] : memref<2x1000x128xf32, #tpu.memory_space<vmem>>, vector<1x1000x128xf32>
    %get3A_11 = vector.shape_cast %get3A_10 : vector<1x1000x128xf32> to vector<1000x128xf32>
    %add3A = arith.addf %mul3A_6, %get3A_11 : vector<1000x128xf32>
    %get3A_12 = arith.constant 1 : index
    %get3A_13 = arith.constant 0 : index
    %get3A_14 = arith.constant 0 : index
    %get3A_15 = vector.load %arg2[%get3A_12, %get3A_13, %get3A_14] : memref<2x1000x128xf32, #tpu.memory_space<vmem>>, vector<1x1000x128xf32>
    %get3A_16 = vector.shape_cast %get3A_15 : vector<1x1000x128xf32> to vector<1000x128xf32>
    %add3A_17 = arith.addf %add3A, %get3A_16 : vector<1000x128xf32>
    %get3A_18 = arith.constant 0 : index
    %get3A_19 = arith.constant 0 : index
    %get3A_20 = vector.load %arg4[%get3A_18, %get3A_19] : memref<128x128xf32, #tpu.memory_space<vmem>>, vector<128x128xf32>
    %dot_general3A = arith.constant dense<0.000000e+00> : vector<1000x128xf32>
    %dot_general3A_21 = tpu.matmul %add3A_17, %get3A_20, %dot_general3A {dimension_numbers = #tpu.dot_dimension_numbers<[1], [0], [0], [1], [0, 0, 1, 1], [], []>, transpose_lhs_hint = false} : vector<1000x128xf32>, vector<128x128xf32>, vector<1000x128xf32> -> vector<1000x128xf32>
    %get3A_22 = arith.constant 0 : index
    %get3A_23 = arith.constant 0 : index
    %get3A_24 = vector.load %arg5[%get3A_22, %get3A_23] : memref<1x128xf32, #tpu.memory_space<vmem>>, vector<1x128xf32>
    %add3A_25 = vector.broadcast %get3A_24 : vector<1x128xf32> to vector<1000x128xf32>
    %add3A_26 = arith.addf %dot_general3A_21, %add3A_25 : vector<1000x128xf32>
    %max3A = arith.constant 0.000000e+00 : f32
    %max3A_27 = vector.broadcast %max3A : f32 to vector<1000x128xf32>
    %max3A_28 = arith.maximumf %add3A_26, %max3A_27 : vector<1000x128xf32>
    %get3A_29 = arith.constant 0 : index
    %get3A_30 = arith.constant 0 : index
    %get3A_31 = vector.load %arg6[%get3A_29, %get3A_30] : memref<128x128xf32, #tpu.memory_space<vmem>>, vector<128x128xf32>
    %dot_general3A_32 = arith.constant dense<0.000000e+00> : vector<1000x128xf32>
    %dot_general3A_33 = tpu.matmul %max3A_28, %get3A_31, %dot_general3A_32 {dimension_numbers = #tpu.dot_dimension_numbers<[1], [0], [0], [1], [0, 0, 1, 1], [], []>, transpose_lhs_hint = false} : vector<1000x128xf32>, vector<128x128xf32>, vector<1000x128xf32> -> vector<1000x128xf32>
    %get3A_34 = arith.constant 0 : index
    %get3A_35 = arith.constant 0 : index
    %get3A_36 = vector.load %arg7[%get3A_34, %get3A_35] : memref<1x128xf32, #tpu.memory_space<vmem>>, vector<1x128xf32>
    %add3A_37 = vector.broadcast %get3A_36 : vector<1x128xf32> to vector<1000x128xf32>
    %add3A_38 = arith.addf %dot_general3A_33, %add3A_37 : vector<1000x128xf32>
    %swap3A = arith.constant 0 : index
    %swap3A_39 = arith.constant 0 : index
    %swap3A_40 = vector.load %arg8[%swap3A, %swap3A_39] : memref<1000x128xf32, #tpu.memory_space<vmem>>, vector<1000x128xf32>
    tpu.vector_store %arg8[%swap3A, %swap3A_39], %add3A_38 {strides = array<i32>} : memref<1000x128xf32, #tpu.memory_space<vmem>>, vector<1000x128xf32>,
    return
  }
  func.func @transform_0(%arg0: i32) -> (i32, i32) {
    %c0_i32 = arith.constant 0 : i32
    %c0_i32_0 = arith.constant 0 : i32
    return %arg0, %c0_i32 : i32, i32
  }
  func.func @transform_1(%arg0: i32) -> (i32, i32, i32) {
    %c0_i32 = arith.constant 0 : i32
    %c0_i32_0 = arith.constant 0 : i32
    %c0_i32_1 = arith.constant 0 : i32
    return %c0_i32, %arg0, %c0_i32_0 : i32, i32, i32
  }
  func.func @transform_2(%arg0: i32) -> (i32, i32) {
    %c0_i32 = arith.constant 0 : i32
    %c0_i32_0 = arith.constant 0 : i32
    %c0_i32_1 = arith.constant 0 : i32
    return %c0_i32, %c0_i32_0 : i32, i32
  }
  func.func @transform_3(%arg0: i32) -> (i32, i32) {
    %c0_i32 = arith.constant 0 : i32
    %c0_i32_0 = arith.constant 0 : i32
    %c0_i32_1 = arith.constant 0 : i32
    return %c0_i32, %c0_i32_0 : i32, i32
  }
  func.func @transform_4(%arg0: i32) -> (i32, i32) {
    %c0_i32 = arith.constant 0 : i32
    %c0_i32_0 = arith.constant 0 : i32
    %c0_i32_1 = arith.constant 0 : i32
    return %c0_i32, %c0_i32_0 : i32, i32
  }
  func.func @transform_5(%arg0: i32) -> (i32, i32) {
    %c0_i32 = arith.constant 0 : i32
    %c0_i32_0 = arith.constant 0 : i32
    %c0_i32_1 = arith.constant 0 : i32
    return %c0_i32, %c0_i32_0 : i32, i32
  }
  func.func @transform_6(%arg0: i32) -> (i32, i32) {
    %c0_i32 = arith.constant 0 : i32
    %c0_i32_0 = arith.constant 0 : i32
    %c0_i32_1 = arith.constant 0 : i32
    return %c0_i32, %c0_i32_0 : i32, i32
  }
  func.func @transform_7(%arg0: i32) -> (i32, i32) {
    %c0_i32 = arith.constant 0 : i32
    %c0_i32_0 = arith.constant 0 : i32
    return %arg0, %c0_i32 : i32, i32
  }
}

module attributes {stable_mosaic.version = 14 : i64} {
  func.func @_gin_mlp_body(%arg0: i32, %arg1: memref<1000x128xf32, #tpu.memory_space<vmem>>, %arg2: memref<2x1000x128xf32, #tpu.memory_space<vmem>>, %arg3: memref<1x1xf32, #tpu.memory_space<vmem>>, %arg4: memref<128x128xf32, #tpu.memory_space<vmem>>, %arg5: memref<1x128xf32, #tpu.memory_space<vmem>>, %arg6: memref<128x128xf32, #tpu.memory_space<vmem>>, %arg7: memref<1x128xf32, #tpu.memory_space<vmem>>, %arg8: memref<1000x128xf32, #tpu.memory_space<vmem>>) attributes {dimension_semantics = [#tpu.dimension_semantics<arbitrary>], iteration_bounds = array<i64: 10>, scalar_prefetch = 0 : i64, scratch_operands = 0 : i64, tpu.core_type = #tpu.core_type<tc>, window_params = [{transform_indices = @transform_0, window_bounds = array<i64: 1000, 128>}, {transform_indices = @transform_1, window_bounds = array<i64: 2, 1000, 128>}, {pipeline_mode = #tpu.pipeline_mode<synchronous>, transform_indices = @transform_2, window_bounds = array<i64: 1, 1>}, {pipeline_mode = #tpu.pipeline_mode<synchronous>, transform_indices = @transform_3, window_bounds = array<i64: 128, 128>}, {pipeline_mode = #tpu.pipeline_mode<synchronous>, transform_indices = @transform_4, window_bounds = array<i64: 1, 128>}, {pipeline_mode = #tpu.pipeline_mode<synchronous>, transform_indices = @transform_5, window_bounds = array<i64: 128, 128>}, {pipeline_mode = #tpu.pipeline_mode<synchronous>, transform_indices = @transform_6, window_bounds = array<i64: 1, 128>}, {transform_indices = @transform_7, window_bounds = array<i64: 1000, 128>}]} {
    %get3A = arith.constant 0 : index
    %get3A_0 = arith.constant 0 : index
    %get3A_1 = vector.load %arg3[%get3A, %get3A_0] : memref<1x1xf32, #tpu.memory_space<vmem>>, vector<1x1xf32>
    %get3A_2 = vector.extract %get3A_1[0, 0] : f32 from vector<1x1xf32>
    %get3A_3 = arith.constant 0 : index
    %get3A_4 = arith.constant 0 : index
    %get3A_5 = vector.load %arg1[%get3A_3, %get3A_4] : memref<1000x128xf32, #tpu.memory_space<vmem>>, vector<1000x128xf32>
    %mul3A = vector.broadcast %get3A_2 : f32 to vector<1000x128xf32>
    %mul3A_6 = arith.mulf %mul3A, %get3A_5 : vector<1000x128xf32>
    %get3A_7 = arith.constant 0 : index
    %get3A_8 = arith.constant 0 : index
    %get3A_9 = arith.constant 0 : index
    %get3A_10 = vector.load %arg2[%get3A_7, %get3A_8, %get3A_9] : memref<2x1000x128xf32, #tpu.memory_space<vmem>>, vector<1x1000x128xf32>
    %get3A_11 = vector.shape_cast %get3A_10 : vector<1x1000x128xf32> to vector<1000x128xf32>
    %add3A = arith.addf %mul3A_6, %get3A_11 : vector<1000x128xf32>
    %get3A_12 = arith.constant 1 : index
    %get3A_13 = arith.constant 0 : index
    %get3A_14 = arith.constant 0 : index
    %get3A_15 = vector.load %arg2[%get3A_12, %get3A_13, %get3A_14] : memref<2x1000x128xf32, #tpu.memory_space<vmem>>, vector<1x1000x128xf32>
    %get3A_16 = vector.shape_cast %get3A_15 : vector<1x1000x128xf32> to vector<1000x128xf32>
    %add3A_17 = arith.addf %add3A, %get3A_16 : vector<1000x128xf32>
    %get3A_18 = arith.constant 0 : index
    %get3A_19 = arith.constant 0 : index
    %get3A_20 = vector.load %arg4[%get3A_18, %get3A_19] : memref<128x128xf32, #tpu.memory_space<vmem>>, vector<128x128xf32>
    %dot_general3A = arith.constant dense<0.000000e+00> : vector<1000x128xf32>
    %dot_general3A_21 = tpu.matmul %add3A_17, %get3A_20, %dot_general3A {dimension_numbers = #tpu.dot_dimension_numbers<[1], [0], [0], [1], [0, 0, 1, 1], [], []>, transpose_lhs_hint = false} : vector<1000x128xf32>, vector<128x128xf32>, vector<1000x128xf32> -> vector<1000x128xf32>
    %get3A_22 = arith.constant 0 : index
    %get3A_23 = arith.constant 0 : index
    %get3A_24 = vector.load %arg5[%get3A_22, %get3A_23] : memref<1x128xf32, #tpu.memory_space<vmem>>, vector<1x128xf32>
    %add3A_25 = vector.broadcast %get3A_24 : vector<1x128xf32> to vector<1000x128xf32>
    %add3A_26 = arith.addf %dot_general3A_21, %add3A_25 : vector<1000x128xf32>
    %max3A = arith.constant 0.000000e+00 : f32
    %max3A_27 = vector.broadcast %max3A : f32 to vector<1000x128xf32>
    %max3A_28 = arith.maximumf %add3A_26, %max3A_27 : vector<1000x128xf32>
    %get3A_29 = arith.constant 0 : index
    %get3A_30 = arith.constant 0 : index
    %get3A_31 = vector.load %arg6[%get3A_29, %get3A_30] : memref<128x128xf32, #tpu.memory_space<vmem>>, vector<128x128xf32>
    %dot_general3A_32 = arith.constant dense<0.000000e+00> : vector<1000x128xf32>
    %dot_general3A_33 = tpu.matmul %max3A_28, %get3A_31, %dot_general3A_32 {dimension_numbers = #tpu.dot_dimension_numbers<[1], [0], [0], [1], [0, 0, 1, 1], [], []>, transpose_lhs_hint = false} : vector<1000x128xf32>, vector<128x128xf32>, vector<1000x128xf32> -> vector<1000x128xf32>
    %get3A_34 = arith.constant 0 : index
    %get3A_35 = arith.constant 0 : index
    %get3A_36 = vector.load %arg7[%get3A_34, %get3A_35] : memref<1x128xf32, #tpu.memory_space<vmem>>, vector<1x128xf32>
    %add3A_37 = vector.broadcast %get3A_36 : vector<1x128xf32> to vector<1000x128xf32>
    %add3A_38 = arith.addf %dot_general3A_33, %add3A_37 : vector<1000x128xf32>
    %max3A_39 = arith.constant 0.000000e+00 : f32
    %max3A_40 = vector.broadcast %max3A_39 : f32 to vector<1000x128xf32>
    %max3A_41 = arith.maximumf %add3A_38, %max3A_40 : vector<1000x128xf32>
    %swap3A = arith.constant 0 : index
    %swap3A_42 = arith.constant 0 : index
    %swap3A_43 = vector.load %arg8[%swap3A, %swap3A_42] : memref<1000x128xf32, #tpu.memory_space<vmem>>, vector<1000x128xf32>
    tpu.vector_store %arg8[%swap3A, %swap3A_42], %max3A_41 {strides = array<i32>} : memref<1000x128xf32, #tpu.memory_space<vmem>>, vector<1000x128xf32>,
    return
  }
  func.func @transform_0(%arg0: i32) -> (i32, i32) {
    %c0_i32 = arith.constant 0 : i32
    %c0_i32_0 = arith.constant 0 : i32
    return %arg0, %c0_i32 : i32, i32
  }
  func.func @transform_1(%arg0: i32) -> (i32, i32, i32) {
    %c0_i32 = arith.constant 0 : i32
    %c0_i32_0 = arith.constant 0 : i32
    %c0_i32_1 = arith.constant 0 : i32
    return %c0_i32, %arg0, %c0_i32_0 : i32, i32, i32
  }
  func.func @transform_2(%arg0: i32) -> (i32, i32) {
    %c0_i32 = arith.constant 0 : i32
    %c0_i32_0 = arith.constant 0 : i32
    %c0_i32_1 = arith.constant 0 : i32
    return %c0_i32, %c0_i32_0 : i32, i32
  }
  func.func @transform_3(%arg0: i32) -> (i32, i32) {
    %c0_i32 = arith.constant 0 : i32
    %c0_i32_0 = arith.constant 0 : i32
    %c0_i32_1 = arith.constant 0 : i32
    return %c0_i32, %c0_i32_0 : i32, i32
  }
  func.func @transform_4(%arg0: i32) -> (i32, i32) {
    %c0_i32 = arith.constant 0 : i32
    %c0_i32_0 = arith.constant 0 : i32
    %c0_i32_1 = arith.constant 0 : i32
    return %c0_i32, %c0_i32_0 : i32, i32
  }
  func.func @transform_5(%arg0: i32) -> (i32, i32) {
    %c0_i32 = arith.constant 0 : i32
    %c0_i32_0 = arith.constant 0 : i32
    %c0_i32_1 = arith.constant 0 : i32
    return %c0_i32, %c0_i32_0 : i32, i32
  }
  func.func @transform_6(%arg0: i32) -> (i32, i32) {
    %c0_i32 = arith.constant 0 : i32
    %c0_i32_0 = arith.constant 0 : i32
    %c0_i32_1 = arith.constant 0 : i32
    return %c0_i32, %c0_i32_0 : i32, i32
  }
  func.func @transform_7(%arg0: i32) -> (i32, i32) {
    %c0_i32 = arith.constant 0 : i32
    %c0_i32_0 = arith.constant 0 : i32
    return %arg0, %c0_i32 : i32, i32
  }
}

</mosaic_0001>

<sc_bundles>
// kernel: kernel.13.cloned.1.call-start
scs
__scs_entry_jumppad:
0x0: {  	(pc) =	sbr.rel $0x88, $3  }
0x1: {  	(tag) =	ssettag $0x0;
	lr =	simm.s32 $0x1  }
0x2: {  	[smem:$0x3F98] =	sst lr;
	_ =	strace $0xD0000000  }
0x3: {  	_ = 	snop  }
0x4: {  	_ = 	snop  }
0x5: {  	_ = 	snop  }
0x6: {  	_ = 	snop  }
0x7: {  	_ = 	snop  }
__scs_overlays_trampoline_lowered:
0x8: {  	[smem:$0x3FA7] =	sst s0  }
0x9: {  	[smem:$0x3FA8] =	sst s1  }
0xa: {  	[smem:$0x3FA9] =	sst s2  }
0xb: {  	[smem:$0x3FAA] =	sst s3  }
0xc: {  	[smem:$0x3FAB] =	sst s4  }
0xd: {  	[smem:$0x3FAC] =	sst s5  }
0xe: {  	[smem:$0x3FAD] =	sst s6  }
0xf: {  	[smem:$0x3FAE] =	sst s7  }
0x10: {  	[smem:$0x3FAF] =	sst s8  }
0x11: {  	[smem:$0x3FB0] =	sst s9;
	s0 =	simm.s32 @!p0 $0x0  }
0x12: {  	s1 =	sld [smem:$0x3F96];
	s0 =	simm.s32 @p0 $0x1  }
0x13: {  	[smem:$0x3FB1] =	sst s0;
	s0 =	simm.s32 @!p1 $0x0  }
0x14: {  	s2 =	sld [smem:$0x3F95];
	s0 =	simm.s32 @p1 $0x1  }
0x15: {  	[smem:$0x3FB2] =	sst s0;
	s0 =	simm.s32 @!p2 $0x0  }
0x16: {  	s3 =	sld [smem:$0x3FDB];
	s0 =	simm.s32 @p2 $0x1  }
0x17: {  	s4 =	simm.s32 $0x1BF5;
	[smem:$0x3FB4] =	sst s0  }
0x18: {  	s0 =	sld [smem:$0x3F97];
	_ =	swait.ge [sflag:s4], $0x0  }
0x19: {  	s7 =	sld [smem:$0x3F98]  }
0x1a: {  	s8 =	sadd.s32 $0xFFFFE003, lr  }
0x1b: {  	s9 =	sadd.s32 $0xFFFFFEF7, lr;
	s5 =	simm.s32 $0xFFFFFFFF;
	p2 =	slt.u32 s8, $0xFFFFF086  }
0x1c: {  	p1 =	slt.u32 s9, $0xF7A;
	s5 =	simm.s32 @!p2 $0x0  }
0x1d: {  	s5 =	simm.s32 @p1 $0x1;
	p0 =	seq.s32 s7, s2  }
0x1e: {  	s7 =	smul.u32 @!p0 $0xF7A, s2;
	p2 =	seq.s32 @!p0 s5, $0x0  }
0x1f: {  	s9 =	smul.u32 $0xF7A, s1;
	s8 =	simm.s32 @!p0 $0x1BF5;
	p2 =	por !p2, p0  }
0x20: {  	[sflag:s8] =	ssyncset.s32 @!p0 $0xFFFFF086;
	s6 =	sadd.s32 @!p0 s3, s7;
	s7 =	simm.s32 @!p0 $0x108  }
0x21: {  	s3 =	sadd.s32 s3, s9;
	s6 =	sadd.s32 @!p0 $0x88, s6;
	s7 =	simm.s32 @p2 $0x1082  }
0x22: {  	[simem:s7], [sflag:s8] =	dma.local @!p0 [hbm:s6], $0xF7A  }
0x23: {  	s9 =	sor.u32 $0xD0000000, s2;
	s6 =	simm.s32 $0x108;
	_ =	swait.ge @!p0 [sflag:s8], $0x0  }
0x24: {  	s3 =	sadd.s32 $0x88, s3;
	s6 =	simm.s32 @!p1 $0x1082;
	[sflag:s4] =	ssyncset.s32 $0xFFFFF086  }
0x25: {  	[simem:s6], [sflag:s4] =	dma.local [hbm:s3], $0xF7A  }
0x26: {  	[smem:$0x3F98] =	sst s1;
	(tag) =	ssettag s2;
	_ =	strace s9  }
0x27: {  	s1 =	sld [smem:$0x3FA8]  }
0x28: {  	s2 =	sld [smem:$0x3FA9]  }
0x29: {  	s4 =	sld [smem:$0x3FAB]  }
0x2a: {  	p0 =	seq.s32 s5, $0x0;
	s5 =	sld [smem:$0x3FAC]  }
0x2b: {  	s6 =	sld [smem:$0x3FAD]  }
0x2c: {  	s7 =	sld [smem:$0x3FAE]  }
0x2d: {  	s3 =	simm.s32 $0x108;
	s8 =	sld [smem:$0x3FAF]  }
0x2e: {  	s3 =	simm.s32 @!p0 $0x1082;
	s9 =	sld [smem:$0x3FB0]  }
0x2f: {  	lr =	sadd.s32 s0, s3;
	s0 =	sld [smem:$0x3FA7]  }
0x30: {  	s3 =	sld [smem:$0x3FAA]  }
0x31: {  	[smem:$0x3FB3] =	sst s10  }
0x32: {  	s10 =	sld [smem:$0x3FB1];
	_ =	sdelay $0x3  }
0x33: {  	p0 =	seq.s32 s10, $0x1;
	s10 =	sld [smem:$0x3FB3];
	_ =	sdelay $0x3  }
0x34: {  	[smem:$0x3FB3] =	sst s10  }
0x35: {  	s10 =	sld [smem:$0x3FB2];
	_ =	sdelay $0x3  }
0x36: {  	p1 =	seq.s32 s10, $0x1;
	s10 =	sld [smem:$0x3FB3];
	_ =	sdelay $0x3  }
0x37: {  	[smem:$0x3FB3] =	sst s10  }
0x38: {  	s10 =	sld [smem:$0x3FB4]  }
0x39: {  	_ = 	snop;
	(pc) =	sbr.ind lr, $3  }
0x3a: {  	_ = 	snop  }
0x3b: {  	_ = 	snop  }
0x3c: {  	p2 =	seq.s32 s10, $0x1;
	s10 =	sld [smem:$0x3FB3]  }
0x3d: {  	_ =	shalt  }
0x3e: {  	_ =	shalt  }
0x3f: {  	_ =	shalt  }
0x40: {  	_ =	shalt  }
0x41: {  	_ =	shalt  }
0x42: {  	_ =	shalt  }
0x43: {  	_ =	shalt  }
0x44: {  	_ =	shalt  }
0x45: {  	_ =	shalt  }
0x46: {  	_ =	shalt  }
0x47: {  	_ =	shalt  }
0x48: {  	_ =	shalt  }
0x49: {  	_ =	shalt  }
0x4a: {  	_ =	shalt  }
0x4b: {  	_ =	shalt  }
0x4c: {  	_ =	shalt  }
0x4d: {  	_ =	shalt  }
0x4e: {  	_ =	shalt  }
0x4f: {  	_ =	shalt  }
0x50: {  	_ =	shalt  }
0x51: {  	_ =	shalt  }
0x52: {  	_ =	shalt  }
0x53: {  	_ =	shalt  }
0x54: {  	_ =	shalt  }
0x55: {  	_ =	shalt  }
0x56: {  	_ =	shalt  }
0x57: {  	_ =	shalt  }
0x58: {  	_ =	shalt  }
0x59: {  	_ =	shalt  }
0x5a: {  	_ =	shalt  }
0x5b: {  	_ =	shalt  }
0x5c: {  	_ =	shalt  }
0x5d: {  	_ =	shalt  }
0x5e: {  	_ =	shalt  }
0x5f: {  	_ =	shalt  }
0x60: {  	_ =	shalt  }
0x61: {  	_ =	shalt  }
0x62: {  	_ =	shalt  }
0x63: {  	_ =	shalt  }
0x64: {  	_ =	shalt  }
0x65: {  	_ =	shalt  }
0x66: {  	_ =	shalt  }
0x67: {  	_ =	shalt  }
0x68: {  	_ =	shalt  }
0x69: {  	_ =	shalt  }
0x6a: {  	_ =	shalt  }
0x6b: {  	_ =	shalt  }
0x6c: {  	_ =	shalt  }
0x6d: {  	_ =	shalt  }
0x6e: {  	_ =	shalt  }
0x6f: {  	_ =	shalt  }
0x70: {  	_ =	shalt  }
0x71: {  	_ =	shalt  }
0x72: {  	_ =	shalt  }
0x73: {  	_ =	shalt  }
0x74: {  	_ =	shalt  }
0x75: {  	_ =	shalt  }
0x76: {  	_ =	shalt  }
0x77: {  	_ =	shalt  }
0x78: {  	_ =	shalt  }
0x79: {  	_ =	shalt  }
0x7a: {  	_ =	shalt  }
0x7b: {  	_ =	shalt  }
0x7c: {  	_ =	shalt  }
0x7d: {  	_ =	shalt  }
0x7e: {  	_ =	shalt  }
0x7f: {  	_ =	shalt  }
0x80: {  	_ =	shalt  }
0x81: {  	_ =	shalt  }
0x82: {  	_ =	shalt  }
0x83: {  	_ =	shalt  }
0x84: {  	_ =	shalt  }
0x85: {  	_ =	shalt  }
0x86: {  	_ =	shalt  }
0x87: {  	_ =	shalt  }
.Lfunc_end0:
.L_simem_size_0:
called_computation_lowered:
.L_overlay_start_0:
0x88: {  	s2 =	sld [smem:$0x3FD9]  }
0x89: {  	s3 =	sld [smem:$0x3FFE];
	_ =	sdelay $0x1  }
0x8a: {  	s1 =	srdreg.scid  }
0x8b: {  	s0 =	sand.u32 $0x1, s1  }
0x8c: {  	s17 =	sshll.u32 s0, $0xA;
	s2 =	sadd.s32 s3, s2  }
0x8d: {  	s2 =	sadd.s32 s2, s17  }
0x8e: {  	[smem:$0x3FBF] =	sst s2  }
0x8f: {  	_ = 	snop  }
0x90: {  	s2 =	sld [smem:$0x3FD0];
	(tm) =	ssettm $0x1  }
0x91: {  	s18 =	sld [smem:$0x3FFB];
	_ =	sdelay $0x3  }
0x92: {  	_ =	strace s18  }
0x93: {  	s3 =	sld [smem:$0x3FFC];
	_ =	sdelay $0x3  }
0x94: {  	_ =	strace s3  }
0x95: {  	s3 =	sld [smem:$0x3FFD];
	_ =	sdelay $0x3  }
0x96: {  	_ =	strace s3  }
0x97: {  	_ =	strace $0x8FFFFFFF  }
0x98: {  	s19 =	sld [smem:$0x3FDB];
	_ =	sdelay $0x1  }
0x99: {  	s4 =	simm.s32 $_scs_section_size  }
0x9a: {  	s5 =	simm.s32 $_size__tile_overlayer_lowered;
	s6 =	simm.s32 $_tile_overlayer_lowered  }
0x9b: {  	s22 =	simm.s32 $0x1BFF;
	s21 =	sshll.u32 s6, $0x1;
	s3 =	sadd.s32 s4, s19  }
0x9c: {  	s7 =	simm.s32 $0x0;
	s20 =	sshll.u32 s5, $0x1;
	s5 =	sadd.s32 s21, s3  }
0x9d: {  	[timem:s7], [sflag:s22] =	dma.local [hbm:s5], s20  }
0x9e: {  	_ =	swait.ge [sflag:s22], s20  }
0x9f: {  	s4 =	ssub.s32 $0x0, s20;
	[sflag:s22] =	ssyncset.done $0x0  }
0xa0: {  	[sflag:s22] =	ssyncadd.s32 s4;
	_ =	sdelay $0x1  }
0xa1: {  	s23 =	simm.s32 $0x1B8B  }
0xa2: {  	_ =	swait.ge [sflag:s23], $0x1  }
0xa3: {  	[sflag:s23] =	ssyncset.done $0x0  }
0xa4: {  	s25 =	simm.s32 $0x1B8E;
	s24 =	sld [smem:$0x3FFE];
	[sflag:s23] =	ssyncadd.s32 $0xFFFFFFFF  }
0xa5: {  	s26 =	simm.s32 $execute0_lowered;
	[smem:$0x3FD2] =	sst s25  }
0xa6: {  	s5 =	sshll.u32 s26, $0x1;
	_ =	strace $0x80000046;
	[dreg:$0x1] =	wrdreg $0xFFFFFFFF  }
0xa7: {  	s28 =	simm.s32 $_size_execute0_lowered;
	s3 =	sadd.s32 s3, s5;
	[dreg:$0x0] =	wrdreg $0x0  }
0xa8: {  	s5 =	sshll.u32 s28, $0x1;
	[dreg:$0x2] =	wrdreg s3  }
0xa9: {  	[dreg:$0x3] =	wrdreg s5  }
0xaa: {  	[dreg:$0x4] =	wrdreg $0xC0  }
0xab: {  	_ =	task [dreg:s7], $0x5FFFF  }
0xac: {  	[dreg:$0x1] =	wrdreg $0xFFFFFFFF  }
0xad: {  	[dreg:$0x0] =	wrdreg $0x60  }
0xae: {  	[dreg:$0x2] =	wrdreg s2  }
0xaf: {  	[dreg:$0x3] =	wrdreg s24  }
0xb0: {  	[dreg:$0x4] =	wrdreg $0x41800  }
0xb1: {  	[dreg:$0x5] =	wrdreg $0x9  }
0xb2: {  	_ =	task.clear_ibuf [dreg:s7], $0x6FFFF;
	_ =	strace $0x90000046  }
0xb3: {  	s29 =	simm.s32 $0x9;
	_ =	strace $0x80000048  }
0xb4: {  	_ =	swait.ge [sflag:s29], $0x1  }
0xb5: {  	[sflag:s29] =	ssyncadd.s32 $0xFFFFFFFF  }
0xb6: {  	_ =	strace $0x90000048  }
0xb7: {  	_ =	sfence  }
0xb8: {  	s30 =	sld [smem:$0x0];
	_ =	sdelay $0x2  }
0xb9: {  	s31 =	sshll.u32 s1, $0xD;
	s1 =	sshrl.u32 s1, $0x2  }
0xba: {  	s3 =	sand.u32 $0x4000, s31;
	s1 =	sadd.s32 s1, s30  }
0xbb: {  	s0 =	sor.u32 s3, s0;
	s1 =	sshll.u32 s1, $0x11  }
0xbc: {  	s0 =	sor.u32 s1, s0  }
0xbd: {  	s0 =	sadd.s32 $0x8F2B, s0  }
0xbe: {  	[sflag:s0] =	ssyncadd.remote.s32 $0x1  }
0xbf: {  	_ =	sfence.sel $0xFFFF  }
0xc0: {  	[dreg:$0x0] =	wrdreg $0xFFFFFFFF;
	(pc) =	sbr.abs _section_cstart, $3  }
0xc1: {  	[dreg:$0x1] =	wrdreg $0xFFFFFFFF  }
0xc2: {  	_ =	task.clear_ibuf [dreg:s7], $0x2FFFF;
	_ =	strace $0x9FFFFFFF  }
0xc3: {  	(tm) =	ssettm $0x7FFFFFFF  }
tec
execute0_lowered:
.L_overlay_start_1:
0x0: {  	(tag) =	ssettag $0x1  }
0x1: {  	s0 =	rddreg [dreg:$0x0]  }
0x2: {  	s6 =	rddreg [dreg:$0x1];
	s1 =	srdreg.scid  }
0x3: {  	s3 =	rddreg [dreg:$0x2];
	s2 =	stileid.u32  }
0x4: {  	s4 =	simm.s32 $0x0;
	s13 =	simm.s32 $0x180;
	s14 =	simm.s32 $0x1  }
0x5: {  	s15 =	simm.s32 $0x100;
	s16 =	simm.s32 $0x0;
	s8 =	smul.u32 $0x14000, s2  }
0x6: {  	s7 =	sand.u32 $0x1, s1;
	s1 =	rddreg [dreg:$0x3];
	s9 =	smul.u32 $0x9E0, s2  }
0x7: {  	[smem:$0x7FF] =	sst s4;
	s10 =	smul.u32 $0x50000, s2;
	s30 =	sshll.u32 s2, $0x6  }
0x8: {  	s5 =	smul.u32 $0x140000, s7;
	_ =	strace $0x80000047;
	s29 =	ssub.s32 $0x2, s7  }
0x9: {  	s12 =	smul.u32 $0x4F0, s7;
	s26 =	sadd.s32 s9, s6;
	s11 =	sshrl.u32 s29, $0x1  }
0xa: {  	s10 =	sshrl.u32 s10, $0x2;
	s5 =	sadd.s32 s8, s5;
	s11 =	ssub.s32 s29, s11  }
0xb: {  	s10 =	sadd.s32 s10, s3;
	s31 =	sadd.s32 s12, s26;
	s12 =	simm.s32 $0x80  }
0xc: {  	s28 =	sshrl.u32 s5, $0x3;
	s5 =	sadd.s32 $0xE400, s6;
	s8 =	smax.u32 s11, $0x1  }
0xd: {  	s10 =	sshrl.u32 s10, $0x3;
	s11 =	simm.s32 $0x2;
	s9 =	sadd.s32 s28, s6  }
0xe: {  	s6 =	sor.u32 $0x1C02, s30;
	s7 =	sadd.s32 $0x10C00, s9;
	s9 =	sadd.s32 $0x4600, s31  }
.LBB2_1:
0xf: {  	[spmem:s10], [sflag:s6] =	dma.local [hbm:s5], $0x2800  }
0x10: {  	_ =	swait.ge [sflag:s11], $0x2800  }
0x11: {  	[sflag:s11] =	ssyncset.done $0x0  }
0x12: {  	[sflag:s11] =	ssyncadd.s32 $0xFFFFD800  }
0x13: {  	s17 =	sadd.s32 $0x0, s9;
	[bflag:$0x0] =	sbarrier.arrive $0xFFFF  }
0x14: {  	[tilespmem:s4], [sflag:$0x2] =	stream.linear.gather [hbm4b:s17+s4], $0x80, $0x38;
	[tilespmem:$0x18180] =	vst v63  }
0x15: {  	_ =	swait.ge [sflag:s11], $0x80  }
0x16: {  	[sflag:s11] =	ssyncset.done $0x0  }
0x17: {  	[sflag:s11] =	ssyncadd.s32 $0xFFFFFF80  }
0x18: {  	v0 =	vld [tilespmem:$0x70];
	_ =	sdelay $0x1  }
0x19: {  	v1 =	vld [tilespmem:$0x60]  }
0x1a: {  	v2 =	vld [tilespmem:$0x20]  }
0x1b: {  	v6 =	vld [tilespmem:$0x30]  }
0x1c: {  	v4 =	vld [tilespmem:$0x0];
	v5 =	vand.u32 $0xFFFF, v0  }
0x1d: {  	v3 =	vld [tilespmem:$0x10];
	v0 =	vshra.s32 v0, $0x10;
	[tilespmem:$0xF0] =	vst v5  }
0x1e: {  	v8 =	vld [tilespmem:$0x50];
	v7 =	vand.u32 $0xFFFF, v1;
	[tilespmem:$0x170] =	vst v0  }
0x1f: {  	v1 =	vshra.s32 v1, $0x10;
	v5 =	vld [tilespmem:$0x40];
	[tilespmem:$0xE0] =	vst v7  }
0x20: {  	v9 =	vand.u32 $0xFFFF, v6;
	[tilespmem:$0x160] =	vst v1  }
0x21: {  	v10 =	vshra.s32 v4, $0x10;
	v0 =	vand.u32 $0xFFFF, v2;
	[tilespmem:$0xB0] =	vst v9  }
0x22: {  	v7 =	vshra.s32 v2, $0x10;
	v2 =	vshra.s32 v3, $0x10;
	v1 =	vand.u32 $0xFFFF, v4;
	[tilespmem:$0x100] =	vst v10  }
0x23: {  	v4 =	vshra.s32 v6, $0x10;
	v6 =	vand.u32 $0xFFFF, v8;
	[tilespmem:$0xA0] =	vst v0;
	v0 =	vand.u32 $0xFFFF, v3  }
0x24: {  	s17 =	simm.s32 $0x10;
	[tilespmem:$0x120] =	vst v7;
	v7 =	vshra.s32 v8, $0x10;
	v3 =	vand.u32 $0xFFFF, v5;
	v5 =	vshra.s32 v5, $0x10  }
.LBB2_2:
0x25: {  	p0 =	sne.s32 s17, $0x4E0;
	[tilespmem:$0x150] =	vst v7;
	s18 =	smov.u32 s17;
	s17 =	sadd.s32 $0x10, s17  }
0x26: {  	[tilespmem:$0x110] =	vst v2  }
0x27: {  	[tilespmem:$0xD0] =	vst v6  }
0x28: {  	[tilespmem:$0x130] =	vst v4  }
0x29: {  	[tilespmem:$0x90] =	vst v0  }
0x2a: {  	[tilespmem:$0x140] =	vst v5  }
0x2b: {  	[tilespmem:$0x80] =	vst v1  }
0x2c: {  	[tilespmem:$0xC0] =	vst v3  }
0x2d: {  	[tilespmem:s13], [sflag:$0x1] =	stream.indirect.gather [hbm4b:s0+s12], $0x80, s12, s12, $0xb8;
	[tilespmem:$0x18180] =	vst v63  }
0x2e: {  	_ =	swait.ge [sflag:s14], $0x4000  }
0x2f: {  	[sflag:s14] =	ssyncset.done $0x0  }
0x30: {  	[sflag:s14] =	ssyncadd.s32 $0xFFFFC000  }
0x31: {  	[spmem:s3] =	stream.indirect.scatter.add.f32 [tilespmem:s13], [sflag:$0x2], $0x80, s15, s12, $0xb8;
	[tilespmem:$0x18180] =	vst v63  }
0x32: {  	_ =	swait.ge [sflag:s11], $0x4000  }
0x33: {  	[sflag:s11] =	ssyncset.done $0x0  }
0x34: {  	s18 =	sadd.s32 s18, s9;
	[sflag:s11] =	ssyncadd.s32 $0xFFFFC000  }
0x35: {  	[tilespmem:s4], [sflag:$0x2] =	stream.linear.gather [hbm4b:s18+s4], $0x80, $0x38;
	[tilespmem:$0x18180] =	vst v63  }
0x36: {  	_ =	swait.ge [sflag:s11], $0x80  }
0x37: {  	[sflag:s11] =	ssyncset.done $0x0  }
0x38: {  	[sflag:s11] =	ssyncadd.s32 $0xFFFFFF80  }
0x39: {  	v0 =	vld [tilespmem:$0x70]  }
0x3a: {  	v1 =	vld [tilespmem:$0x60]  }
0x3b: {  	v2 =	vld [tilespmem:$0x10]  }
0x3c: {  	v3 =	vld [tilespmem:$0x20]  }
0x3d: {  	v4 =	vld [tilespmem:$0x0]  }
0x3e: {  	v5 =	vld [tilespmem:$0x30];
	v6 =	vand.u32 $0xFFFF, v0;
	v0 =	vshra.s32 v0, $0x10  }
0x3f: {  	v7 =	vld [tilespmem:$0x40];
	v8 =	vand.u32 $0xFFFF, v1;
	v9 =	vshra.s32 v1, $0x10;
	[tilespmem:$0xF0] =	vst v6  }
0x40: {  	v10 =	vld [tilespmem:$0x50];
	[tilespmem:$0x170] =	vst v0  }
0x41: {  	v0 =	vand.u32 $0xFFFF, v2;
	v2 =	vshra.s32 v2, $0x10;
	v6 =	vand.u32 $0xFFFF, v3;
	[tilespmem:$0xE0] =	vst v8  }
.Ltmp0:
0x42: {  	v3 =	vshra.s32 v3, $0x10;
	v1 =	vand.u32 $0xFFFF, v4;
	v8 =	vshra.s32 v4, $0x10;
	[tilespmem:$0xA0] =	vst v6;
	(pc) =	sbr.rel @p0 .LBB2_2-.Ltmp0, $4  }
0x43: {  	v6 =	vand.u32 $0xFFFF, v5;
	v4 =	vshra.s32 v5, $0x10;
	[tilespmem:$0x160] =	vst v9  }
0x44: {  	[tilespmem:$0x120] =	vst v3;
	v3 =	vand.u32 $0xFFFF, v7;
	v5 =	vshra.s32 v7, $0x10  }
0x45: {  	[tilespmem:$0xB0] =	vst v6;
	v6 =	vand.u32 $0xFFFF, v10;
	v7 =	vshra.s32 v10, $0x10  }
0x46: {  	[tilespmem:$0x100] =	vst v8  }
0x47: {  	[tilespmem:$0x150] =	vst v7  }
0x48: {  	[tilespmem:$0x110] =	vst v2  }
0x49: {  	[tilespmem:$0xD0] =	vst v6  }
0x4a: {  	[tilespmem:$0x130] =	vst v4  }
0x4b: {  	[tilespmem:$0x90] =	vst v0  }
0x4c: {  	[tilespmem:$0x140] =	vst v5  }
0x4d: {  	[tilespmem:$0x80] =	vst v1  }
0x4e: {  	[tilespmem:$0xC0] =	vst v3  }
0x4f: {  	[tilespmem:s13], [sflag:$0x1] =	stream.indirect.gather [hbm4b:s0+s12], $0x80, s12, s12, $0xb8;
	[tilespmem:$0x18180] =	vst v63  }
0x50: {  	_ =	swait.ge [sflag:s14], $0x4000  }
0x51: {  	[sflag:s14] =	ssyncset.done $0x0  }
0x52: {  	[sflag:s14] =	ssyncadd.s32 $0xFFFFC000  }
0x53: {  	[spmem:s3] =	stream.indirect.scatter.add.f32 [tilespmem:s13], [sflag:$0x2], $0x80, s15, s12, $0xb8;
	[tilespmem:$0x18180] =	vst v63  }
0x54: {  	_ =	swait.ge [sflag:s11], $0x4000  }
0x55: {  	s16 =	sadd.s32 $0x1, s16;
	[sflag:s11] =	ssyncset.done $0x0  }
0x56: {  	p0 =	sne.s32 s16, s8;
	[sflag:s11] =	ssyncadd.s32 $0xFFFFC000  }
.Ltmp1:
0x57: {  	[bflag:$0x0] =	sbarrier.arrive $0xFFFF;
	(pc) =	sbr.rel @p0 .LBB2_1-.Ltmp1, $4  }
0x58: {  	[hbm:s7], [sflag:s6] =	dma.local [spmem:s10], $0x2800  }
0x59: {  	_ =	swait.ge [sflag:s11], $0x2800  }
0x5a: {  	[sflag:s11] =	ssyncset.done $0x0  }
0x5b: {  	[sflag:s11] =	ssyncadd.s32 $0xFFFFD800  }
0x5c: {  	_ =	sfence.sel $0x180000  }
0x5d: {  	[bflag:$0x0] =	sbarrier.arrive $0xFFFF  }
0x5e: {  	p0 =	sne.s32 s2, $0x0;
	_ =	strace $0x90000047  }
0x5f: {  	s0 =	sadd.s32 @!p0 $0x100000, s1;
	[bflag:$0x2] =	sbarrier.arrive $0xFFFF  }
0x60: {  	[sflag:s0] =	ssyncadd.tile.s32 @!p0 $0x1;
	_ =	shalt  }
.Lfunc_end2:
_tile_overlayer_lowered:
.L_overlay_start_2:
0x61: {  	(tag) =	ssettag $0x2  }
0x62: {  	s0 =	rddreg [dreg:$0x0];
	s2 =	stileid.u32  }
0x63: {  	s1 =	rddreg [dreg:$0x1];
	p0 =	sne.s32 s2, $0x0  }
0x64: {  	s3 =	rddreg [dreg:$0x2];
	[bflag:$0x3] =	sbarrier.arrive $0xFFFF;
	s2 =	simm.s32 @!p0 $0x1C02  }
0x65: {  	[timem:s3], [sflag:s2] =	dma.local @!p0 [hbm:s0], s1  }
0x66: {  	s0 =	simm.s32 @!p0 $0x2  }
0x67: {  	_ =	swait.ge @!p0 [sflag:s0], s1  }
0x68: {  	s1 =	ssub.s32 @!p0 $0x0, s1;
	[sflag:s0] =	ssyncset.done @!p0 $0x0  }
0x69: {  	[sflag:s0] =	ssyncadd.s32 @!p0 s1  }
0x6a: {  	[bflag:$0x3] =	sbarrier.arrive $0xFFFF  }
0x6b: {  	_ =	shalt  }

// kernel: kernel.16.cloned.1.call-start
scs
__scs_entry_jumppad:
0x0: {  	(pc) =	sbr.rel $0x88, $3  }
0x1: {  	(tag) =	ssettag $0x0;
	lr =	simm.s32 $0x1  }
0x2: {  	[smem:$0x3F98] =	sst lr;
	_ =	strace $0xD0000000  }
0x3: {  	_ = 	snop  }
0x4: {  	_ = 	snop  }
0x5: {  	_ = 	snop  }
0x6: {  	_ = 	snop  }
0x7: {  	_ = 	snop  }
__scs_overlays_trampoline_lowered:
0x8: {  	[smem:$0x3FA7] =	sst s0  }
0x9: {  	[smem:$0x3FA8] =	sst s1  }
0xa: {  	[smem:$0x3FA9] =	sst s2  }
0xb: {  	[smem:$0x3FAA] =	sst s3  }
0xc: {  	[smem:$0x3FAB] =	sst s4  }
0xd: {  	[smem:$0x3FAC] =	sst s5  }
0xe: {  	[smem:$0x3FAD] =	sst s6  }
0xf: {  	[smem:$0x3FAE] =	sst s7  }
0x10: {  	[smem:$0x3FAF] =	sst s8  }
0x11: {  	[smem:$0x3FB0] =	sst s9;
	s0 =	simm.s32 @!p0 $0x0  }
0x12: {  	s1 =	sld [smem:$0x3F96];
	s0 =	simm.s32 @p0 $0x1  }
0x13: {  	[smem:$0x3FB1] =	sst s0;
	s0 =	simm.s32 @!p1 $0x0  }
0x14: {  	s2 =	sld [smem:$0x3F95];
	s0 =	simm.s32 @p1 $0x1  }
0x15: {  	[smem:$0x3FB2] =	sst s0;
	s0 =	simm.s32 @!p2 $0x0  }
0x16: {  	s3 =	sld [smem:$0x3FDB];
	s0 =	simm.s32 @p2 $0x1  }
0x17: {  	s4 =	simm.s32 $0x1BF5;
	[smem:$0x3FB4] =	sst s0  }
0x18: {  	s0 =	sld [smem:$0x3F97];
	_ =	swait.ge [sflag:s4], $0x0  }
0x19: {  	s7 =	sld [smem:$0x3F98]  }
0x1a: {  	s8 =	sadd.s32 $0xFFFFE003, lr  }
0x1b: {  	s9 =	sadd.s32 $0xFFFFFEF7, lr;
	s5 =	simm.s32 $0xFFFFFFFF;
	p2 =	slt.u32 s8, $0xFFFFF086  }
0x1c: {  	p1 =	slt.u32 s9, $0xF7A;
	s5 =	simm.s32 @!p2 $0x0  }
0x1d: {  	s5 =	simm.s32 @p1 $0x1;
	p0 =	seq.s32 s7, s2  }
0x1e: {  	s7 =	smul.u32 @!p0 $0xF7A, s2;
	p2 =	seq.s32 @!p0 s5, $0x0  }
0x1f: {  	s9 =	smul.u32 $0xF7A, s1;
	s8 =	simm.s32 @!p0 $0x1BF5;
	p2 =	por !p2, p0  }
0x20: {  	[sflag:s8] =	ssyncset.s32 @!p0 $0xFFFFF086;
	s6 =	sadd.s32 @!p0 s3, s7;
	s7 =	simm.s32 @!p0 $0x108  }
0x21: {  	s3 =	sadd.s32 s3, s9;
	s6 =	sadd.s32 @!p0 $0x88, s6;
	s7 =	simm.s32 @p2 $0x1082  }
0x22: {  	[simem:s7], [sflag:s8] =	dma.local @!p0 [hbm:s6], $0xF7A  }
0x23: {  	s9 =	sor.u32 $0xD0000000, s2;
	s6 =	simm.s32 $0x108;
	_ =	swait.ge @!p0 [sflag:s8], $0x0  }
0x24: {  	s3 =	sadd.s32 $0x88, s3;
	s6 =	simm.s32 @!p1 $0x1082;
	[sflag:s4] =	ssyncset.s32 $0xFFFFF086  }
0x25: {  	[simem:s6], [sflag:s4] =	dma.local [hbm:s3], $0xF7A  }
0x26: {  	[smem:$0x3F98] =	sst s1;
	(tag) =	ssettag s2;
	_ =	strace s9  }
0x27: {  	s1 =	sld [smem:$0x3FA8]  }
0x28: {  	s2 =	sld [smem:$0x3FA9]  }
0x29: {  	s4 =	sld [smem:$0x3FAB]  }
0x2a: {  	p0 =	seq.s32 s5, $0x0;
	s5 =	sld [smem:$0x3FAC]  }
0x2b: {  	s6 =	sld [smem:$0x3FAD]  }
0x2c: {  	s7 =	sld [smem:$0x3FAE]  }
0x2d: {  	s3 =	simm.s32 $0x108;
	s8 =	sld [smem:$0x3FAF]  }
0x2e: {  	s3 =	simm.s32 @!p0 $0x1082;
	s9 =	sld [smem:$0x3FB0]  }
0x2f: {  	lr =	sadd.s32 s0, s3;
	s0 =	sld [smem:$0x3FA7]  }
0x30: {  	s3 =	sld [smem:$0x3FAA]  }
0x31: {  	[smem:$0x3FB3] =	sst s10  }
0x32: {  	s10 =	sld [smem:$0x3FB1];
	_ =	sdelay $0x3  }
0x33: {  	p0 =	seq.s32 s10, $0x1;
	s10 =	sld [smem:$0x3FB3];
	_ =	sdelay $0x3  }
0x34: {  	[smem:$0x3FB3] =	sst s10  }
0x35: {  	s10 =	sld [smem:$0x3FB2];
	_ =	sdelay $0x3  }
0x36: {  	p1 =	seq.s32 s10, $0x1;
	s10 =	sld [smem:$0x3FB3];
	_ =	sdelay $0x3  }
0x37: {  	[smem:$0x3FB3] =	sst s10  }
0x38: {  	s10 =	sld [smem:$0x3FB4]  }
0x39: {  	_ = 	snop;
	(pc) =	sbr.ind lr, $3  }
0x3a: {  	_ = 	snop  }
0x3b: {  	_ = 	snop  }
0x3c: {  	p2 =	seq.s32 s10, $0x1;
	s10 =	sld [smem:$0x3FB3]  }
0x3d: {  	_ =	shalt  }
0x3e: {  	_ =	shalt  }
0x3f: {  	_ =	shalt  }
0x40: {  	_ =	shalt  }
0x41: {  	_ =	shalt  }
0x42: {  	_ =	shalt  }
0x43: {  	_ =	shalt  }
0x44: {  	_ =	shalt  }
0x45: {  	_ =	shalt  }
0x46: {  	_ =	shalt  }
0x47: {  	_ =	shalt  }
0x48: {  	_ =	shalt  }
0x49: {  	_ =	shalt  }
0x4a: {  	_ =	shalt  }
0x4b: {  	_ =	shalt  }
0x4c: {  	_ =	shalt  }
0x4d: {  	_ =	shalt  }
0x4e: {  	_ =	shalt  }
0x4f: {  	_ =	shalt  }
0x50: {  	_ =	shalt  }
0x51: {  	_ =	shalt  }
0x52: {  	_ =	shalt  }
0x53: {  	_ =	shalt  }
0x54: {  	_ =	shalt  }
0x55: {  	_ =	shalt  }
0x56: {  	_ =	shalt  }
0x57: {  	_ =	shalt  }
0x58: {  	_ =	shalt  }
0x59: {  	_ =	shalt  }
0x5a: {  	_ =	shalt  }
0x5b: {  	_ =	shalt  }
0x5c: {  	_ =	shalt  }
0x5d: {  	_ =	shalt  }
0x5e: {  	_ =	shalt  }
0x5f: {  	_ =	shalt  }
0x60: {  	_ =	shalt  }
0x61: {  	_ =	shalt  }
0x62: {  	_ =	shalt  }
0x63: {  	_ =	shalt  }
0x64: {  	_ =	shalt  }
0x65: {  	_ =	shalt  }
0x66: {  	_ =	shalt  }
0x67: {  	_ =	shalt  }
0x68: {  	_ =	shalt  }
0x69: {  	_ =	shalt  }
0x6a: {  	_ =	shalt  }
0x6b: {  	_ =	shalt  }
0x6c: {  	_ =	shalt  }
0x6d: {  	_ =	shalt  }
0x6e: {  	_ =	shalt  }
0x6f: {  	_ =	shalt  }
0x70: {  	_ =	shalt  }
0x71: {  	_ =	shalt  }
0x72: {  	_ =	shalt  }
0x73: {  	_ =	shalt  }
0x74: {  	_ =	shalt  }
0x75: {  	_ =	shalt  }
0x76: {  	_ =	shalt  }
0x77: {  	_ =	shalt  }
0x78: {  	_ =	shalt  }
0x79: {  	_ =	shalt  }
0x7a: {  	_ =	shalt  }
0x7b: {  	_ =	shalt  }
0x7c: {  	_ =	shalt  }
0x7d: {  	_ =	shalt  }
0x7e: {  	_ =	shalt  }
0x7f: {  	_ =	shalt  }
0x80: {  	_ =	shalt  }
0x81: {  	_ =	shalt  }
0x82: {  	_ =	shalt  }
0x83: {  	_ =	shalt  }
0x84: {  	_ =	shalt  }
0x85: {  	_ =	shalt  }
0x86: {  	_ =	shalt  }
0x87: {  	_ =	shalt  }
.Lfunc_end0:
.L_simem_size_0:
called_computation.1_lowered:
.L_overlay_start_0:
0x88: {  	s2 =	sld [smem:$0x3FD9]  }
0x89: {  	s3 =	sld [smem:$0x3FFE];
	_ =	sdelay $0x1  }
0x8a: {  	s1 =	srdreg.scid  }
0x8b: {  	s0 =	sand.u32 $0x1, s1  }
0x8c: {  	s17 =	sshll.u32 s0, $0xA;
	s2 =	sadd.s32 s3, s2  }
0x8d: {  	s2 =	sadd.s32 s2, s17  }
0x8e: {  	[smem:$0x3FBF] =	sst s2  }
0x8f: {  	_ = 	snop  }
0x90: {  	s2 =	sld [smem:$0x3FD0];
	(tm) =	ssettm $0x1  }
0x91: {  	s18 =	sld [smem:$0x3FFB];
	_ =	sdelay $0x3  }
0x92: {  	_ =	strace s18  }
0x93: {  	s3 =	sld [smem:$0x3FFC];
	_ =	sdelay $0x3  }
0x94: {  	_ =	strace s3  }
0x95: {  	s3 =	sld [smem:$0x3FFD];
	_ =	sdelay $0x3  }
0x96: {  	_ =	strace s3  }
0x97: {  	_ =	strace $0x8FFFFFFF  }
0x98: {  	s19 =	sld [smem:$0x3FDB];
	_ =	sdelay $0x1  }
0x99: {  	s4 =	simm.s32 $_scs_section_size  }
0x9a: {  	s5 =	simm.s32 $_size__tile_overlayer_lowered;
	s6 =	simm.s32 $_tile_overlayer_lowered  }
0x9b: {  	s22 =	simm.s32 $0x1BFF;
	s21 =	sshll.u32 s6, $0x1;
	s3 =	sadd.s32 s4, s19  }
0x9c: {  	s7 =	simm.s32 $0x0;
	s20 =	sshll.u32 s5, $0x1;
	s5 =	sadd.s32 s21, s3  }
0x9d: {  	[timem:s7], [sflag:s22] =	dma.local [hbm:s5], s20  }
0x9e: {  	_ =	swait.ge [sflag:s22], s20  }
0x9f: {  	s4 =	ssub.s32 $0x0, s20;
	[sflag:s22] =	ssyncset.done $0x0  }
0xa0: {  	[sflag:s22] =	ssyncadd.s32 s4;
	_ =	sdelay $0x1  }
0xa1: {  	s23 =	simm.s32 $0x1B8B  }
0xa2: {  	_ =	swait.ge [sflag:s23], $0x1  }
0xa3: {  	[sflag:s23] =	ssyncset.done $0x0  }
0xa4: {  	s25 =	simm.s32 $0x1B8E;
	s24 =	sld [smem:$0x3FFE];
	[sflag:s23] =	ssyncadd.s32 $0xFFFFFFFF  }
0xa5: {  	s26 =	simm.s32 $execute0_lowered;
	[smem:$0x3FD2] =	sst s25  }
0xa6: {  	s5 =	sshll.u32 s26, $0x1;
	_ =	strace $0x80000049;
	[dreg:$0x1] =	wrdreg $0xFFFFFFFF  }
0xa7: {  	s28 =	simm.s32 $_size_execute0_lowered;
	s3 =	sadd.s32 s3, s5;
	[dreg:$0x0] =	wrdreg $0x0  }
0xa8: {  	s5 =	sshll.u32 s28, $0x1;
	[dreg:$0x2] =	wrdreg s3  }
0xa9: {  	[dreg:$0x3] =	wrdreg s5  }
0xaa: {  	[dreg:$0x4] =	wrdreg $0xC0  }
0xab: {  	_ =	task [dreg:s7], $0x5FFFF  }
0xac: {  	[dreg:$0x1] =	wrdreg $0xFFFFFFFF  }
0xad: {  	[dreg:$0x0] =	wrdreg $0x60  }
0xae: {  	[dreg:$0x2] =	wrdreg s2  }
0xaf: {  	[dreg:$0x3] =	wrdreg s24  }
0xb0: {  	[dreg:$0x4] =	wrdreg $0x41800  }
0xb1: {  	[dreg:$0x5] =	wrdreg $0x9  }
0xb2: {  	_ =	task.clear_ibuf [dreg:s7], $0x6FFFF;
	_ =	strace $0x90000049  }
0xb3: {  	s29 =	simm.s32 $0x9;
	_ =	strace $0x8000004B  }
0xb4: {  	_ =	swait.ge [sflag:s29], $0x1  }
0xb5: {  	[sflag:s29] =	ssyncadd.s32 $0xFFFFFFFF  }
0xb6: {  	_ =	strace $0x9000004B  }
0xb7: {  	_ =	sfence  }
0xb8: {  	s30 =	sld [smem:$0x0];
	_ =	sdelay $0x2  }
0xb9: {  	s31 =	sshll.u32 s1, $0xD;
	s1 =	sshrl.u32 s1, $0x2  }
0xba: {  	s3 =	sand.u32 $0x4000, s31;
	s1 =	sadd.s32 s1, s30  }
0xbb: {  	s0 =	sor.u32 s3, s0;
	s1 =	sshll.u32 s1, $0x11  }
0xbc: {  	s0 =	sor.u32 s1, s0  }
0xbd: {  	s0 =	sadd.s32 $0x8F2B, s0  }
0xbe: {  	[sflag:s0] =	ssyncadd.remote.s32 $0x1  }
0xbf: {  	_ =	sfence.sel $0xFFFF  }
0xc0: {  	[dreg:$0x0] =	wrdreg $0xFFFFFFFF;
	(pc) =	sbr.abs _section_cstart, $3  }
0xc1: {  	[dreg:$0x1] =	wrdreg $0xFFFFFFFF  }
0xc2: {  	_ =	task.clear_ibuf [dreg:s7], $0x2FFFF;
	_ =	strace $0x9FFFFFFF  }
0xc3: {  	(tm) =	ssettm $0x7FFFFFFF  }
tec
execute0_lowered:
.L_overlay_start_1:
0x0: {  	(tag) =	ssettag $0x1  }
0x1: {  	s0 =	rddreg [dreg:$0x0]  }
0x2: {  	s6 =	rddreg [dreg:$0x1];
	s1 =	srdreg.scid  }
0x3: {  	s3 =	rddreg [dreg:$0x2];
	s2 =	stileid.u32  }
0x4: {  	s4 =	simm.s32 $0x0;
	s13 =	simm.s32 $0x180;
	s14 =	simm.s32 $0x1  }
0x5: {  	s15 =	simm.s32 $0x100;
	s16 =	simm.s32 $0x0;
	s8 =	smul.u32 $0x14000, s2  }
0x6: {  	s7 =	sand.u32 $0x1, s1;
	s1 =	rddreg [dreg:$0x3];
	s9 =	smul.u32 $0x9E0, s2  }
0x7: {  	[smem:$0x7FF] =	sst s4;
	s10 =	smul.u32 $0x50000, s2;
	s30 =	sshll.u32 s2, $0x6  }
0x8: {  	s5 =	smul.u32 $0x140000, s7;
	_ =	strace $0x8000004A;
	s29 =	ssub.s32 $0x2, s7  }
0x9: {  	s12 =	smul.u32 $0x4F0, s7;
	s26 =	sadd.s32 s9, s6;
	s11 =	sshrl.u32 s29, $0x1  }
0xa: {  	s10 =	sshrl.u32 s10, $0x2;
	s5 =	sadd.s32 s8, s5;
	s11 =	ssub.s32 s29, s11  }
0xb: {  	s10 =	sadd.s32 s10, s3;
	s31 =	sadd.s32 s12, s26;
	s12 =	simm.s32 $0x80  }
0xc: {  	s28 =	sshrl.u32 s5, $0x3;
	s5 =	sadd.s32 $0xE400, s6;
	s8 =	smax.u32 s11, $0x1  }
0xd: {  	s10 =	sshrl.u32 s10, $0x3;
	s11 =	simm.s32 $0x2;
	s9 =	sadd.s32 s28, s6  }
0xe: {  	s6 =	sor.u32 $0x1C02, s30;
	s7 =	sadd.s32 $0x10C00, s9;
	s9 =	sadd.s32 $0x4600, s31  }
.LBB2_1:
0xf: {  	[spmem:s10], [sflag:s6] =	dma.local [hbm:s5], $0x2800  }
0x10: {  	_ =	swait.ge [sflag:s11], $0x2800  }
0x11: {  	[sflag:s11] =	ssyncset.done $0x0  }
0x12: {  	[sflag:s11] =	ssyncadd.s32 $0xFFFFD800  }
0x13: {  	s17 =	sadd.s32 $0x0, s9;
	[bflag:$0x0] =	sbarrier.arrive $0xFFFF  }
0x14: {  	[tilespmem:s4], [sflag:$0x2] =	stream.linear.gather [hbm4b:s17+s4], $0x80, $0x38;
	[tilespmem:$0x18180] =	vst v63  }
0x15: {  	_ =	swait.ge [sflag:s11], $0x80  }
0x16: {  	[sflag:s11] =	ssyncset.done $0x0  }
0x17: {  	[sflag:s11] =	ssyncadd.s32 $0xFFFFFF80  }
0x18: {  	v0 =	vld [tilespmem:$0x70];
	_ =	sdelay $0x1  }
0x19: {  	v1 =	vld [tilespmem:$0x60]  }
0x1a: {  	v2 =	vld [tilespmem:$0x20]  }
0x1b: {  	v6 =	vld [tilespmem:$0x30]  }
0x1c: {  	v4 =	vld [tilespmem:$0x0];
	v5 =	vand.u32 $0xFFFF, v0  }
0x1d: {  	v3 =	vld [tilespmem:$0x10];
	v0 =	vshra.s32 v0, $0x10;
	[tilespmem:$0xF0] =	vst v5  }
0x1e: {  	v8 =	vld [tilespmem:$0x50];
	v7 =	vand.u32 $0xFFFF, v1;
	[tilespmem:$0x170] =	vst v0  }
0x1f: {  	v1 =	vshra.s32 v1, $0x10;
	v5 =	vld [tilespmem:$0x40];
	[tilespmem:$0xE0] =	vst v7  }
0x20: {  	v9 =	vand.u32 $0xFFFF, v6;
	[tilespmem:$0x160] =	vst v1  }
0x21: {  	v10 =	vshra.s32 v4, $0x10;
	v0 =	vand.u32 $0xFFFF, v2;
	[tilespmem:$0xB0] =	vst v9  }
0x22: {  	v7 =	vshra.s32 v2, $0x10;
	v2 =	vshra.s32 v3, $0x10;
	v1 =	vand.u32 $0xFFFF, v4;
	[tilespmem:$0x100] =	vst v10  }
0x23: {  	v4 =	vshra.s32 v6, $0x10;
	v6 =	vand.u32 $0xFFFF, v8;
	[tilespmem:$0xA0] =	vst v0;
	v0 =	vand.u32 $0xFFFF, v3  }
0x24: {  	s17 =	simm.s32 $0x10;
	[tilespmem:$0x120] =	vst v7;
	v7 =	vshra.s32 v8, $0x10;
	v3 =	vand.u32 $0xFFFF, v5;
	v5 =	vshra.s32 v5, $0x10  }
.LBB2_2:
0x25: {  	p0 =	sne.s32 s17, $0x4E0;
	[tilespmem:$0x150] =	vst v7;
	s18 =	smov.u32 s17;
	s17 =	sadd.s32 $0x10, s17  }
0x26: {  	[tilespmem:$0x110] =	vst v2  }
0x27: {  	[tilespmem:$0xD0] =	vst v6  }
0x28: {  	[tilespmem:$0x130] =	vst v4  }
0x29: {  	[tilespmem:$0x90] =	vst v0  }
0x2a: {  	[tilespmem:$0x140] =	vst v5  }
0x2b: {  	[tilespmem:$0x80] =	vst v1  }
0x2c: {  	[tilespmem:$0xC0] =	vst v3  }
0x2d: {  	[tilespmem:s13], [sflag:$0x1] =	stream.indirect.gather [hbm4b:s0+s12], $0x80, s12, s12, $0xb8;
	[tilespmem:$0x18180] =	vst v63  }
0x2e: {  	_ =	swait.ge [sflag:s14], $0x4000  }
0x2f: {  	[sflag:s14] =	ssyncset.done $0x0  }
0x30: {  	[sflag:s14] =	ssyncadd.s32 $0xFFFFC000  }
0x31: {  	[spmem:s3] =	stream.indirect.scatter.add.f32 [tilespmem:s13], [sflag:$0x2], $0x80, s15, s12, $0xb8;
	[tilespmem:$0x18180] =	vst v63  }
0x32: {  	_ =	swait.ge [sflag:s11], $0x4000  }
0x33: {  	[sflag:s11] =	ssyncset.done $0x0  }
0x34: {  	s18 =	sadd.s32 s18, s9;
	[sflag:s11] =	ssyncadd.s32 $0xFFFFC000  }
0x35: {  	[tilespmem:s4], [sflag:$0x2] =	stream.linear.gather [hbm4b:s18+s4], $0x80, $0x38;
	[tilespmem:$0x18180] =	vst v63  }
0x36: {  	_ =	swait.ge [sflag:s11], $0x80  }
0x37: {  	[sflag:s11] =	ssyncset.done $0x0  }
0x38: {  	[sflag:s11] =	ssyncadd.s32 $0xFFFFFF80  }
0x39: {  	v0 =	vld [tilespmem:$0x70]  }
0x3a: {  	v1 =	vld [tilespmem:$0x60]  }
0x3b: {  	v2 =	vld [tilespmem:$0x10]  }
0x3c: {  	v3 =	vld [tilespmem:$0x20]  }
0x3d: {  	v4 =	vld [tilespmem:$0x0]  }
0x3e: {  	v5 =	vld [tilespmem:$0x30];
	v6 =	vand.u32 $0xFFFF, v0;
	v0 =	vshra.s32 v0, $0x10  }
0x3f: {  	v7 =	vld [tilespmem:$0x40];
	v8 =	vand.u32 $0xFFFF, v1;
	v9 =	vshra.s32 v1, $0x10;
	[tilespmem:$0xF0] =	vst v6  }
0x40: {  	v10 =	vld [tilespmem:$0x50];
	[tilespmem:$0x170] =	vst v0  }
0x41: {  	v0 =	vand.u32 $0xFFFF, v2;
	v2 =	vshra.s32 v2, $0x10;
	v6 =	vand.u32 $0xFFFF, v3;
	[tilespmem:$0xE0] =	vst v8  }
.Ltmp0:
0x42: {  	v3 =	vshra.s32 v3, $0x10;
	v1 =	vand.u32 $0xFFFF, v4;
	v8 =	vshra.s32 v4, $0x10;
	[tilespmem:$0xA0] =	vst v6;
	(pc) =	sbr.rel @p0 .LBB2_2-.Ltmp0, $4  }
0x43: {  	v6 =	vand.u32 $0xFFFF, v5;
	v4 =	vshra.s32 v5, $0x10;
	[tilespmem:$0x160] =	vst v9  }
0x44: {  	[tilespmem:$0x120] =	vst v3;
	v3 =	vand.u32 $0xFFFF, v7;
	v5 =	vshra.s32 v7, $0x10  }
0x45: {  	[tilespmem:$0xB0] =	vst v6;
	v6 =	vand.u32 $0xFFFF, v10;
	v7 =	vshra.s32 v10, $0x10  }
0x46: {  	[tilespmem:$0x100] =	vst v8  }
0x47: {  	[tilespmem:$0x150] =	vst v7  }
0x48: {  	[tilespmem:$0x110] =	vst v2  }
0x49: {  	[tilespmem:$0xD0] =	vst v6  }
0x4a: {  	[tilespmem:$0x130] =	vst v4  }
0x4b: {  	[tilespmem:$0x90] =	vst v0  }
0x4c: {  	[tilespmem:$0x140] =	vst v5  }
0x4d: {  	[tilespmem:$0x80] =	vst v1  }
0x4e: {  	[tilespmem:$0xC0] =	vst v3  }
0x4f: {  	[tilespmem:s13], [sflag:$0x1] =	stream.indirect.gather [hbm4b:s0+s12], $0x80, s12, s12, $0xb8;
	[tilespmem:$0x18180] =	vst v63  }
0x50: {  	_ =	swait.ge [sflag:s14], $0x4000  }
0x51: {  	[sflag:s14] =	ssyncset.done $0x0  }
0x52: {  	[sflag:s14] =	ssyncadd.s32 $0xFFFFC000  }
0x53: {  	[spmem:s3] =	stream.indirect.scatter.add.f32 [tilespmem:s13], [sflag:$0x2], $0x80, s15, s12, $0xb8;
	[tilespmem:$0x18180] =	vst v63  }
0x54: {  	_ =	swait.ge [sflag:s11], $0x4000  }
0x55: {  	s16 =	sadd.s32 $0x1, s16;
	[sflag:s11] =	ssyncset.done $0x0  }
0x56: {  	p0 =	sne.s32 s16, s8;
	[sflag:s11] =	ssyncadd.s32 $0xFFFFC000  }
.Ltmp1:
0x57: {  	[bflag:$0x0] =	sbarrier.arrive $0xFFFF;
	(pc) =	sbr.rel @p0 .LBB2_1-.Ltmp1, $4  }
0x58: {  	[hbm:s7], [sflag:s6] =	dma.local [spmem:s10], $0x2800  }
0x59: {  	_ =	swait.ge [sflag:s11], $0x2800  }
0x5a: {  	[sflag:s11] =	ssyncset.done $0x0  }
0x5b: {  	[sflag:s11] =	ssyncadd.s32 $0xFFFFD800  }
0x5c: {  	_ =	sfence.sel $0x180000  }
0x5d: {  	[bflag:$0x0] =	sbarrier.arrive $0xFFFF  }
0x5e: {  	p0 =	sne.s32 s2, $0x0;
	_ =	strace $0x9000004A  }
0x5f: {  	s0 =	sadd.s32 @!p0 $0x100000, s1;
	[bflag:$0x2] =	sbarrier.arrive $0xFFFF  }
0x60: {  	[sflag:s0] =	ssyncadd.tile.s32 @!p0 $0x1;
	_ =	shalt  }
.Lfunc_end2:
_tile_overlayer_lowered:
.L_overlay_start_2:
0x61: {  	(tag) =	ssettag $0x2  }
0x62: {  	s0 =	rddreg [dreg:$0x0];
	s2 =	stileid.u32  }
0x63: {  	s1 =	rddreg [dreg:$0x1];
	p0 =	sne.s32 s2, $0x0  }
0x64: {  	s3 =	rddreg [dreg:$0x2];
	[bflag:$0x3] =	sbarrier.arrive $0xFFFF;
	s2 =	simm.s32 @!p0 $0x1C02  }
0x65: {  	[timem:s3], [sflag:s2] =	dma.local @!p0 [hbm:s0], s1  }
0x66: {  	s0 =	simm.s32 @!p0 $0x2  }
0x67: {  	_ =	swait.ge @!p0 [sflag:s0], s1  }
0x68: {  	s1 =	ssub.s32 @!p0 $0x0, s1;
	[sflag:s0] =	ssyncset.done @!p0 $0x0  }
0x69: {  	[sflag:s0] =	ssyncadd.s32 @!p0 s1  }
0x6a: {  	[bflag:$0x3] =	sbarrier.arrive $0xFFFF  }
0x6b: {  	_ =	shalt  }

// kernel: kernel.19.cloned.1.call-start
scs
__scs_entry_jumppad:
0x0: {  	(pc) =	sbr.rel $0x88, $3  }
0x1: {  	(tag) =	ssettag $0x0;
	lr =	simm.s32 $0x1  }
0x2: {  	[smem:$0x3F98] =	sst lr;
	_ =	strace $0xD0000000  }
0x3: {  	_ = 	snop  }
0x4: {  	_ = 	snop  }
0x5: {  	_ = 	snop  }
0x6: {  	_ = 	snop  }
0x7: {  	_ = 	snop  }
__scs_overlays_trampoline_lowered:
0x8: {  	[smem:$0x3FA7] =	sst s0  }
0x9: {  	[smem:$0x3FA8] =	sst s1  }
0xa: {  	[smem:$0x3FA9] =	sst s2  }
0xb: {  	[smem:$0x3FAA] =	sst s3  }
0xc: {  	[smem:$0x3FAB] =	sst s4  }
0xd: {  	[smem:$0x3FAC] =	sst s5  }
0xe: {  	[smem:$0x3FAD] =	sst s6  }
0xf: {  	[smem:$0x3FAE] =	sst s7  }
0x10: {  	[smem:$0x3FAF] =	sst s8  }
0x11: {  	[smem:$0x3FB0] =	sst s9;
	s0 =	simm.s32 @!p0 $0x0  }
0x12: {  	s1 =	sld [smem:$0x3F96];
	s0 =	simm.s32 @p0 $0x1  }
0x13: {  	[smem:$0x3FB1] =	sst s0;
	s0 =	simm.s32 @!p1 $0x0  }
0x14: {  	s2 =	sld [smem:$0x3F95];
	s0 =	simm.s32 @p1 $0x1  }
0x15: {  	[smem:$0x3FB2] =	sst s0;
	s0 =	simm.s32 @!p2 $0x0  }
0x16: {  	s3 =	sld [smem:$0x3FDB];
	s0 =	simm.s32 @p2 $0x1  }
0x17: {  	s4 =	simm.s32 $0x1BF5;
	[smem:$0x3FB4] =	sst s0  }
0x18: {  	s0 =	sld [smem:$0x3F97];
	_ =	swait.ge [sflag:s4], $0x0  }
0x19: {  	s7 =	sld [smem:$0x3F98]  }
0x1a: {  	s8 =	sadd.s32 $0xFFFFE003, lr  }
0x1b: {  	s9 =	sadd.s32 $0xFFFFFEF7, lr;
	s5 =	simm.s32 $0xFFFFFFFF;
	p2 =	slt.u32 s8, $0xFFFFF086  }
0x1c: {  	p1 =	slt.u32 s9, $0xF7A;
	s5 =	simm.s32 @!p2 $0x0  }
0x1d: {  	s5 =	simm.s32 @p1 $0x1;
	p0 =	seq.s32 s7, s2  }
0x1e: {  	s7 =	smul.u32 @!p0 $0xF7A, s2;
	p2 =	seq.s32 @!p0 s5, $0x0  }
0x1f: {  	s9 =	smul.u32 $0xF7A, s1;
	s8 =	simm.s32 @!p0 $0x1BF5;
	p2 =	por !p2, p0  }
0x20: {  	[sflag:s8] =	ssyncset.s32 @!p0 $0xFFFFF086;
	s6 =	sadd.s32 @!p0 s3, s7;
	s7 =	simm.s32 @!p0 $0x108  }
0x21: {  	s3 =	sadd.s32 s3, s9;
	s6 =	sadd.s32 @!p0 $0x88, s6;
	s7 =	simm.s32 @p2 $0x1082  }
0x22: {  	[simem:s7], [sflag:s8] =	dma.local @!p0 [hbm:s6], $0xF7A  }
0x23: {  	s9 =	sor.u32 $0xD0000000, s2;
	s6 =	simm.s32 $0x108;
	_ =	swait.ge @!p0 [sflag:s8], $0x0  }
0x24: {  	s3 =	sadd.s32 $0x88, s3;
	s6 =	simm.s32 @!p1 $0x1082;
	[sflag:s4] =	ssyncset.s32 $0xFFFFF086  }
0x25: {  	[simem:s6], [sflag:s4] =	dma.local [hbm:s3], $0xF7A  }
0x26: {  	[smem:$0x3F98] =	sst s1;
	(tag) =	ssettag s2;
	_ =	strace s9  }
0x27: {  	s1 =	sld [smem:$0x3FA8]  }
0x28: {  	s2 =	sld [smem:$0x3FA9]  }
0x29: {  	s4 =	sld [smem:$0x3FAB]  }
0x2a: {  	p0 =	seq.s32 s5, $0x0;
	s5 =	sld [smem:$0x3FAC]  }
0x2b: {  	s6 =	sld [smem:$0x3FAD]  }
0x2c: {  	s7 =	sld [smem:$0x3FAE]  }
0x2d: {  	s3 =	simm.s32 $0x108;
	s8 =	sld [smem:$0x3FAF]  }
0x2e: {  	s3 =	simm.s32 @!p0 $0x1082;
	s9 =	sld [smem:$0x3FB0]  }
0x2f: {  	lr =	sadd.s32 s0, s3;
	s0 =	sld [smem:$0x3FA7]  }
0x30: {  	s3 =	sld [smem:$0x3FAA]  }
0x31: {  	[smem:$0x3FB3] =	sst s10  }
0x32: {  	s10 =	sld [smem:$0x3FB1];
	_ =	sdelay $0x3  }
0x33: {  	p0 =	seq.s32 s10, $0x1;
	s10 =	sld [smem:$0x3FB3];
	_ =	sdelay $0x3  }
0x34: {  	[smem:$0x3FB3] =	sst s10  }
0x35: {  	s10 =	sld [smem:$0x3FB2];
	_ =	sdelay $0x3  }
0x36: {  	p1 =	seq.s32 s10, $0x1;
	s10 =	sld [smem:$0x3FB3];
	_ =	sdelay $0x3  }
0x37: {  	[smem:$0x3FB3] =	sst s10  }
0x38: {  	s10 =	sld [smem:$0x3FB4]  }
0x39: {  	_ = 	snop;
	(pc) =	sbr.ind lr, $3  }
0x3a: {  	_ = 	snop  }
0x3b: {  	_ = 	snop  }
0x3c: {  	p2 =	seq.s32 s10, $0x1;
	s10 =	sld [smem:$0x3FB3]  }
0x3d: {  	_ =	shalt  }
0x3e: {  	_ =	shalt  }
0x3f: {  	_ =	shalt  }
0x40: {  	_ =	shalt  }
0x41: {  	_ =	shalt  }
0x42: {  	_ =	shalt  }
0x43: {  	_ =	shalt  }
0x44: {  	_ =	shalt  }
0x45: {  	_ =	shalt  }
0x46: {  	_ =	shalt  }
0x47: {  	_ =	shalt  }
0x48: {  	_ =	shalt  }
0x49: {  	_ =	shalt  }
0x4a: {  	_ =	shalt  }
0x4b: {  	_ =	shalt  }
0x4c: {  	_ =	shalt  }
0x4d: {  	_ =	shalt  }
0x4e: {  	_ =	shalt  }
0x4f: {  	_ =	shalt  }
0x50: {  	_ =	shalt  }
0x51: {  	_ =	shalt  }
0x52: {  	_ =	shalt  }
0x53: {  	_ =	shalt  }
0x54: {  	_ =	shalt  }
0x55: {  	_ =	shalt  }
0x56: {  	_ =	shalt  }
0x57: {  	_ =	shalt  }
0x58: {  	_ =	shalt  }
0x59: {  	_ =	shalt  }
0x5a: {  	_ =	shalt  }
0x5b: {  	_ =	shalt  }
0x5c: {  	_ =	shalt  }
0x5d: {  	_ =	shalt  }
0x5e: {  	_ =	shalt  }
0x5f: {  	_ =	shalt  }
0x60: {  	_ =	shalt  }
0x61: {  	_ =	shalt  }
0x62: {  	_ =	shalt  }
0x63: {  	_ =	shalt  }
0x64: {  	_ =	shalt  }
0x65: {  	_ =	shalt  }
0x66: {  	_ =	shalt  }
0x67: {  	_ =	shalt  }
0x68: {  	_ =	shalt  }
0x69: {  	_ =	shalt  }
0x6a: {  	_ =	shalt  }
0x6b: {  	_ =	shalt  }
0x6c: {  	_ =	shalt  }
0x6d: {  	_ =	shalt  }
0x6e: {  	_ =	shalt  }
0x6f: {  	_ =	shalt  }
0x70: {  	_ =	shalt  }
0x71: {  	_ =	shalt  }
0x72: {  	_ =	shalt  }
0x73: {  	_ =	shalt  }
0x74: {  	_ =	shalt  }
0x75: {  	_ =	shalt  }
0x76: {  	_ =	shalt  }
0x77: {  	_ =	shalt  }
0x78: {  	_ =	shalt  }
0x79: {  	_ =	shalt  }
0x7a: {  	_ =	shalt  }
0x7b: {  	_ =	shalt  }
0x7c: {  	_ =	shalt  }
0x7d: {  	_ =	shalt  }
0x7e: {  	_ =	shalt  }
0x7f: {  	_ =	shalt  }
0x80: {  	_ =	shalt  }
0x81: {  	_ =	shalt  }
0x82: {  	_ =	shalt  }
0x83: {  	_ =	shalt  }
0x84: {  	_ =	shalt  }
0x85: {  	_ =	shalt  }
0x86: {  	_ =	shalt  }
0x87: {  	_ =	shalt  }
.Lfunc_end0:
.L_simem_size_0:
called_computation.2_lowered:
.L_overlay_start_0:
0x88: {  	s2 =	sld [smem:$0x3FD9]  }
0x89: {  	s3 =	sld [smem:$0x3FFE];
	_ =	sdelay $0x1  }
0x8a: {  	s1 =	srdreg.scid  }
0x8b: {  	s0 =	sand.u32 $0x1, s1  }
0x8c: {  	s17 =	sshll.u32 s0, $0xA;
	s2 =	sadd.s32 s3, s2  }
0x8d: {  	s2 =	sadd.s32 s2, s17  }
0x8e: {  	[smem:$0x3FBF] =	sst s2  }
0x8f: {  	_ = 	snop  }
0x90: {  	s2 =	sld [smem:$0x3FD0];
	(tm) =	ssettm $0x1  }
0x91: {  	s18 =	sld [smem:$0x3FFB];
	_ =	sdelay $0x3  }
0x92: {  	_ =	strace s18  }
0x93: {  	s3 =	sld [smem:$0x3FFC];
	_ =	sdelay $0x3  }
0x94: {  	_ =	strace s3  }
0x95: {  	s3 =	sld [smem:$0x3FFD];
	_ =	sdelay $0x3  }
0x96: {  	_ =	strace s3  }
0x97: {  	_ =	strace $0x8FFFFFFF  }
0x98: {  	s19 =	sld [smem:$0x3FDB];
	_ =	sdelay $0x1  }
0x99: {  	s4 =	simm.s32 $_scs_section_size  }
0x9a: {  	s5 =	simm.s32 $_size__tile_overlayer_lowered;
	s6 =	simm.s32 $_tile_overlayer_lowered  }
0x9b: {  	s22 =	simm.s32 $0x1BFF;
	s21 =	sshll.u32 s6, $0x1;
	s3 =	sadd.s32 s4, s19  }
0x9c: {  	s7 =	simm.s32 $0x0;
	s20 =	sshll.u32 s5, $0x1;
	s5 =	sadd.s32 s21, s3  }
0x9d: {  	[timem:s7], [sflag:s22] =	dma.local [hbm:s5], s20  }
0x9e: {  	_ =	swait.ge [sflag:s22], s20  }
0x9f: {  	s4 =	ssub.s32 $0x0, s20;
	[sflag:s22] =	ssyncset.done $0x0  }
0xa0: {  	[sflag:s22] =	ssyncadd.s32 s4;
	_ =	sdelay $0x1  }
0xa1: {  	s23 =	simm.s32 $0x1B8B  }
0xa2: {  	_ =	swait.ge [sflag:s23], $0x1  }
0xa3: {  	[sflag:s23] =	ssyncset.done $0x0  }
0xa4: {  	s25 =	simm.s32 $0x1B8E;
	s24 =	sld [smem:$0x3FFE];
	[sflag:s23] =	ssyncadd.s32 $0xFFFFFFFF  }
0xa5: {  	s26 =	simm.s32 $execute0_lowered;
	[smem:$0x3FD2] =	sst s25  }
0xa6: {  	s5 =	sshll.u32 s26, $0x1;
	_ =	strace $0x8000004C;
	[dreg:$0x1] =	wrdreg $0xFFFFFFFF  }
0xa7: {  	s28 =	simm.s32 $_size_execute0_lowered;
	s3 =	sadd.s32 s3, s5;
	[dreg:$0x0] =	wrdreg $0x0  }
0xa8: {  	s5 =	sshll.u32 s28, $0x1;
	[dreg:$0x2] =	wrdreg s3  }
0xa9: {  	[dreg:$0x3] =	wrdreg s5  }
0xaa: {  	[dreg:$0x4] =	wrdreg $0xC0  }
0xab: {  	_ =	task [dreg:s7], $0x5FFFF  }
0xac: {  	[dreg:$0x1] =	wrdreg $0xFFFFFFFF  }
0xad: {  	[dreg:$0x0] =	wrdreg $0x60  }
0xae: {  	[dreg:$0x2] =	wrdreg s2  }
0xaf: {  	[dreg:$0x3] =	wrdreg s24  }
0xb0: {  	[dreg:$0x4] =	wrdreg $0x41800  }
0xb1: {  	[dreg:$0x5] =	wrdreg $0x9  }
0xb2: {  	_ =	task.clear_ibuf [dreg:s7], $0x6FFFF;
	_ =	strace $0x9000004C  }
0xb3: {  	s29 =	simm.s32 $0x9;
	_ =	strace $0x8000004E  }
0xb4: {  	_ =	swait.ge [sflag:s29], $0x1  }
0xb5: {  	[sflag:s29] =	ssyncadd.s32 $0xFFFFFFFF  }
0xb6: {  	_ =	strace $0x9000004E  }
0xb7: {  	_ =	sfence  }
0xb8: {  	s30 =	sld [smem:$0x0];
	_ =	sdelay $0x2  }
0xb9: {  	s31 =	sshll.u32 s1, $0xD;
	s1 =	sshrl.u32 s1, $0x2  }
0xba: {  	s3 =	sand.u32 $0x4000, s31;
	s1 =	sadd.s32 s1, s30  }
0xbb: {  	s0 =	sor.u32 s3, s0;
	s1 =	sshll.u32 s1, $0x11  }
0xbc: {  	s0 =	sor.u32 s1, s0  }
0xbd: {  	s0 =	sadd.s32 $0x8F2B, s0  }
0xbe: {  	[sflag:s0] =	ssyncadd.remote.s32 $0x1  }
0xbf: {  	_ =	sfence.sel $0xFFFF  }
0xc0: {  	[dreg:$0x0] =	wrdreg $0xFFFFFFFF;
	(pc) =	sbr.abs _section_cstart, $3  }
0xc1: {  	[dreg:$0x1] =	wrdreg $0xFFFFFFFF  }
0xc2: {  	_ =	task.clear_ibuf [dreg:s7], $0x2FFFF;
	_ =	strace $0x9FFFFFFF  }
0xc3: {  	(tm) =	ssettm $0x7FFFFFFF  }
tec
execute0_lowered:
.L_overlay_start_1:
0x0: {  	(tag) =	ssettag $0x1  }
0x1: {  	s0 =	rddreg [dreg:$0x0]  }
0x2: {  	s6 =	rddreg [dreg:$0x1];
	s1 =	srdreg.scid  }
0x3: {  	s3 =	rddreg [dreg:$0x2];
	s2 =	stileid.u32  }
0x4: {  	s4 =	simm.s32 $0x0;
	s13 =	simm.s32 $0x180;
	s14 =	simm.s32 $0x1  }
0x5: {  	s15 =	simm.s32 $0x100;
	s16 =	simm.s32 $0x0;
	s8 =	smul.u32 $0x14000, s2  }
0x6: {  	s7 =	sand.u32 $0x1, s1;
	s1 =	rddreg [dreg:$0x3];
	s9 =	smul.u32 $0x9E0, s2  }
0x7: {  	[smem:$0x7FF] =	sst s4;
	s10 =	smul.u32 $0x50000, s2;
	s30 =	sshll.u32 s2, $0x6  }
0x8: {  	s5 =	smul.u32 $0x140000, s7;
	_ =	strace $0x8000004D;
	s29 =	ssub.s32 $0x2, s7  }
0x9: {  	s12 =	smul.u32 $0x4F0, s7;
	s26 =	sadd.s32 s9, s6;
	s11 =	sshrl.u32 s29, $0x1  }
0xa: {  	s10 =	sshrl.u32 s10, $0x2;
	s5 =	sadd.s32 s8, s5;
	s11 =	ssub.s32 s29, s11  }
0xb: {  	s10 =	sadd.s32 s10, s3;
	s31 =	sadd.s32 s12, s26;
	s12 =	simm.s32 $0x80  }
0xc: {  	s28 =	sshrl.u32 s5, $0x3;
	s5 =	sadd.s32 $0xE400, s6;
	s8 =	smax.u32 s11, $0x1  }
0xd: {  	s10 =	sshrl.u32 s10, $0x3;
	s11 =	simm.s32 $0x2;
	s9 =	sadd.s32 s28, s6  }
0xe: {  	s6 =	sor.u32 $0x1C02, s30;
	s7 =	sadd.s32 $0x10C00, s9;
	s9 =	sadd.s32 $0x4600, s31  }
.LBB2_1:
0xf: {  	[spmem:s10], [sflag:s6] =	dma.local [hbm:s5], $0x2800  }
0x10: {  	_ =	swait.ge [sflag:s11], $0x2800  }
0x11: {  	[sflag:s11] =	ssyncset.done $0x0  }
0x12: {  	[sflag:s11] =	ssyncadd.s32 $0xFFFFD800  }
0x13: {  	s17 =	sadd.s32 $0x0, s9;
	[bflag:$0x0] =	sbarrier.arrive $0xFFFF  }
0x14: {  	[tilespmem:s4], [sflag:$0x2] =	stream.linear.gather [hbm4b:s17+s4], $0x80, $0x38;
	[tilespmem:$0x18180] =	vst v63  }
0x15: {  	_ =	swait.ge [sflag:s11], $0x80  }
0x16: {  	[sflag:s11] =	ssyncset.done $0x0  }
0x17: {  	[sflag:s11] =	ssyncadd.s32 $0xFFFFFF80  }
0x18: {  	v0 =	vld [tilespmem:$0x70];
	_ =	sdelay $0x1  }
0x19: {  	v1 =	vld [tilespmem:$0x60]  }
0x1a: {  	v2 =	vld [tilespmem:$0x20]  }
0x1b: {  	v6 =	vld [tilespmem:$0x30]  }
0x1c: {  	v4 =	vld [tilespmem:$0x0];
	v5 =	vand.u32 $0xFFFF, v0  }
0x1d: {  	v3 =	vld [tilespmem:$0x10];
	v0 =	vshra.s32 v0, $0x10;
	[tilespmem:$0xF0] =	vst v5  }
0x1e: {  	v8 =	vld [tilespmem:$0x50];
	v7 =	vand.u32 $0xFFFF, v1;
	[tilespmem:$0x170] =	vst v0  }
0x1f: {  	v1 =	vshra.s32 v1, $0x10;
	v5 =	vld [tilespmem:$0x40];
	[tilespmem:$0xE0] =	vst v7  }
0x20: {  	v9 =	vand.u32 $0xFFFF, v6;
	[tilespmem:$0x160] =	vst v1  }
0x21: {  	v10 =	vshra.s32 v4, $0x10;
	v0 =	vand.u32 $0xFFFF, v2;
	[tilespmem:$0xB0] =	vst v9  }
0x22: {  	v7 =	vshra.s32 v2, $0x10;
	v2 =	vshra.s32 v3, $0x10;
	v1 =	vand.u32 $0xFFFF, v4;
	[tilespmem:$0x100] =	vst v10  }
0x23: {  	v4 =	vshra.s32 v6, $0x10;
	v6 =	vand.u32 $0xFFFF, v8;
	[tilespmem:$0xA0] =	vst v0;
	v0 =	vand.u32 $0xFFFF, v3  }
0x24: {  	s17 =	simm.s32 $0x10;
	[tilespmem:$0x120] =	vst v7;
	v7 =	vshra.s32 v8, $0x10;
	v3 =	vand.u32 $0xFFFF, v5;
	v5 =	vshra.s32 v5, $0x10  }
.LBB2_2:
0x25: {  	p0 =	sne.s32 s17, $0x4E0;
	[tilespmem:$0x150] =	vst v7;
	s18 =	smov.u32 s17;
	s17 =	sadd.s32 $0x10, s17  }
0x26: {  	[tilespmem:$0x110] =	vst v2  }
0x27: {  	[tilespmem:$0xD0] =	vst v6  }
0x28: {  	[tilespmem:$0x130] =	vst v4  }
0x29: {  	[tilespmem:$0x90] =	vst v0  }
0x2a: {  	[tilespmem:$0x140] =	vst v5  }
0x2b: {  	[tilespmem:$0x80] =	vst v1  }
0x2c: {  	[tilespmem:$0xC0] =	vst v3  }
0x2d: {  	[tilespmem:s13], [sflag:$0x1] =	stream.indirect.gather [hbm4b:s0+s12], $0x80, s12, s12, $0xb8;
	[tilespmem:$0x18180] =	vst v63  }
0x2e: {  	_ =	swait.ge [sflag:s14], $0x4000  }
0x2f: {  	[sflag:s14] =	ssyncset.done $0x0  }
0x30: {  	[sflag:s14] =	ssyncadd.s32 $0xFFFFC000  }
0x31: {  	[spmem:s3] =	stream.indirect.scatter.add.f32 [tilespmem:s13], [sflag:$0x2], $0x80, s15, s12, $0xb8;
	[tilespmem:$0x18180] =	vst v63  }
0x32: {  	_ =	swait.ge [sflag:s11], $0x4000  }
0x33: {  	[sflag:s11] =	ssyncset.done $0x0  }
0x34: {  	s18 =	sadd.s32 s18, s9;
	[sflag:s11] =	ssyncadd.s32 $0xFFFFC000  }
0x35: {  	[tilespmem:s4], [sflag:$0x2] =	stream.linear.gather [hbm4b:s18+s4], $0x80, $0x38;
	[tilespmem:$0x18180] =	vst v63  }
0x36: {  	_ =	swait.ge [sflag:s11], $0x80  }
0x37: {  	[sflag:s11] =	ssyncset.done $0x0  }
0x38: {  	[sflag:s11] =	ssyncadd.s32 $0xFFFFFF80  }
0x39: {  	v0 =	vld [tilespmem:$0x70]  }
0x3a: {  	v1 =	vld [tilespmem:$0x60]  }
0x3b: {  	v2 =	vld [tilespmem:$0x10]  }
0x3c: {  	v3 =	vld [tilespmem:$0x20]  }
0x3d: {  	v4 =	vld [tilespmem:$0x0]  }
0x3e: {  	v5 =	vld [tilespmem:$0x30];
	v6 =	vand.u32 $0xFFFF, v0;
	v0 =	vshra.s32 v0, $0x10  }
0x3f: {  	v7 =	vld [tilespmem:$0x40];
	v8 =	vand.u32 $0xFFFF, v1;
	v9 =	vshra.s32 v1, $0x10;
	[tilespmem:$0xF0] =	vst v6  }
0x40: {  	v10 =	vld [tilespmem:$0x50];
	[tilespmem:$0x170] =	vst v0  }
0x41: {  	v0 =	vand.u32 $0xFFFF, v2;
	v2 =	vshra.s32 v2, $0x10;
	v6 =	vand.u32 $0xFFFF, v3;
	[tilespmem:$0xE0] =	vst v8  }
.Ltmp0:
0x42: {  	v3 =	vshra.s32 v3, $0x10;
	v1 =	vand.u32 $0xFFFF, v4;
	v8 =	vshra.s32 v4, $0x10;
	[tilespmem:$0xA0] =	vst v6;
	(pc) =	sbr.rel @p0 .LBB2_2-.Ltmp0, $4  }
0x43: {  	v6 =	vand.u32 $0xFFFF, v5;
	v4 =	vshra.s32 v5, $0x10;
	[tilespmem:$0x160] =	vst v9  }
0x44: {  	[tilespmem:$0x120] =	vst v3;
	v3 =	vand.u32 $0xFFFF, v7;
	v5 =	vshra.s32 v7, $0x10  }
0x45: {  	[tilespmem:$0xB0] =	vst v6;
	v6 =	vand.u32 $0xFFFF, v10;
	v7 =	vshra.s32 v10, $0x10  }
0x46: {  	[tilespmem:$0x100] =	vst v8  }
0x47: {  	[tilespmem:$0x150] =	vst v7  }
0x48: {  	[tilespmem:$0x110] =	vst v2  }
0x49: {  	[tilespmem:$0xD0] =	vst v6  }
0x4a: {  	[tilespmem:$0x130] =	vst v4  }
0x4b: {  	[tilespmem:$0x90] =	vst v0  }
0x4c: {  	[tilespmem:$0x140] =	vst v5  }
0x4d: {  	[tilespmem:$0x80] =	vst v1  }
0x4e: {  	[tilespmem:$0xC0] =	vst v3  }
0x4f: {  	[tilespmem:s13], [sflag:$0x1] =	stream.indirect.gather [hbm4b:s0+s12], $0x80, s12, s12, $0xb8;
	[tilespmem:$0x18180] =	vst v63  }
0x50: {  	_ =	swait.ge [sflag:s14], $0x4000  }
0x51: {  	[sflag:s14] =	ssyncset.done $0x0  }
0x52: {  	[sflag:s14] =	ssyncadd.s32 $0xFFFFC000  }
0x53: {  	[spmem:s3] =	stream.indirect.scatter.add.f32 [tilespmem:s13], [sflag:$0x2], $0x80, s15, s12, $0xb8;
	[tilespmem:$0x18180] =	vst v63  }
0x54: {  	_ =	swait.ge [sflag:s11], $0x4000  }
0x55: {  	s16 =	sadd.s32 $0x1, s16;
	[sflag:s11] =	ssyncset.done $0x0  }
0x56: {  	p0 =	sne.s32 s16, s8;
	[sflag:s11] =	ssyncadd.s32 $0xFFFFC000  }
.Ltmp1:
0x57: {  	[bflag:$0x0] =	sbarrier.arrive $0xFFFF;
	(pc) =	sbr.rel @p0 .LBB2_1-.Ltmp1, $4  }
0x58: {  	[hbm:s7], [sflag:s6] =	dma.local [spmem:s10], $0x2800  }
0x59: {  	_ =	swait.ge [sflag:s11], $0x2800  }
0x5a: {  	[sflag:s11] =	ssyncset.done $0x0  }
0x5b: {  	[sflag:s11] =	ssyncadd.s32 $0xFFFFD800  }
0x5c: {  	_ =	sfence.sel $0x180000  }
0x5d: {  	[bflag:$0x0] =	sbarrier.arrive $0xFFFF  }
0x5e: {  	p0 =	sne.s32 s2, $0x0;
	_ =	strace $0x9000004D  }
0x5f: {  	s0 =	sadd.s32 @!p0 $0x100000, s1;
	[bflag:$0x2] =	sbarrier.arrive $0xFFFF  }
0x60: {  	[sflag:s0] =	ssyncadd.tile.s32 @!p0 $0x1;
	_ =	shalt  }
.Lfunc_end2:
_tile_overlayer_lowered:
.L_overlay_start_2:
0x61: {  	(tag) =	ssettag $0x2  }
0x62: {  	s0 =	rddreg [dreg:$0x0];
	s2 =	stileid.u32  }
0x63: {  	s1 =	rddreg [dreg:$0x1];
	p0 =	sne.s32 s2, $0x0  }
0x64: {  	s3 =	rddreg [dreg:$0x2];
	[bflag:$0x3] =	sbarrier.arrive $0xFFFF;
	s2 =	simm.s32 @!p0 $0x1C02  }
0x65: {  	[timem:s3], [sflag:s2] =	dma.local @!p0 [hbm:s0], s1  }
0x66: {  	s0 =	simm.s32 @!p0 $0x2  }
0x67: {  	_ =	swait.ge @!p0 [sflag:s0], s1  }
0x68: {  	s1 =	ssub.s32 @!p0 $0x0, s1;
	[sflag:s0] =	ssyncset.done @!p0 $0x0  }
0x69: {  	[sflag:s0] =	ssyncadd.s32 @!p0 s1  }
0x6a: {  	[bflag:$0x3] =	sbarrier.arrive $0xFFFF  }
0x6b: {  	_ =	shalt  }

// kernel: kernel.22.cloned.1.call-start
scs
__scs_entry_jumppad:
0x0: {  	(pc) =	sbr.rel $0x88, $3  }
0x1: {  	(tag) =	ssettag $0x0;
	lr =	simm.s32 $0x1  }
0x2: {  	[smem:$0x3F98] =	sst lr;
	_ =	strace $0xD0000000  }
0x3: {  	_ = 	snop  }
0x4: {  	_ = 	snop  }
0x5: {  	_ = 	snop  }
0x6: {  	_ = 	snop  }
0x7: {  	_ = 	snop  }
__scs_overlays_trampoline_lowered:
0x8: {  	[smem:$0x3FA7] =	sst s0  }
0x9: {  	[smem:$0x3FA8] =	sst s1  }
0xa: {  	[smem:$0x3FA9] =	sst s2  }
0xb: {  	[smem:$0x3FAA] =	sst s3  }
0xc: {  	[smem:$0x3FAB] =	sst s4  }
0xd: {  	[smem:$0x3FAC] =	sst s5  }
0xe: {  	[smem:$0x3FAD] =	sst s6  }
0xf: {  	[smem:$0x3FAE] =	sst s7  }
0x10: {  	[smem:$0x3FAF] =	sst s8  }
0x11: {  	[smem:$0x3FB0] =	sst s9;
	s0 =	simm.s32 @!p0 $0x0  }
0x12: {  	s1 =	sld [smem:$0x3F96];
	s0 =	simm.s32 @p0 $0x1  }
0x13: {  	[smem:$0x3FB1] =	sst s0;
	s0 =	simm.s32 @!p1 $0x0  }
0x14: {  	s2 =	sld [smem:$0x3F95];
	s0 =	simm.s32 @p1 $0x1  }
0x15: {  	[smem:$0x3FB2] =	sst s0;
	s0 =	simm.s32 @!p2 $0x0  }
0x16: {  	s3 =	sld [smem:$0x3FDB];
	s0 =	simm.s32 @p2 $0x1  }
0x17: {  	s4 =	simm.s32 $0x1BF5;
	[smem:$0x3FB4] =	sst s0  }
0x18: {  	s0 =	sld [smem:$0x3F97];
	_ =	swait.ge [sflag:s4], $0x0  }
0x19: {  	s7 =	sld [smem:$0x3F98]  }
0x1a: {  	s8 =	sadd.s32 $0xFFFFE003, lr  }
0x1b: {  	s9 =	sadd.s32 $0xFFFFFEF7, lr;
	s5 =	simm.s32 $0xFFFFFFFF;
	p2 =	slt.u32 s8, $0xFFFFF086  }
0x1c: {  	p1 =	slt.u32 s9, $0xF7A;
	s5 =	simm.s32 @!p2 $0x0  }
0x1d: {  	s5 =	simm.s32 @p1 $0x1;
	p0 =	seq.s32 s7, s2  }
0x1e: {  	s7 =	smul.u32 @!p0 $0xF7A, s2;
	p2 =	seq.s32 @!p0 s5, $0x0  }
0x1f: {  	s9 =	smul.u32 $0xF7A, s1;
	s8 =	simm.s32 @!p0 $0x1BF5;
	p2 =	por !p2, p0  }
0x20: {  	[sflag:s8] =	ssyncset.s32 @!p0 $0xFFFFF086;
	s6 =	sadd.s32 @!p0 s3, s7;
	s7 =	simm.s32 @!p0 $0x108  }
0x21: {  	s3 =	sadd.s32 s3, s9;
	s6 =	sadd.s32 @!p0 $0x88, s6;
	s7 =	simm.s32 @p2 $0x1082  }
0x22: {  	[simem:s7], [sflag:s8] =	dma.local @!p0 [hbm:s6], $0xF7A  }
0x23: {  	s9 =	sor.u32 $0xD0000000, s2;
	s6 =	simm.s32 $0x108;
	_ =	swait.ge @!p0 [sflag:s8], $0x0  }
0x24: {  	s3 =	sadd.s32 $0x88, s3;
	s6 =	simm.s32 @!p1 $0x1082;
	[sflag:s4] =	ssyncset.s32 $0xFFFFF086  }
0x25: {  	[simem:s6], [sflag:s4] =	dma.local [hbm:s3], $0xF7A  }
0x26: {  	[smem:$0x3F98] =	sst s1;
	(tag) =	ssettag s2;
	_ =	strace s9  }
0x27: {  	s1 =	sld [smem:$0x3FA8]  }
0x28: {  	s2 =	sld [smem:$0x3FA9]  }
0x29: {  	s4 =	sld [smem:$0x3FAB]  }
0x2a: {  	p0 =	seq.s32 s5, $0x0;
	s5 =	sld [smem:$0x3FAC]  }
0x2b: {  	s6 =	sld [smem:$0x3FAD]  }
0x2c: {  	s7 =	sld [smem:$0x3FAE]  }
0x2d: {  	s3 =	simm.s32 $0x108;
	s8 =	sld [smem:$0x3FAF]  }
0x2e: {  	s3 =	simm.s32 @!p0 $0x1082;
	s9 =	sld [smem:$0x3FB0]  }
0x2f: {  	lr =	sadd.s32 s0, s3;
	s0 =	sld [smem:$0x3FA7]  }
0x30: {  	s3 =	sld [smem:$0x3FAA]  }
0x31: {  	[smem:$0x3FB3] =	sst s10  }
0x32: {  	s10 =	sld [smem:$0x3FB1];
	_ =	sdelay $0x3  }
0x33: {  	p0 =	seq.s32 s10, $0x1;
	s10 =	sld [smem:$0x3FB3];
	_ =	sdelay $0x3  }
0x34: {  	[smem:$0x3FB3] =	sst s10  }
0x35: {  	s10 =	sld [smem:$0x3FB2];
	_ =	sdelay $0x3  }
0x36: {  	p1 =	seq.s32 s10, $0x1;
	s10 =	sld [smem:$0x3FB3];
	_ =	sdelay $0x3  }
0x37: {  	[smem:$0x3FB3] =	sst s10  }
0x38: {  	s10 =	sld [smem:$0x3FB4]  }
0x39: {  	_ = 	snop;
	(pc) =	sbr.ind lr, $3  }
0x3a: {  	_ = 	snop  }
0x3b: {  	_ = 	snop  }
0x3c: {  	p2 =	seq.s32 s10, $0x1;
	s10 =	sld [smem:$0x3FB3]  }
0x3d: {  	_ =	shalt  }
0x3e: {  	_ =	shalt  }
0x3f: {  	_ =	shalt  }
0x40: {  	_ =	shalt  }
0x41: {  	_ =	shalt  }
0x42: {  	_ =	shalt  }
0x43: {  	_ =	shalt  }
0x44: {  	_ =	shalt  }
0x45: {  	_ =	shalt  }
0x46: {  	_ =	shalt  }
0x47: {  	_ =	shalt  }
0x48: {  	_ =	shalt  }
0x49: {  	_ =	shalt  }
0x4a: {  	_ =	shalt  }
0x4b: {  	_ =	shalt  }
0x4c: {  	_ =	shalt  }
0x4d: {  	_ =	shalt  }
0x4e: {  	_ =	shalt  }
0x4f: {  	_ =	shalt  }
0x50: {  	_ =	shalt  }
0x51: {  	_ =	shalt  }
0x52: {  	_ =	shalt  }
0x53: {  	_ =	shalt  }
0x54: {  	_ =	shalt  }
0x55: {  	_ =	shalt  }
0x56: {  	_ =	shalt  }
0x57: {  	_ =	shalt  }
0x58: {  	_ =	shalt  }
0x59: {  	_ =	shalt  }
0x5a: {  	_ =	shalt  }
0x5b: {  	_ =	shalt  }
0x5c: {  	_ =	shalt  }
0x5d: {  	_ =	shalt  }
0x5e: {  	_ =	shalt  }
0x5f: {  	_ =	shalt  }
0x60: {  	_ =	shalt  }
0x61: {  	_ =	shalt  }
0x62: {  	_ =	shalt  }
0x63: {  	_ =	shalt  }
0x64: {  	_ =	shalt  }
0x65: {  	_ =	shalt  }
0x66: {  	_ =	shalt  }
0x67: {  	_ =	shalt  }
0x68: {  	_ =	shalt  }
0x69: {  	_ =	shalt  }
0x6a: {  	_ =	shalt  }
0x6b: {  	_ =	shalt  }
0x6c: {  	_ =	shalt  }
0x6d: {  	_ =	shalt  }
0x6e: {  	_ =	shalt  }
0x6f: {  	_ =	shalt  }
0x70: {  	_ =	shalt  }
0x71: {  	_ =	shalt  }
0x72: {  	_ =	shalt  }
0x73: {  	_ =	shalt  }
0x74: {  	_ =	shalt  }
0x75: {  	_ =	shalt  }
0x76: {  	_ =	shalt  }
0x77: {  	_ =	shalt  }
0x78: {  	_ =	shalt  }
0x79: {  	_ =	shalt  }
0x7a: {  	_ =	shalt  }
0x7b: {  	_ =	shalt  }
0x7c: {  	_ =	shalt  }
0x7d: {  	_ =	shalt  }
0x7e: {  	_ =	shalt  }
0x7f: {  	_ =	shalt  }
0x80: {  	_ =	shalt  }
0x81: {  	_ =	shalt  }
0x82: {  	_ =	shalt  }
0x83: {  	_ =	shalt  }
0x84: {  	_ =	shalt  }
0x85: {  	_ =	shalt  }
0x86: {  	_ =	shalt  }
0x87: {  	_ =	shalt  }
.Lfunc_end0:
.L_simem_size_0:
called_computation.3_lowered:
.L_overlay_start_0:
0x88: {  	s2 =	sld [smem:$0x3FD9]  }
0x89: {  	s3 =	sld [smem:$0x3FFE];
	_ =	sdelay $0x1  }
0x8a: {  	s1 =	srdreg.scid  }
0x8b: {  	s0 =	sand.u32 $0x1, s1  }
0x8c: {  	s17 =	sshll.u32 s0, $0xA;
	s2 =	sadd.s32 s3, s2  }
0x8d: {  	s2 =	sadd.s32 s2, s17  }
0x8e: {  	[smem:$0x3FBF] =	sst s2  }
0x8f: {  	_ = 	snop  }
0x90: {  	s2 =	sld [smem:$0x3FD0];
	(tm) =	ssettm $0x1  }
0x91: {  	s18 =	sld [smem:$0x3FFB];
	_ =	sdelay $0x3  }
0x92: {  	_ =	strace s18  }
0x93: {  	s3 =	sld [smem:$0x3FFC];
	_ =	sdelay $0x3  }
0x94: {  	_ =	strace s3  }
0x95: {  	s3 =	sld [smem:$0x3FFD];
	_ =	sdelay $0x3  }
0x96: {  	_ =	strace s3  }
0x97: {  	_ =	strace $0x8FFFFFFF  }
0x98: {  	s19 =	sld [smem:$0x3FDB];
	_ =	sdelay $0x1  }
0x99: {  	s4 =	simm.s32 $_scs_section_size  }
0x9a: {  	s5 =	simm.s32 $_size__tile_overlayer_lowered;
	s6 =	simm.s32 $_tile_overlayer_lowered  }
0x9b: {  	s22 =	simm.s32 $0x1BFF;
	s21 =	sshll.u32 s6, $0x1;
	s3 =	sadd.s32 s4, s19  }
0x9c: {  	s7 =	simm.s32 $0x0;
	s20 =	sshll.u32 s5, $0x1;
	s5 =	sadd.s32 s21, s3  }
0x9d: {  	[timem:s7], [sflag:s22] =	dma.local [hbm:s5], s20  }
0x9e: {  	_ =	swait.ge [sflag:s22], s20  }
0x9f: {  	s4 =	ssub.s32 $0x0, s20;
	[sflag:s22] =	ssyncset.done $0x0  }
0xa0: {  	[sflag:s22] =	ssyncadd.s32 s4;
	_ =	sdelay $0x1  }
0xa1: {  	s23 =	simm.s32 $0x1B8B  }
0xa2: {  	_ =	swait.ge [sflag:s23], $0x1  }
0xa3: {  	[sflag:s23] =	ssyncset.done $0x0  }
0xa4: {  	s25 =	simm.s32 $0x1B8E;
	s24 =	sld [smem:$0x3FFE];
	[sflag:s23] =	ssyncadd.s32 $0xFFFFFFFF  }
0xa5: {  	s26 =	simm.s32 $execute0_lowered;
	[smem:$0x3FD2] =	sst s25  }
0xa6: {  	s5 =	sshll.u32 s26, $0x1;
	_ =	strace $0x8000004F;
	[dreg:$0x1] =	wrdreg $0xFFFFFFFF  }
0xa7: {  	s28 =	simm.s32 $_size_execute0_lowered;
	s3 =	sadd.s32 s3, s5;
	[dreg:$0x0] =	wrdreg $0x0  }
0xa8: {  	s5 =	sshll.u32 s28, $0x1;
	[dreg:$0x2] =	wrdreg s3  }
0xa9: {  	[dreg:$0x3] =	wrdreg s5  }
0xaa: {  	[dreg:$0x4] =	wrdreg $0xC0  }
0xab: {  	_ =	task [dreg:s7], $0x5FFFF  }
0xac: {  	[dreg:$0x1] =	wrdreg $0xFFFFFFFF  }
0xad: {  	[dreg:$0x0] =	wrdreg $0x60  }
0xae: {  	[dreg:$0x2] =	wrdreg s2  }
0xaf: {  	[dreg:$0x3] =	wrdreg s24  }
0xb0: {  	[dreg:$0x4] =	wrdreg $0x41800  }
0xb1: {  	[dreg:$0x5] =	wrdreg $0x9  }
0xb2: {  	_ =	task.clear_ibuf [dreg:s7], $0x6FFFF;
	_ =	strace $0x9000004F  }
0xb3: {  	s29 =	simm.s32 $0x9;
	_ =	strace $0x80000051  }
0xb4: {  	_ =	swait.ge [sflag:s29], $0x1  }
0xb5: {  	[sflag:s29] =	ssyncadd.s32 $0xFFFFFFFF  }
0xb6: {  	_ =	strace $0x90000051  }
0xb7: {  	_ =	sfence  }
0xb8: {  	s30 =	sld [smem:$0x0];
	_ =	sdelay $0x2  }
0xb9: {  	s31 =	sshll.u32 s1, $0xD;
	s1 =	sshrl.u32 s1, $0x2  }
0xba: {  	s3 =	sand.u32 $0x4000, s31;
	s1 =	sadd.s32 s1, s30  }
0xbb: {  	s0 =	sor.u32 s3, s0;
	s1 =	sshll.u32 s1, $0x11  }
0xbc: {  	s0 =	sor.u32 s1, s0  }
0xbd: {  	s0 =	sadd.s32 $0x8F2B, s0  }
0xbe: {  	[sflag:s0] =	ssyncadd.remote.s32 $0x1  }
0xbf: {  	_ =	sfence.sel $0xFFFF  }
0xc0: {  	[dreg:$0x0] =	wrdreg $0xFFFFFFFF;
	(pc) =	sbr.abs _section_cstart, $3  }
0xc1: {  	[dreg:$0x1] =	wrdreg $0xFFFFFFFF  }
0xc2: {  	_ =	task.clear_ibuf [dreg:s7], $0x2FFFF;
	_ =	strace $0x9FFFFFFF  }
0xc3: {  	(tm) =	ssettm $0x7FFFFFFF  }
tec
execute0_lowered:
.L_overlay_start_1:
0x0: {  	(tag) =	ssettag $0x1  }
0x1: {  	s0 =	rddreg [dreg:$0x0]  }
0x2: {  	s6 =	rddreg [dreg:$0x1];
	s1 =	srdreg.scid  }
0x3: {  	s3 =	rddreg [dreg:$0x2];
	s2 =	stileid.u32  }
0x4: {  	s4 =	simm.s32 $0x0;
	s13 =	simm.s32 $0x180;
	s14 =	simm.s32 $0x1  }
0x5: {  	s15 =	simm.s32 $0x100;
	s16 =	simm.s32 $0x0;
	s8 =	smul.u32 $0x14000, s2  }
0x6: {  	s7 =	sand.u32 $0x1, s1;
	s1 =	rddreg [dreg:$0x3];
	s9 =	smul.u32 $0x9E0, s2  }
0x7: {  	[smem:$0x7FF] =	sst s4;
	s10 =	smul.u32 $0x50000, s2;
	s30 =	sshll.u32 s2, $0x6  }
0x8: {  	s5 =	smul.u32 $0x140000, s7;
	_ =	strace $0x80000050;
	s29 =	ssub.s32 $0x2, s7  }
0x9: {  	s12 =	smul.u32 $0x4F0, s7;
	s26 =	sadd.s32 s9, s6;
	s11 =	sshrl.u32 s29, $0x1  }
0xa: {  	s10 =	sshrl.u32 s10, $0x2;
	s5 =	sadd.s32 s8, s5;
	s11 =	ssub.s32 s29, s11  }
0xb: {  	s10 =	sadd.s32 s10, s3;
	s31 =	sadd.s32 s12, s26;
	s12 =	simm.s32 $0x80  }
0xc: {  	s28 =	sshrl.u32 s5, $0x3;
	s5 =	sadd.s32 $0xE400, s6;
	s8 =	smax.u32 s11, $0x1  }
0xd: {  	s10 =	sshrl.u32 s10, $0x3;
	s11 =	simm.s32 $0x2;
	s9 =	sadd.s32 s28, s6  }
0xe: {  	s6 =	sor.u32 $0x1C02, s30;
	s7 =	sadd.s32 $0x10C00, s9;
	s9 =	sadd.s32 $0x4600, s31  }
.LBB2_1:
0xf: {  	[spmem:s10], [sflag:s6] =	dma.local [hbm:s5], $0x2800  }
0x10: {  	_ =	swait.ge [sflag:s11], $0x2800  }
0x11: {  	[sflag:s11] =	ssyncset.done $0x0  }
0x12: {  	[sflag:s11] =	ssyncadd.s32 $0xFFFFD800  }
0x13: {  	s17 =	sadd.s32 $0x0, s9;
	[bflag:$0x0] =	sbarrier.arrive $0xFFFF  }
0x14: {  	[tilespmem:s4], [sflag:$0x2] =	stream.linear.gather [hbm4b:s17+s4], $0x80, $0x38;
	[tilespmem:$0x18180] =	vst v63  }
0x15: {  	_ =	swait.ge [sflag:s11], $0x80  }
0x16: {  	[sflag:s11] =	ssyncset.done $0x0  }
0x17: {  	[sflag:s11] =	ssyncadd.s32 $0xFFFFFF80  }
0x18: {  	v0 =	vld [tilespmem:$0x70];
	_ =	sdelay $0x1  }
0x19: {  	v1 =	vld [tilespmem:$0x60]  }
0x1a: {  	v2 =	vld [tilespmem:$0x20]  }
0x1b: {  	v6 =	vld [tilespmem:$0x30]  }
0x1c: {  	v4 =	vld [tilespmem:$0x0];
	v5 =	vand.u32 $0xFFFF, v0  }
0x1d: {  	v3 =	vld [tilespmem:$0x10];
	v0 =	vshra.s32 v0, $0x10;
	[tilespmem:$0xF0] =	vst v5  }
0x1e: {  	v8 =	vld [tilespmem:$0x50];
	v7 =	vand.u32 $0xFFFF, v1;
	[tilespmem:$0x170] =	vst v0  }
0x1f: {  	v1 =	vshra.s32 v1, $0x10;
	v5 =	vld [tilespmem:$0x40];
	[tilespmem:$0xE0] =	vst v7  }
0x20: {  	v9 =	vand.u32 $0xFFFF, v6;
	[tilespmem:$0x160] =	vst v1  }
0x21: {  	v10 =	vshra.s32 v4, $0x10;
	v0 =	vand.u32 $0xFFFF, v2;
	[tilespmem:$0xB0] =	vst v9  }
0x22: {  	v7 =	vshra.s32 v2, $0x10;
	v2 =	vshra.s32 v3, $0x10;
	v1 =	vand.u32 $0xFFFF, v4;
	[tilespmem:$0x100] =	vst v10  }
0x23: {  	v4 =	vshra.s32 v6, $0x10;
	v6 =	vand.u32 $0xFFFF, v8;
	[tilespmem:$0xA0] =	vst v0;
	v0 =	vand.u32 $0xFFFF, v3  }
0x24: {  	s17 =	simm.s32 $0x10;
	[tilespmem:$0x120] =	vst v7;
	v7 =	vshra.s32 v8, $0x10;
	v3 =	vand.u32 $0xFFFF, v5;
	v5 =	vshra.s32 v5, $0x10  }
.LBB2_2:
0x25: {  	p0 =	sne.s32 s17, $0x4E0;
	[tilespmem:$0x150] =	vst v7;
	s18 =	smov.u32 s17;
	s17 =	sadd.s32 $0x10, s17  }
0x26: {  	[tilespmem:$0x110] =	vst v2  }
0x27: {  	[tilespmem:$0xD0] =	vst v6  }
0x28: {  	[tilespmem:$0x130] =	vst v4  }
0x29: {  	[tilespmem:$0x90] =	vst v0  }
0x2a: {  	[tilespmem:$0x140] =	vst v5  }
0x2b: {  	[tilespmem:$0x80] =	vst v1  }
0x2c: {  	[tilespmem:$0xC0] =	vst v3  }
0x2d: {  	[tilespmem:s13], [sflag:$0x1] =	stream.indirect.gather [hbm4b:s0+s12], $0x80, s12, s12, $0xb8;
	[tilespmem:$0x18180] =	vst v63  }
0x2e: {  	_ =	swait.ge [sflag:s14], $0x4000  }
0x2f: {  	[sflag:s14] =	ssyncset.done $0x0  }
0x30: {  	[sflag:s14] =	ssyncadd.s32 $0xFFFFC000  }
0x31: {  	[spmem:s3] =	stream.indirect.scatter.add.f32 [tilespmem:s13], [sflag:$0x2], $0x80, s15, s12, $0xb8;
	[tilespmem:$0x18180] =	vst v63  }
0x32: {  	_ =	swait.ge [sflag:s11], $0x4000  }
0x33: {  	[sflag:s11] =	ssyncset.done $0x0  }
0x34: {  	s18 =	sadd.s32 s18, s9;
	[sflag:s11] =	ssyncadd.s32 $0xFFFFC000  }
0x35: {  	[tilespmem:s4], [sflag:$0x2] =	stream.linear.gather [hbm4b:s18+s4], $0x80, $0x38;
	[tilespmem:$0x18180] =	vst v63  }
0x36: {  	_ =	swait.ge [sflag:s11], $0x80  }
0x37: {  	[sflag:s11] =	ssyncset.done $0x0  }
0x38: {  	[sflag:s11] =	ssyncadd.s32 $0xFFFFFF80  }
0x39: {  	v0 =	vld [tilespmem:$0x70]  }
0x3a: {  	v1 =	vld [tilespmem:$0x60]  }
0x3b: {  	v2 =	vld [tilespmem:$0x10]  }
0x3c: {  	v3 =	vld [tilespmem:$0x20]  }
0x3d: {  	v4 =	vld [tilespmem:$0x0]  }
0x3e: {  	v5 =	vld [tilespmem:$0x30];
	v6 =	vand.u32 $0xFFFF, v0;
	v0 =	vshra.s32 v0, $0x10  }
0x3f: {  	v7 =	vld [tilespmem:$0x40];
	v8 =	vand.u32 $0xFFFF, v1;
	v9 =	vshra.s32 v1, $0x10;
	[tilespmem:$0xF0] =	vst v6  }
0x40: {  	v10 =	vld [tilespmem:$0x50];
	[tilespmem:$0x170] =	vst v0  }
0x41: {  	v0 =	vand.u32 $0xFFFF, v2;
	v2 =	vshra.s32 v2, $0x10;
	v6 =	vand.u32 $0xFFFF, v3;
	[tilespmem:$0xE0] =	vst v8  }
.Ltmp0:
0x42: {  	v3 =	vshra.s32 v3, $0x10;
	v1 =	vand.u32 $0xFFFF, v4;
	v8 =	vshra.s32 v4, $0x10;
	[tilespmem:$0xA0] =	vst v6;
	(pc) =	sbr.rel @p0 .LBB2_2-.Ltmp0, $4  }
0x43: {  	v6 =	vand.u32 $0xFFFF, v5;
	v4 =	vshra.s32 v5, $0x10;
	[tilespmem:$0x160] =	vst v9  }
0x44: {  	[tilespmem:$0x120] =	vst v3;
	v3 =	vand.u32 $0xFFFF, v7;
	v5 =	vshra.s32 v7, $0x10  }
0x45: {  	[tilespmem:$0xB0] =	vst v6;
	v6 =	vand.u32 $0xFFFF, v10;
	v7 =	vshra.s32 v10, $0x10  }
0x46: {  	[tilespmem:$0x100] =	vst v8  }
0x47: {  	[tilespmem:$0x150] =	vst v7  }
0x48: {  	[tilespmem:$0x110] =	vst v2  }
0x49: {  	[tilespmem:$0xD0] =	vst v6  }
0x4a: {  	[tilespmem:$0x130] =	vst v4  }
0x4b: {  	[tilespmem:$0x90] =	vst v0  }
0x4c: {  	[tilespmem:$0x140] =	vst v5  }
0x4d: {  	[tilespmem:$0x80] =	vst v1  }
0x4e: {  	[tilespmem:$0xC0] =	vst v3  }
0x4f: {  	[tilespmem:s13], [sflag:$0x1] =	stream.indirect.gather [hbm4b:s0+s12], $0x80, s12, s12, $0xb8;
	[tilespmem:$0x18180] =	vst v63  }
0x50: {  	_ =	swait.ge [sflag:s14], $0x4000  }
0x51: {  	[sflag:s14] =	ssyncset.done $0x0  }
0x52: {  	[sflag:s14] =	ssyncadd.s32 $0xFFFFC000  }
0x53: {  	[spmem:s3] =	stream.indirect.scatter.add.f32 [tilespmem:s13], [sflag:$0x2], $0x80, s15, s12, $0xb8;
	[tilespmem:$0x18180] =	vst v63  }
0x54: {  	_ =	swait.ge [sflag:s11], $0x4000  }
0x55: {  	s16 =	sadd.s32 $0x1, s16;
	[sflag:s11] =	ssyncset.done $0x0  }
0x56: {  	p0 =	sne.s32 s16, s8;
	[sflag:s11] =	ssyncadd.s32 $0xFFFFC000  }
.Ltmp1:
0x57: {  	[bflag:$0x0] =	sbarrier.arrive $0xFFFF;
	(pc) =	sbr.rel @p0 .LBB2_1-.Ltmp1, $4  }
0x58: {  	[hbm:s7], [sflag:s6] =	dma.local [spmem:s10], $0x2800  }
0x59: {  	_ =	swait.ge [sflag:s11], $0x2800  }
0x5a: {  	[sflag:s11] =	ssyncset.done $0x0  }
0x5b: {  	[sflag:s11] =	ssyncadd.s32 $0xFFFFD800  }
0x5c: {  	_ =	sfence.sel $0x180000  }
0x5d: {  	[bflag:$0x0] =	sbarrier.arrive $0xFFFF  }
0x5e: {  	p0 =	sne.s32 s2, $0x0;
	_ =	strace $0x90000050  }
0x5f: {  	s0 =	sadd.s32 @!p0 $0x100000, s1;
	[bflag:$0x2] =	sbarrier.arrive $0xFFFF  }
0x60: {  	[sflag:s0] =	ssyncadd.tile.s32 @!p0 $0x1;
	_ =	shalt  }
.Lfunc_end2:
_tile_overlayer_lowered:
.L_overlay_start_2:
0x61: {  	(tag) =	ssettag $0x2  }
0x62: {  	s0 =	rddreg [dreg:$0x0];
	s2 =	stileid.u32  }
0x63: {  	s1 =	rddreg [dreg:$0x1];
	p0 =	sne.s32 s2, $0x0  }
0x64: {  	s3 =	rddreg [dreg:$0x2];
	[bflag:$0x3] =	sbarrier.arrive $0xFFFF;
	s2 =	simm.s32 @!p0 $0x1C02  }
0x65: {  	[timem:s3], [sflag:s2] =	dma.local @!p0 [hbm:s0], s1  }
0x66: {  	s0 =	simm.s32 @!p0 $0x2  }
0x67: {  	_ =	swait.ge @!p0 [sflag:s0], s1  }
0x68: {  	s1 =	ssub.s32 @!p0 $0x0, s1;
	[sflag:s0] =	ssyncset.done @!p0 $0x0  }
0x69: {  	[sflag:s0] =	ssyncadd.s32 @!p0 s1  }
0x6a: {  	[bflag:$0x3] =	sbarrier.arrive $0xFFFF  }
0x6b: {  	_ =	shalt  }

// kernel: kernel.25.cloned.1.call-start
scs
__scs_entry_jumppad:
0x0: {  	(pc) =	sbr.rel $0x88, $3  }
0x1: {  	(tag) =	ssettag $0x0;
	lr =	simm.s32 $0x1  }
0x2: {  	[smem:$0x3F98] =	sst lr;
	_ =	strace $0xD0000000  }
0x3: {  	_ = 	snop  }
0x4: {  	_ = 	snop  }
0x5: {  	_ = 	snop  }
0x6: {  	_ = 	snop  }
0x7: {  	_ = 	snop  }
__scs_overlays_trampoline_lowered:
0x8: {  	[smem:$0x3FA7] =	sst s0  }
0x9: {  	[smem:$0x3FA8] =	sst s1  }
0xa: {  	[smem:$0x3FA9] =	sst s2  }
0xb: {  	[smem:$0x3FAA] =	sst s3  }
0xc: {  	[smem:$0x3FAB] =	sst s4  }
0xd: {  	[smem:$0x3FAC] =	sst s5  }
0xe: {  	[smem:$0x3FAD] =	sst s6  }
0xf: {  	[smem:$0x3FAE] =	sst s7  }
0x10: {  	[smem:$0x3FAF] =	sst s8  }
0x11: {  	[smem:$0x3FB0] =	sst s9;
	s0 =	simm.s32 @!p0 $0x0  }
0x12: {  	s1 =	sld [smem:$0x3F96];
	s0 =	simm.s32 @p0 $0x1  }
0x13: {  	[smem:$0x3FB1] =	sst s0;
	s0 =	simm.s32 @!p1 $0x0  }
0x14: {  	s2 =	sld [smem:$0x3F95];
	s0 =	simm.s32 @p1 $0x1  }
0x15: {  	[smem:$0x3FB2] =	sst s0;
	s0 =	simm.s32 @!p2 $0x0  }
0x16: {  	s3 =	sld [smem:$0x3FDB];
	s0 =	simm.s32 @p2 $0x1  }
0x17: {  	s4 =	simm.s32 $0x1BF5;
	[smem:$0x3FB4] =	sst s0  }
0x18: {  	s0 =	sld [smem:$0x3F97];
	_ =	swait.ge [sflag:s4], $0x0  }
0x19: {  	s7 =	sld [smem:$0x3F98]  }
0x1a: {  	s8 =	sadd.s32 $0xFFFFE003, lr  }
0x1b: {  	s9 =	sadd.s32 $0xFFFFFEF7, lr;
	s5 =	simm.s32 $0xFFFFFFFF;
	p2 =	slt.u32 s8, $0xFFFFF086  }
0x1c: {  	p1 =	slt.u32 s9, $0xF7A;
	s5 =	simm.s32 @!p2 $0x0  }
0x1d: {  	s5 =	simm.s32 @p1 $0x1;
	p0 =	seq.s32 s7, s2  }
0x1e: {  	s7 =	smul.u32 @!p0 $0xF7A, s2;
	p2 =	seq.s32 @!p0 s5, $0x0  }
0x1f: {  	s9 =	smul.u32 $0xF7A, s1;
	s8 =	simm.s32 @!p0 $0x1BF5;
	p2 =	por !p2, p0  }
0x20: {  	[sflag:s8] =	ssyncset.s32 @!p0 $0xFFFFF086;
	s6 =	sadd.s32 @!p0 s3, s7;
	s7 =	simm.s32 @!p0 $0x108  }
0x21: {  	s3 =	sadd.s32 s3, s9;
	s6 =	sadd.s32 @!p0 $0x88, s6;
	s7 =	simm.s32 @p2 $0x1082  }
0x22: {  	[simem:s7], [sflag:s8] =	dma.local @!p0 [hbm:s6], $0xF7A  }
0x23: {  	s9 =	sor.u32 $0xD0000000, s2;
	s6 =	simm.s32 $0x108;
	_ =	swait.ge @!p0 [sflag:s8], $0x0  }
0x24: {  	s3 =	sadd.s32 $0x88, s3;
	s6 =	simm.s32 @!p1 $0x1082;
	[sflag:s4] =	ssyncset.s32 $0xFFFFF086  }
0x25: {  	[simem:s6], [sflag:s4] =	dma.local [hbm:s3], $0xF7A  }
0x26: {  	[smem:$0x3F98] =	sst s1;
	(tag) =	ssettag s2;
	_ =	strace s9  }
0x27: {  	s1 =	sld [smem:$0x3FA8]  }
0x28: {  	s2 =	sld [smem:$0x3FA9]  }
0x29: {  	s4 =	sld [smem:$0x3FAB]  }
0x2a: {  	p0 =	seq.s32 s5, $0x0;
	s5 =	sld [smem:$0x3FAC]  }
0x2b: {  	s6 =	sld [smem:$0x3FAD]  }
0x2c: {  	s7 =	sld [smem:$0x3FAE]  }
0x2d: {  	s3 =	simm.s32 $0x108;
	s8 =	sld [smem:$0x3FAF]  }
0x2e: {  	s3 =	simm.s32 @!p0 $0x1082;
	s9 =	sld [smem:$0x3FB0]  }
0x2f: {  	lr =	sadd.s32 s0, s3;
	s0 =	sld [smem:$0x3FA7]  }
0x30: {  	s3 =	sld [smem:$0x3FAA]  }
0x31: {  	[smem:$0x3FB3] =	sst s10  }
0x32: {  	s10 =	sld [smem:$0x3FB1];
	_ =	sdelay $0x3  }
0x33: {  	p0 =	seq.s32 s10, $0x1;
	s10 =	sld [smem:$0x3FB3];
	_ =	sdelay $0x3  }
0x34: {  	[smem:$0x3FB3] =	sst s10  }
0x35: {  	s10 =	sld [smem:$0x3FB2];
	_ =	sdelay $0x3  }
0x36: {  	p1 =	seq.s32 s10, $0x1;
	s10 =	sld [smem:$0x3FB3];
	_ =	sdelay $0x3  }
0x37: {  	[smem:$0x3FB3] =	sst s10  }
0x38: {  	s10 =	sld [smem:$0x3FB4]  }
0x39: {  	_ = 	snop;
	(pc) =	sbr.ind lr, $3  }
0x3a: {  	_ = 	snop  }
0x3b: {  	_ = 	snop  }
0x3c: {  	p2 =	seq.s32 s10, $0x1;
	s10 =	sld [smem:$0x3FB3]  }
0x3d: {  	_ =	shalt  }
0x3e: {  	_ =	shalt  }
0x3f: {  	_ =	shalt  }
0x40: {  	_ =	shalt  }
0x41: {  	_ =	shalt  }
0x42: {  	_ =	shalt  }
0x43: {  	_ =	shalt  }
0x44: {  	_ =	shalt  }
0x45: {  	_ =	shalt  }
0x46: {  	_ =	shalt  }
0x47: {  	_ =	shalt  }
0x48: {  	_ =	shalt  }
0x49: {  	_ =	shalt  }
0x4a: {  	_ =	shalt  }
0x4b: {  	_ =	shalt  }
0x4c: {  	_ =	shalt  }
0x4d: {  	_ =	shalt  }
0x4e: {  	_ =	shalt  }
0x4f: {  	_ =	shalt  }
0x50: {  	_ =	shalt  }
0x51: {  	_ =	shalt  }
0x52: {  	_ =	shalt  }
0x53: {  	_ =	shalt  }
0x54: {  	_ =	shalt  }
0x55: {  	_ =	shalt  }
0x56: {  	_ =	shalt  }
0x57: {  	_ =	shalt  }
0x58: {  	_ =	shalt  }
0x59: {  	_ =	shalt  }
0x5a: {  	_ =	shalt  }
0x5b: {  	_ =	shalt  }
0x5c: {  	_ =	shalt  }
0x5d: {  	_ =	shalt  }
0x5e: {  	_ =	shalt  }
0x5f: {  	_ =	shalt  }
0x60: {  	_ =	shalt  }
0x61: {  	_ =	shalt  }
0x62: {  	_ =	shalt  }
0x63: {  	_ =	shalt  }
0x64: {  	_ =	shalt  }
0x65: {  	_ =	shalt  }
0x66: {  	_ =	shalt  }
0x67: {  	_ =	shalt  }
0x68: {  	_ =	shalt  }
0x69: {  	_ =	shalt  }
0x6a: {  	_ =	shalt  }
0x6b: {  	_ =	shalt  }
0x6c: {  	_ =	shalt  }
0x6d: {  	_ =	shalt  }
0x6e: {  	_ =	shalt  }
0x6f: {  	_ =	shalt  }
0x70: {  	_ =	shalt  }
0x71: {  	_ =	shalt  }
0x72: {  	_ =	shalt  }
0x73: {  	_ =	shalt  }
0x74: {  	_ =	shalt  }
0x75: {  	_ =	shalt  }
0x76: {  	_ =	shalt  }
0x77: {  	_ =	shalt  }
0x78: {  	_ =	shalt  }
0x79: {  	_ =	shalt  }
0x7a: {  	_ =	shalt  }
0x7b: {  	_ =	shalt  }
0x7c: {  	_ =	shalt  }
0x7d: {  	_ =	shalt  }
0x7e: {  	_ =	shalt  }
0x7f: {  	_ =	shalt  }
0x80: {  	_ =	shalt  }
0x81: {  	_ =	shalt  }
0x82: {  	_ =	shalt  }
0x83: {  	_ =	shalt  }
0x84: {  	_ =	shalt  }
0x85: {  	_ =	shalt  }
0x86: {  	_ =	shalt  }
0x87: {  	_ =	shalt  }
.Lfunc_end0:
.L_simem_size_0:
called_computation.4_lowered:
.L_overlay_start_0:
0x88: {  	s2 =	sld [smem:$0x3FD9]  }
0x89: {  	s3 =	sld [smem:$0x3FFE];
	_ =	sdelay $0x1  }
0x8a: {  	s1 =	srdreg.scid  }
0x8b: {  	s0 =	sand.u32 $0x1, s1  }
0x8c: {  	s17 =	sshll.u32 s0, $0xA;
	s2 =	sadd.s32 s3, s2  }
0x8d: {  	s2 =	sadd.s32 s2, s17  }
0x8e: {  	[smem:$0x3FBF] =	sst s2  }
0x8f: {  	_ = 	snop  }
0x90: {  	s2 =	sld [smem:$0x3FD0];
	(tm) =	ssettm $0x1  }
0x91: {  	s18 =	sld [smem:$0x3FFB];
	_ =	sdelay $0x3  }
0x92: {  	_ =	strace s18  }
0x93: {  	s3 =	sld [smem:$0x3FFC];
	_ =	sdelay $0x3  }
0x94: {  	_ =	strace s3  }
0x95: {  	s3 =	sld [smem:$0x3FFD];
	_ =	sdelay $0x3  }
0x96: {  	_ =	strace s3  }
0x97: {  	_ =	strace $0x8FFFFFFF  }
0x98: {  	s19 =	sld [smem:$0x3FDB];
	_ =	sdelay $0x1  }
0x99: {  	s4 =	simm.s32 $_scs_section_size  }
0x9a: {  	s5 =	simm.s32 $_size__tile_overlayer_lowered;
	s6 =	simm.s32 $_tile_overlayer_lowered  }
0x9b: {  	s22 =	simm.s32 $0x1BFF;
	s21 =	sshll.u32 s6, $0x1;
	s3 =	sadd.s32 s4, s19  }
0x9c: {  	s7 =	simm.s32 $0x0;
	s20 =	sshll.u32 s5, $0x1;
	s5 =	sadd.s32 s21, s3  }
0x9d: {  	[timem:s7], [sflag:s22] =	dma.local [hbm:s5], s20  }
0x9e: {  	_ =	swait.ge [sflag:s22], s20  }
0x9f: {  	s4 =	ssub.s32 $0x0, s20;
	[sflag:s22] =	ssyncset.done $0x0  }
0xa0: {  	[sflag:s22] =	ssyncadd.s32 s4;
	_ =	sdelay $0x1  }
0xa1: {  	s23 =	simm.s32 $0x1B8B  }
0xa2: {  	_ =	swait.ge [sflag:s23], $0x1  }
0xa3: {  	[sflag:s23] =	ssyncset.done $0x0  }
0xa4: {  	s25 =	simm.s32 $0x1B8E;
	s24 =	sld [smem:$0x3FFE];
	[sflag:s23] =	ssyncadd.s32 $0xFFFFFFFF  }
0xa5: {  	s26 =	simm.s32 $execute0_lowered;
	[smem:$0x3FD2] =	sst s25  }
0xa6: {  	s5 =	sshll.u32 s26, $0x1;
	_ =	strace $0x80000052;
	[dreg:$0x1] =	wrdreg $0xFFFFFFFF  }
0xa7: {  	s28 =	simm.s32 $_size_execute0_lowered;
	s3 =	sadd.s32 s3, s5;
	[dreg:$0x0] =	wrdreg $0x0  }
0xa8: {  	s5 =	sshll.u32 s28, $0x1;
	[dreg:$0x2] =	wrdreg s3  }
0xa9: {  	[dreg:$0x3] =	wrdreg s5  }
0xaa: {  	[dreg:$0x4] =	wrdreg $0xC0  }
0xab: {  	_ =	task [dreg:s7], $0x5FFFF  }
0xac: {  	[dreg:$0x1] =	wrdreg $0xFFFFFFFF  }
0xad: {  	[dreg:$0x0] =	wrdreg $0x60  }
0xae: {  	[dreg:$0x2] =	wrdreg s2  }
0xaf: {  	[dreg:$0x3] =	wrdreg s24  }
0xb0: {  	[dreg:$0x4] =	wrdreg $0x41800  }
0xb1: {  	[dreg:$0x5] =	wrdreg $0x9  }
0xb2: {  	_ =	task.clear_ibuf [dreg:s7], $0x6FFFF;
	_ =	strace $0x90000052  }
0xb3: {  	s29 =	simm.s32 $0x9;
	_ =	strace $0x80000054  }
0xb4: {  	_ =	swait.ge [sflag:s29], $0x1  }
0xb5: {  	[sflag:s29] =	ssyncadd.s32 $0xFFFFFFFF  }
0xb6: {  	_ =	strace $0x90000054  }
0xb7: {  	_ =	sfence  }
0xb8: {  	s30 =	sld [smem:$0x0];
	_ =	sdelay $0x2  }
0xb9: {  	s31 =	sshll.u32 s1, $0xD;
	s1 =	sshrl.u32 s1, $0x2  }
0xba: {  	s3 =	sand.u32 $0x4000, s31;
	s1 =	sadd.s32 s1, s30  }
0xbb: {  	s0 =	sor.u32 s3, s0;
	s1 =	sshll.u32 s1, $0x11  }
0xbc: {  	s0 =	sor.u32 s1, s0  }
0xbd: {  	s0 =	sadd.s32 $0x8F2B, s0  }
0xbe: {  	[sflag:s0] =	ssyncadd.remote.s32 $0x1  }
0xbf: {  	_ =	sfence.sel $0xFFFF  }
0xc0: {  	[dreg:$0x0] =	wrdreg $0xFFFFFFFF;
	(pc) =	sbr.abs _section_cstart, $3  }
0xc1: {  	[dreg:$0x1] =	wrdreg $0xFFFFFFFF  }
0xc2: {  	_ =	task.clear_ibuf [dreg:s7], $0x2FFFF;
	_ =	strace $0x9FFFFFFF  }
0xc3: {  	(tm) =	ssettm $0x7FFFFFFF  }
tec
execute0_lowered:
.L_overlay_start_1:
0x0: {  	(tag) =	ssettag $0x1  }
0x1: {  	s0 =	rddreg [dreg:$0x0]  }
0x2: {  	s6 =	rddreg [dreg:$0x1];
	s1 =	srdreg.scid  }
0x3: {  	s3 =	rddreg [dreg:$0x2];
	s2 =	stileid.u32  }
0x4: {  	s4 =	simm.s32 $0x0;
	s13 =	simm.s32 $0x180;
	s14 =	simm.s32 $0x1  }
0x5: {  	s15 =	simm.s32 $0x100;
	s16 =	simm.s32 $0x0;
	s8 =	smul.u32 $0x14000, s2  }
0x6: {  	s7 =	sand.u32 $0x1, s1;
	s1 =	rddreg [dreg:$0x3];
	s9 =	smul.u32 $0x9E0, s2  }
0x7: {  	[smem:$0x7FF] =	sst s4;
	s10 =	smul.u32 $0x50000, s2;
	s30 =	sshll.u32 s2, $0x6  }
0x8: {  	s5 =	smul.u32 $0x140000, s7;
	_ =	strace $0x80000053;
	s29 =	ssub.s32 $0x2, s7  }
0x9: {  	s12 =	smul.u32 $0x4F0, s7;
	s26 =	sadd.s32 s9, s6;
	s11 =	sshrl.u32 s29, $0x1  }
0xa: {  	s10 =	sshrl.u32 s10, $0x2;
	s5 =	sadd.s32 s8, s5;
	s11 =	ssub.s32 s29, s11  }
0xb: {  	s10 =	sadd.s32 s10, s3;
	s31 =	sadd.s32 s12, s26;
	s12 =	simm.s32 $0x80  }
0xc: {  	s28 =	sshrl.u32 s5, $0x3;
	s5 =	sadd.s32 $0xE400, s6;
	s8 =	smax.u32 s11, $0x1  }
0xd: {  	s10 =	sshrl.u32 s10, $0x3;
	s11 =	simm.s32 $0x2;
	s9 =	sadd.s32 s28, s6  }
0xe: {  	s6 =	sor.u32 $0x1C02, s30;
	s7 =	sadd.s32 $0x10C00, s9;
	s9 =	sadd.s32 $0x4600, s31  }
.LBB2_1:
0xf: {  	[spmem:s10], [sflag:s6] =	dma.local [hbm:s5], $0x2800  }
0x10: {  	_ =	swait.ge [sflag:s11], $0x2800  }
0x11: {  	[sflag:s11] =	ssyncset.done $0x0  }
0x12: {  	[sflag:s11] =	ssyncadd.s32 $0xFFFFD800  }
0x13: {  	s17 =	sadd.s32 $0x0, s9;
	[bflag:$0x0] =	sbarrier.arrive $0xFFFF  }
0x14: {  	[tilespmem:s4], [sflag:$0x2] =	stream.linear.gather [hbm4b:s17+s4], $0x80, $0x38;
	[tilespmem:$0x18180] =	vst v63  }
0x15: {  	_ =	swait.ge [sflag:s11], $0x80  }
0x16: {  	[sflag:s11] =	ssyncset.done $0x0  }
0x17: {  	[sflag:s11] =	ssyncadd.s32 $0xFFFFFF80  }
0x18: {  	v0 =	vld [tilespmem:$0x70];
	_ =	sdelay $0x1  }
0x19: {  	v1 =	vld [tilespmem:$0x60]  }
0x1a: {  	v2 =	vld [tilespmem:$0x20]  }
0x1b: {  	v6 =	vld [tilespmem:$0x30]  }
0x1c: {  	v4 =	vld [tilespmem:$0x0];
	v5 =	vand.u32 $0xFFFF, v0  }
0x1d: {  	v3 =	vld [tilespmem:$0x10];
	v0 =	vshra.s32 v0, $0x10;
	[tilespmem:$0xF0] =	vst v5  }
0x1e: {  	v8 =	vld [tilespmem:$0x50];
	v7 =	vand.u32 $0xFFFF, v1;
	[tilespmem:$0x170] =	vst v0  }
0x1f: {  	v1 =	vshra.s32 v1, $0x10;
	v5 =	vld [tilespmem:$0x40];
	[tilespmem:$0xE0] =	vst v7  }
0x20: {  	v9 =	vand.u32 $0xFFFF, v6;
	[tilespmem:$0x160] =	vst v1  }
0x21: {  	v10 =	vshra.s32 v4, $0x10;
	v0 =	vand.u32 $0xFFFF, v2;
	[tilespmem:$0xB0] =	vst v9  }
0x22: {  	v7 =	vshra.s32 v2, $0x10;
	v2 =	vshra.s32 v3, $0x10;
	v1 =	vand.u32 $0xFFFF, v4;
	[tilespmem:$0x100] =	vst v10  }
0x23: {  	v4 =	vshra.s32 v6, $0x10;
	v6 =	vand.u32 $0xFFFF, v8;
	[tilespmem:$0xA0] =	vst v0;
	v0 =	vand.u32 $0xFFFF, v3  }
0x24: {  	s17 =	simm.s32 $0x10;
	[tilespmem:$0x120] =	vst v7;
	v7 =	vshra.s32 v8, $0x10;
	v3 =	vand.u32 $0xFFFF, v5;
	v5 =	vshra.s32 v5, $0x10  }
.LBB2_2:
0x25: {  	p0 =	sne.s32 s17, $0x4E0;
	[tilespmem:$0x150] =	vst v7;
	s18 =	smov.u32 s17;
	s17 =	sadd.s32 $0x10, s17  }
0x26: {  	[tilespmem:$0x110] =	vst v2  }
0x27: {  	[tilespmem:$0xD0] =	vst v6  }
0x28: {  	[tilespmem:$0x130] =	vst v4  }
0x29: {  	[tilespmem:$0x90] =	vst v0  }
0x2a: {  	[tilespmem:$0x140] =	vst v5  }
0x2b: {  	[tilespmem:$0x80] =	vst v1  }
0x2c: {  	[tilespmem:$0xC0] =	vst v3  }
0x2d: {  	[tilespmem:s13], [sflag:$0x1] =	stream.indirect.gather [hbm4b:s0+s12], $0x80, s12, s12, $0xb8;
	[tilespmem:$0x18180] =	vst v63  }
0x2e: {  	_ =	swait.ge [sflag:s14], $0x4000  }
0x2f: {  	[sflag:s14] =	ssyncset.done $0x0  }
0x30: {  	[sflag:s14] =	ssyncadd.s32 $0xFFFFC000  }
0x31: {  	[spmem:s3] =	stream.indirect.scatter.add.f32 [tilespmem:s13], [sflag:$0x2], $0x80, s15, s12, $0xb8;
	[tilespmem:$0x18180] =	vst v63  }
0x32: {  	_ =	swait.ge [sflag:s11], $0x4000  }
0x33: {  	[sflag:s11] =	ssyncset.done $0x0  }
0x34: {  	s18 =	sadd.s32 s18, s9;
	[sflag:s11] =	ssyncadd.s32 $0xFFFFC000  }
0x35: {  	[tilespmem:s4], [sflag:$0x2] =	stream.linear.gather [hbm4b:s18+s4], $0x80, $0x38;
	[tilespmem:$0x18180] =	vst v63  }
0x36: {  	_ =	swait.ge [sflag:s11], $0x80  }
0x37: {  	[sflag:s11] =	ssyncset.done $0x0  }
0x38: {  	[sflag:s11] =	ssyncadd.s32 $0xFFFFFF80  }
0x39: {  	v0 =	vld [tilespmem:$0x70]  }
0x3a: {  	v1 =	vld [tilespmem:$0x60]  }
0x3b: {  	v2 =	vld [tilespmem:$0x10]  }
0x3c: {  	v3 =	vld [tilespmem:$0x20]  }
0x3d: {  	v4 =	vld [tilespmem:$0x0]  }
0x3e: {  	v5 =	vld [tilespmem:$0x30];
	v6 =	vand.u32 $0xFFFF, v0;
	v0 =	vshra.s32 v0, $0x10  }
0x3f: {  	v7 =	vld [tilespmem:$0x40];
	v8 =	vand.u32 $0xFFFF, v1;
	v9 =	vshra.s32 v1, $0x10;
	[tilespmem:$0xF0] =	vst v6  }
0x40: {  	v10 =	vld [tilespmem:$0x50];
	[tilespmem:$0x170] =	vst v0  }
0x41: {  	v0 =	vand.u32 $0xFFFF, v2;
	v2 =	vshra.s32 v2, $0x10;
	v6 =	vand.u32 $0xFFFF, v3;
	[tilespmem:$0xE0] =	vst v8  }
.Ltmp0:
0x42: {  	v3 =	vshra.s32 v3, $0x10;
	v1 =	vand.u32 $0xFFFF, v4;
	v8 =	vshra.s32 v4, $0x10;
	[tilespmem:$0xA0] =	vst v6;
	(pc) =	sbr.rel @p0 .LBB2_2-.Ltmp0, $4  }
0x43: {  	v6 =	vand.u32 $0xFFFF, v5;
	v4 =	vshra.s32 v5, $0x10;
	[tilespmem:$0x160] =	vst v9  }
0x44: {  	[tilespmem:$0x120] =	vst v3;
	v3 =	vand.u32 $0xFFFF, v7;
	v5 =	vshra.s32 v7, $0x10  }
0x45: {  	[tilespmem:$0xB0] =	vst v6;
	v6 =	vand.u32 $0xFFFF, v10;
	v7 =	vshra.s32 v10, $0x10  }
0x46: {  	[tilespmem:$0x100] =	vst v8  }
0x47: {  	[tilespmem:$0x150] =	vst v7  }
0x48: {  	[tilespmem:$0x110] =	vst v2  }
0x49: {  	[tilespmem:$0xD0] =	vst v6  }
0x4a: {  	[tilespmem:$0x130] =	vst v4  }
0x4b: {  	[tilespmem:$0x90] =	vst v0  }
0x4c: {  	[tilespmem:$0x140] =	vst v5  }
0x4d: {  	[tilespmem:$0x80] =	vst v1  }
0x4e: {  	[tilespmem:$0xC0] =	vst v3  }
0x4f: {  	[tilespmem:s13], [sflag:$0x1] =	stream.indirect.gather [hbm4b:s0+s12], $0x80, s12, s12, $0xb8;
	[tilespmem:$0x18180] =	vst v63  }
0x50: {  	_ =	swait.ge [sflag:s14], $0x4000  }
0x51: {  	[sflag:s14] =	ssyncset.done $0x0  }
0x52: {  	[sflag:s14] =	ssyncadd.s32 $0xFFFFC000  }
0x53: {  	[spmem:s3] =	stream.indirect.scatter.add.f32 [tilespmem:s13], [sflag:$0x2], $0x80, s15, s12, $0xb8;
	[tilespmem:$0x18180] =	vst v63  }
0x54: {  	_ =	swait.ge [sflag:s11], $0x4000  }
0x55: {  	s16 =	sadd.s32 $0x1, s16;
	[sflag:s11] =	ssyncset.done $0x0  }
0x56: {  	p0 =	sne.s32 s16, s8;
	[sflag:s11] =	ssyncadd.s32 $0xFFFFC000  }
.Ltmp1:
0x57: {  	[bflag:$0x0] =	sbarrier.arrive $0xFFFF;
	(pc) =	sbr.rel @p0 .LBB2_1-.Ltmp1, $4  }
0x58: {  	[hbm:s7], [sflag:s6] =	dma.local [spmem:s10], $0x2800  }
0x59: {  	_ =	swait.ge [sflag:s11], $0x2800  }
0x5a: {  	[sflag:s11] =	ssyncset.done $0x0  }
0x5b: {  	[sflag:s11] =	ssyncadd.s32 $0xFFFFD800  }
0x5c: {  	_ =	sfence.sel $0x180000  }
0x5d: {  	[bflag:$0x0] =	sbarrier.arrive $0xFFFF  }
0x5e: {  	p0 =	sne.s32 s2, $0x0;
	_ =	strace $0x90000053  }
0x5f: {  	s0 =	sadd.s32 @!p0 $0x100000, s1;
	[bflag:$0x2] =	sbarrier.arrive $0xFFFF  }
0x60: {  	[sflag:s0] =	ssyncadd.tile.s32 @!p0 $0x1;
	_ =	shalt  }
.Lfunc_end2:
_tile_overlayer_lowered:
.L_overlay_start_2:
0x61: {  	(tag) =	ssettag $0x2  }
0x62: {  	s0 =	rddreg [dreg:$0x0];
	s2 =	stileid.u32  }
0x63: {  	s1 =	rddreg [dreg:$0x1];
	p0 =	sne.s32 s2, $0x0  }
0x64: {  	s3 =	rddreg [dreg:$0x2];
	[bflag:$0x3] =	sbarrier.arrive $0xFFFF;
	s2 =	simm.s32 @!p0 $0x1C02  }
0x65: {  	[timem:s3], [sflag:s2] =	dma.local @!p0 [hbm:s0], s1  }
0x66: {  	s0 =	simm.s32 @!p0 $0x2  }
0x67: {  	_ =	swait.ge @!p0 [sflag:s0], s1  }
0x68: {  	s1 =	ssub.s32 @!p0 $0x0, s1;
	[sflag:s0] =	ssyncset.done @!p0 $0x0  }
0x69: {  	[sflag:s0] =	ssyncadd.s32 @!p0 s1  }
0x6a: {  	[bflag:$0x3] =	sbarrier.arrive $0xFFFF  }
0x6b: {  	_ =	shalt  }

</sc_bundles>
